<compile_context>
chip_gen: v7x
topology: tpu7x:2x2x1
jax: 0.10.2.dev20260603
libtpu: 0.0.44.dev20260713+nightly
codegen_flags: <defaults>
</compile_context>

<pallas_src>
import functools

import jax
import jax.numpy as jnp
from jax import lax
from jax.experimental import pallas as pl
from jax.experimental.pallas import tpu as pltpu
from jax.experimental.pallas import tpu_sc as plsc

B, A, D, F, FB, C = 128, 512, 8, 64, 16, 64

NUM_CORES = 2
NUM_SUBCORES = 16
NUM_WORKERS = NUM_CORES * NUM_SUBCORES


def _tree_sum(g):
    while len(g) > 1:
        g = [g[i] + g[i + 1] for i in range(0, len(g) - 1, 2)] \
            + ([g[-1]] if len(g) & 1 else [])
    return g[0]


def _gather_body(spw, table_hbm, edges_hbm, out_hbm,
                 tab0, tab1, edg0, edg1, out_v,
                 sem_t0, sem_e0, sem_t1, sem_e1):
    wid = lax.axis_index("s") * NUM_CORES + lax.axis_index("c")

    tabs = (tab0, tab1)
    edgs = (edg0, edg1)
    sems = ((sem_t0, sem_e0), (sem_t1, sem_e1))

    for t in tabs:
        for j in range(F // 16):
            t[A, pl.ds(j * 16, 16)] = jnp.zeros((16,), jnp.float32)

    def stage(s, slot):
        b = wid * spw + s
        ct = pltpu.async_copy(table_hbm.at[b], tabs[slot].at[pl.ds(0, A)],
                              sems[slot][0])
        ce = pltpu.async_copy(edges_hbm.at[b], edgs[slot], sems[slot][1])
        return (ct, ce)

    cps = stage(0, 0)
    for s in range(spw):
        slot = s & 1
        tab, edg = tabs[slot], edgs[slot]
        for c in cps:
            c.wait()
        if s + 1 < spw:
            cps = stage(s + 1, slot ^ 1)

        def per_pair(p, _):
            ev = edg[pl.ds(p * 16, 16)]
            for k in range(2):
                a = p * 2 + k
                rows = []
                for d in range(D):
                    e = ev[k * D + d]
                    rows.append(jnp.where(e < 0, A, e))
                for j in range(F // 16):
                    off = pl.ds(j * 16, 16)
                    g = [tab[a, off]]
                    g += [tab[rows[d], off] for d in range(D)]
                    out_v[a, off] = _tree_sum(g)
            return 0

        lax.fori_loop(0, A // 2, per_pair, 0)
        b = wid * spw + s
        pltpu.sync_copy(out_v, out_hbm.at[b])


@functools.cache
def _sc_gather(nb):
    spw = nb // NUM_WORKERS
    return functools.partial(
        pl.kernel,
        mesh=plsc.VectorSubcoreMesh(core_axis_name="c", subcore_axis_name="s"),
        compiler_params=pltpu.CompilerParams(
            use_tc_tiling_on_sc=False, needs_layout_passes=False),
        out_type=jax.ShapeDtypeStruct((nb, A, F), jnp.float32),
        scratch_types=[
            pltpu.VMEM((A + 1, F), jnp.float32),
            pltpu.VMEM((A + 1, F), jnp.float32),
            pltpu.VMEM((A * D,), jnp.int32),
            pltpu.VMEM((A * D,), jnp.int32),
            pltpu.VMEM((A, F), jnp.float32),
            pltpu.SemaphoreType.DMA,
            pltpu.SemaphoreType.DMA,
            pltpu.SemaphoreType.DMA,
            pltpu.SemaphoreType.DMA,
        ],
    )(functools.partial(_gather_body, spw))


ROWS_BLK = 4096


def _dense_body(neigh_ref, bonds_ref, edges_ref, wa_ref, wb_ref,
                bias_ref, out_ref):
    z = jnp.dot(neigh_ref[...], wa_ref[...], preferred_element_type=jnp.float32)
    z = z + jnp.dot(bonds_ref[...], wb_ref[...],
                    preferred_element_type=jnp.float32)
    z = z + bias_ref[...]
    deg = jnp.sum((edges_ref[...] >= 0).astype(jnp.int32), axis=1, keepdims=True)
    acc = jnp.zeros((ROWS_BLK, C), jnp.float32)
    for d in range(D):
        acc = acc + jnp.where(deg == d, z[:, d * C:(d + 1) * C], 0.0)
    out_ref[...] = jnp.maximum(acc, 0.0)


def kernel(atoms, bonds, edges, W, b):
    edges_sc = edges.reshape(B, A * D)

    neigh = _sc_gather(B)(atoms, edges_sc).reshape(B * A, F)

    bonds_f = bonds.reshape(B * A, D * FB)
    edges_f = edges.reshape(B * A, D)
    wa = jnp.transpose(W[:, :F, :], (1, 0, 2)).reshape(F, D * C)
    wb = jnp.tile(jnp.transpose(W[:, F:, :], (1, 0, 2)).reshape(FB, D * C), (D, 1))
    bias = b.reshape(1, D * C)

    grid = (B * A // ROWS_BLK,)
    out = pl.pallas_call(
        _dense_body,
        grid=grid,
        in_specs=[
            pl.BlockSpec((ROWS_BLK, F), lambda i: (i, 0)),
            pl.BlockSpec((ROWS_BLK, D * FB), lambda i: (i, 0)),
            pl.BlockSpec((ROWS_BLK, D), lambda i: (i, 0)),
            pl.BlockSpec((F, D * C), lambda i: (0, 0)),
            pl.BlockSpec((D * FB, D * C), lambda i: (0, 0)),
            pl.BlockSpec((1, D * C), lambda i: (0, 0)),
        ],
        out_specs=pl.BlockSpec((ROWS_BLK, C), lambda i: (i, 0)),
        out_shape=jax.ShapeDtypeStruct((B * A, C), jnp.float32),
    )(neigh, bonds_f, edges_f, wa, wb, bias)

    return out.reshape(B, A, C)

# --- scband reference (transcript-rebuilt; emitter-appended) ---
"""Pipeline reference for scband-neural-graph-hidden-38912403702397 (READ-ONLY COPY).

The authoritative reference and input builder live on the scoring server;
editing this copy changes nothing except your own understanding.
"""

import jax, jax.numpy as jnp
import numpy as np

B, A, D, F, FB, C = 128, 512, 8, 64, 16, 64

def setup_inputs(seed: int = 0) -> dict:
    key = jax.random.key(seed)
    k1, k2, k3, k4, k5 = jax.random.split(key, 5)
    atoms = jax.random.normal(k1, (B, A, F), dtype=jnp.float32)
    bonds = jax.random.normal(k2, (B, A, D, FB), dtype=jnp.float32)
    # neighbor indices in [0, A); pad tail slots with -1 so atoms have degree in [0, D]
    raw_edges = jax.random.randint(k3, (B, A, D), 0, A)
    deg = jax.random.randint(k4, (B, A, 1), 0, D + 1)
    pos = jnp.arange(D)[None, None, :]
    edges = jnp.where(pos < deg, raw_edges, -1).astype(jnp.int32)
    # per-degree Dense(conv_width=C) weights over concat(atom_feats, bond_feats)
    W = (jax.random.normal(k5, (D, F + FB, C), dtype=jnp.float32) * 0.05)
    b = jnp.zeros((D, C), dtype=jnp.float32)
    return {"atoms": atoms, "bonds": bonds, "edges": edges, "W": W, "b": b}

def reference(atoms, bonds, edges, W, b):
    # atom_degrees = number of real (non -1) neighbors
    atom_degrees = jnp.sum((edges != -1).astype(jnp.int32), axis=-1, keepdims=True)  # [B, A, 1]
    masked_edges = edges + 1  # -1 padding -> index 0 of padded lookup
    # K.temporal_padding(atoms, padding=1): pad atom axis with one zero row on each side
    lookup = jnp.pad(atoms, ((0, 0), (1, 1), (0, 0)))  # [B, A+2, F]
    # parallel_gather: per-sample index of neighbor features
    neigh = jax.vmap(lambda ref, idx: ref[idx])(lookup, masked_edges)  # [B, A, D, F]
    summed_atom = jnp.sum(neigh, axis=-2) + atoms  # [B, A, F]
    summed_bond = jnp.sum(bonds, axis=-2)          # [B, A, FB]
    summed = jnp.concatenate([summed_atom, summed_bond], axis=-1)  # [B, A, F+FB]
    out = jnp.zeros((atoms.shape[0], atoms.shape[1], W.shape[-1]), dtype=atoms.dtype)
    for d in range(W.shape[0]):
        mask = (atom_degrees == d).astype(atoms.dtype)  # [B, A, 1]
        new_unmasked = jax.nn.relu(summed @ W[d] + b[d])  # TimeDistributed(Dense(C, relu))
        out = out + new_unmasked * mask
    return out

if __name__ == "__main__":
    import jax
    _d = setup_inputs()
    print(jax.jit(kernel)(*tuple(_d.values())))

</pallas_src>

<mosaic_0001>
#map = affine_map<(d0, d1) -> (0, 0, 0)>
#map1 = affine_map<(d0, d1) -> (0, 0)>
module attributes {stable_mosaic.version = 14 : i64} {
  func.func @_gather_body(%arg0: i32, %arg1: i32, %arg2: memref<128x512x64xf32, #tpu.memory_space<hbm>>, %arg3: memref<128x4096xi32, #tpu.memory_space<hbm>>, %arg4: memref<128x512x64xf32, #tpu.memory_space<hbm>>, %arg5: memref<513x64xf32, #tpu.memory_space<vmem>>, %arg6: memref<513x64xf32, #tpu.memory_space<vmem>>, %arg7: memref<4096xi32, #tpu.memory_space<vmem>>, %arg8: memref<4096xi32, #tpu.memory_space<vmem>>, %arg9: memref<512x64xf32, #tpu.memory_space<vmem>>, %arg10: memref<!tpu.dma_semaphore, #tpu.memory_space<semaphore_mem>>, %arg11: memref<!tpu.dma_semaphore, #tpu.memory_space<semaphore_mem>>, %arg12: memref<!tpu.dma_semaphore, #tpu.memory_space<semaphore_mem>>, %arg13: memref<!tpu.dma_semaphore, #tpu.memory_space<semaphore_mem>>) attributes {dimension_semantics = [#tpu.dimension_semantics<core_parallel>, #tpu.dimension_semantics<subcore_parallel>], iteration_bounds = array<i64: 2, 16>, scalar_prefetch = 0 : i64, scratch_operands = 9 : i64, tpu.core_type = #tpu.core_type<sc_vector_subcore>, window_params = [{transform_indices = #map}, {transform_indices = #map1}, {transform_indices = #map}]} {
    %mul3A = arith.constant 2 : i32
    %mul3A_0 = arith.muli %arg1, %mul3A : i32
    %add3A = arith.addi %mul3A_0, %arg0 : i32
    %broadcast_in_dim3A = arith.constant 0.000000e+00 : f32
    %broadcast_in_dim3A_1 = vector.broadcast %broadcast_in_dim3A : f32 to vector<16xf32>
    %swap3A = arith.constant 512 : i32
    %swap3A_2 = arith.index_cast %swap3A : i32 to index
    %swap3A_3 = arith.constant 0 : index
    %swap3A_4 = tpu.vector_load %arg5[%swap3A_2, %swap3A_3] {strides = array<i32>} : memref<513x64xf32, #tpu.memory_space<vmem>>, vector<16xf32>,
    tpu.vector_store %arg5[%swap3A_2, %swap3A_3], %broadcast_in_dim3A_1 {strides = array<i32>} : memref<513x64xf32, #tpu.memory_space<vmem>>, vector<16xf32>,
    %broadcast_in_dim3A_5 = arith.constant 0.000000e+00 : f32
    %broadcast_in_dim3A_6 = vector.broadcast %broadcast_in_dim3A_5 : f32 to vector<16xf32>
    %swap3A_7 = arith.constant 512 : i32
    %swap3A_8 = arith.index_cast %swap3A_7 : i32 to index
    %swap3A_9 = arith.constant 16 : index
    %swap3A_10 = tpu.vector_load %arg5[%swap3A_8, %swap3A_9] {strides = array<i32>} : memref<513x64xf32, #tpu.memory_space<vmem>>, vector<16xf32>,
    tpu.vector_store %arg5[%swap3A_8, %swap3A_9], %broadcast_in_dim3A_6 {strides = array<i32>} : memref<513x64xf32, #tpu.memory_space<vmem>>, vector<16xf32>,
    %broadcast_in_dim3A_11 = arith.constant 0.000000e+00 : f32
    %broadcast_in_dim3A_12 = vector.broadcast %broadcast_in_dim3A_11 : f32 to vector<16xf32>
    %swap3A_13 = arith.constant 512 : i32
    %swap3A_14 = arith.index_cast %swap3A_13 : i32 to index
    %swap3A_15 = arith.constant 32 : index
    %swap3A_16 = tpu.vector_load %arg5[%swap3A_14, %swap3A_15] {strides = array<i32>} : memref<513x64xf32, #tpu.memory_space<vmem>>, vector<16xf32>,
    tpu.vector_store %arg5[%swap3A_14, %swap3A_15], %broadcast_in_dim3A_12 {strides = array<i32>} : memref<513x64xf32, #tpu.memory_space<vmem>>, vector<16xf32>,
    %broadcast_in_dim3A_17 = arith.constant 0.000000e+00 : f32
    %broadcast_in_dim3A_18 = vector.broadcast %broadcast_in_dim3A_17 : f32 to vector<16xf32>
    %swap3A_19 = arith.constant 512 : i32
    %swap3A_20 = arith.index_cast %swap3A_19 : i32 to index
    %swap3A_21 = arith.constant 48 : index
    %swap3A_22 = tpu.vector_load %arg5[%swap3A_20, %swap3A_21] {strides = array<i32>} : memref<513x64xf32, #tpu.memory_space<vmem>>, vector<16xf32>,
    tpu.vector_store %arg5[%swap3A_20, %swap3A_21], %broadcast_in_dim3A_18 {strides = array<i32>} : memref<513x64xf32, #tpu.memory_space<vmem>>, vector<16xf32>,
    %broadcast_in_dim3A_23 = arith.constant 0.000000e+00 : f32
    %broadcast_in_dim3A_24 = vector.broadcast %broadcast_in_dim3A_23 : f32 to vector<16xf32>
    %swap3A_25 = arith.constant 512 : i32
    %swap3A_26 = arith.index_cast %swap3A_25 : i32 to index
    %swap3A_27 = arith.constant 0 : index
    %swap3A_28 = tpu.vector_load %arg6[%swap3A_26, %swap3A_27] {strides = array<i32>} : memref<513x64xf32, #tpu.memory_space<vmem>>, vector<16xf32>,
    tpu.vector_store %arg6[%swap3A_26, %swap3A_27], %broadcast_in_dim3A_24 {strides = array<i32>} : memref<513x64xf32, #tpu.memory_space<vmem>>, vector<16xf32>,
    %broadcast_in_dim3A_29 = arith.constant 0.000000e+00 : f32
    %broadcast_in_dim3A_30 = vector.broadcast %broadcast_in_dim3A_29 : f32 to vector<16xf32>
    %swap3A_31 = arith.constant 512 : i32
    %swap3A_32 = arith.index_cast %swap3A_31 : i32 to index
    %swap3A_33 = arith.constant 16 : index
    %swap3A_34 = tpu.vector_load %arg6[%swap3A_32, %swap3A_33] {strides = array<i32>} : memref<513x64xf32, #tpu.memory_space<vmem>>, vector<16xf32>,
    tpu.vector_store %arg6[%swap3A_32, %swap3A_33], %broadcast_in_dim3A_30 {strides = array<i32>} : memref<513x64xf32, #tpu.memory_space<vmem>>, vector<16xf32>,
    %broadcast_in_dim3A_35 = arith.constant 0.000000e+00 : f32
    %broadcast_in_dim3A_36 = vector.broadcast %broadcast_in_dim3A_35 : f32 to vector<16xf32>
    %swap3A_37 = arith.constant 512 : i32
    %swap3A_38 = arith.index_cast %swap3A_37 : i32 to index
    %swap3A_39 = arith.constant 32 : index
    %swap3A_40 = tpu.vector_load %arg6[%swap3A_38, %swap3A_39] {strides = array<i32>} : memref<513x64xf32, #tpu.memory_space<vmem>>, vector<16xf32>,
    tpu.vector_store %arg6[%swap3A_38, %swap3A_39], %broadcast_in_dim3A_36 {strides = array<i32>} : memref<513x64xf32, #tpu.memory_space<vmem>>, vector<16xf32>,
    %broadcast_in_dim3A_41 = arith.constant 0.000000e+00 : f32
    %broadcast_in_dim3A_42 = vector.broadcast %broadcast_in_dim3A_41 : f32 to vector<16xf32>
    %swap3A_43 = arith.constant 512 : i32
    %swap3A_44 = arith.index_cast %swap3A_43 : i32 to index
    %swap3A_45 = arith.constant 48 : index
    %swap3A_46 = tpu.vector_load %arg6[%swap3A_44, %swap3A_45] {strides = array<i32>} : memref<513x64xf32, #tpu.memory_space<vmem>>, vector<16xf32>,
    tpu.vector_store %arg6[%swap3A_44, %swap3A_45], %broadcast_in_dim3A_42 {strides = array<i32>} : memref<513x64xf32, #tpu.memory_space<vmem>>, vector<16xf32>,
    %mul3A_47 = arith.constant 4 : i32
    %mul3A_48 = arith.muli %add3A, %mul3A_47 : i32
    %add3A_49 = arith.constant 0 : i32
    %add3A_50 = arith.addi %mul3A_48, %add3A_49 : i32
    %dma_start3A = arith.constant 0 : i32
    %dma_start3A_51 = arith.constant 0 : i32
    %dma_start3A_52 = tpu.memref_slice %arg5[%dma_start3A, %dma_start3A_51] : memref<513x64xf32, #tpu.memory_space<vmem>> -> memref<512x64xf32, #tpu.memory_space<vmem>>
    %dma_start3A_53 = arith.constant 0 : i32
    %dma_start3A_54 = arith.constant 0 : i32
    %dma_start3A_55 = tpu.memref_slice %arg2[%add3A_50, %dma_start3A_53, %dma_start3A_54] : memref<128x512x64xf32, #tpu.memory_space<hbm>> -> memref<1x512x64xf32, #tpu.memory_space<hbm>>
    %dma_start3A_56 = tpu.memref_squeeze %dma_start3A_55 : memref<1x512x64xf32, #tpu.memory_space<hbm>> -> memref<512x64xf32, #tpu.memory_space<hbm>>
    %dma_start3A_57 = arith.constant 0 : i32
    %dma_start3A_58 = arith.constant 0 : i32
    %dma_start3A_59 = tpu.memref_slice %arg5[%dma_start3A_57, %dma_start3A_58] : memref<513x64xf32, #tpu.memory_space<vmem>> -> memref<512x64xf32, #tpu.memory_space<vmem>>
    %dma_start3A_60 = arith.constant 0 : i32
    %dma_start3A_61 = arith.constant 0 : i32
    %dma_start3A_62 = tpu.memref_slice %arg2[%add3A_50, %dma_start3A_60, %dma_start3A_61] : memref<128x512x64xf32, #tpu.memory_space<hbm>> -> memref<1x512x64xf32, #tpu.memory_space<hbm>>
    %dma_start3A_63 = tpu.memref_squeeze %dma_start3A_62 : memref<1x512x64xf32, #tpu.memory_space<hbm>> -> memref<512x64xf32, #tpu.memory_space<hbm>>
    tpu.enqueue_dma source(%dma_start3A_63 : memref<512x64xf32, #tpu.memory_space<hbm>>) target(%dma_start3A_59 : memref<512x64xf32, #tpu.memory_space<vmem>>) target_semaphore(%arg10 : memref<!tpu.dma_semaphore, #tpu.memory_space<semaphore_mem>>)
    %dma_start3A_64 = arith.constant 0 : i32
    %dma_start3A_65 = tpu.memref_slice %arg3[%add3A_50, %dma_start3A_64] : memref<128x4096xi32, #tpu.memory_space<hbm>> -> memref<1x4096xi32, #tpu.memory_space<hbm>>
    %dma_start3A_66 = tpu.memref_squeeze %dma_start3A_65 : memref<1x4096xi32, #tpu.memory_space<hbm>> -> memref<4096xi32, #tpu.memory_space<hbm>>
    %dma_start3A_67 = arith.constant 0 : i32
    %dma_start3A_68 = tpu.memref_slice %arg3[%add3A_50, %dma_start3A_67] : memref<128x4096xi32, #tpu.memory_space<hbm>> -> memref<1x4096xi32, #tpu.memory_space<hbm>>
    %dma_start3A_69 = tpu.memref_squeeze %dma_start3A_68 : memref<1x4096xi32, #tpu.memory_space<hbm>> -> memref<4096xi32, #tpu.memory_space<hbm>>
    tpu.enqueue_dma source(%dma_start3A_69 : memref<4096xi32, #tpu.memory_space<hbm>>) target(%arg7 : memref<4096xi32, #tpu.memory_space<vmem>>) target_semaphore(%arg11 : memref<!tpu.dma_semaphore, #tpu.memory_space<semaphore_mem>>)
    %dma_wait3A = arith.constant 0 : i32
    %dma_wait3A_70 = arith.constant 0 : i32
    %dma_wait3A_71 = tpu.memref_slice %arg5[%dma_wait3A, %dma_wait3A_70] : memref<513x64xf32, #tpu.memory_space<vmem>> -> memref<512x64xf32, #tpu.memory_space<vmem>>
    %dma_wait3A_72 = arith.constant 0 : i32
    %dma_wait3A_73 = arith.constant 0 : i32
    %dma_wait3A_74 = tpu.memref_slice %arg2[%add3A_50, %dma_wait3A_72, %dma_wait3A_73] : memref<128x512x64xf32, #tpu.memory_space<hbm>> -> memref<1x512x64xf32, #tpu.memory_space<hbm>>
    %dma_wait3A_75 = tpu.memref_squeeze %dma_wait3A_74 : memref<1x512x64xf32, #tpu.memory_space<hbm>> -> memref<512x64xf32, #tpu.memory_space<hbm>>
    %dma_wait3A_76 = arith.constant 0 : i32
    %dma_wait3A_77 = arith.constant 0 : i32
    %dma_wait3A_78 = tpu.memref_slice %arg5[%dma_wait3A_76, %dma_wait3A_77] : memref<513x64xf32, #tpu.memory_space<vmem>> -> memref<512x64xf32, #tpu.memory_space<vmem>>
    %dma_wait3A_79 = arith.constant 0 : i32
    %dma_wait3A_80 = arith.constant 0 : i32
    %dma_wait3A_81 = tpu.memref_slice %arg2[%add3A_50, %dma_wait3A_79, %dma_wait3A_80] : memref<128x512x64xf32, #tpu.memory_space<hbm>> -> memref<1x512x64xf32, #tpu.memory_space<hbm>>
    %dma_wait3A_82 = tpu.memref_squeeze %dma_wait3A_81 : memref<1x512x64xf32, #tpu.memory_space<hbm>> -> memref<512x64xf32, #tpu.memory_space<hbm>>
    tpu.wait_dma2 semaphore(%arg10 : memref<!tpu.dma_semaphore, #tpu.memory_space<semaphore_mem>>) src(%dma_wait3A_82 : memref<512x64xf32, #tpu.memory_space<hbm>>) dst(%dma_wait3A_78 : memref<512x64xf32, #tpu.memory_space<vmem>>)
    %dma_wait3A_83 = arith.constant 0 : i32
    %dma_wait3A_84 = tpu.memref_slice %arg3[%add3A_50, %dma_wait3A_83] : memref<128x4096xi32, #tpu.memory_space<hbm>> -> memref<1x4096xi32, #tpu.memory_space<hbm>>
    %dma_wait3A_85 = tpu.memref_squeeze %dma_wait3A_84 : memref<1x4096xi32, #tpu.memory_space<hbm>> -> memref<4096xi32, #tpu.memory_space<hbm>>
    %dma_wait3A_86 = arith.constant 0 : i32
    %dma_wait3A_87 = tpu.memref_slice %arg3[%add3A_50, %dma_wait3A_86] : memref<128x4096xi32, #tpu.memory_space<hbm>> -> memref<1x4096xi32, #tpu.memory_space<hbm>>
    %dma_wait3A_88 = tpu.memref_squeeze %dma_wait3A_87 : memref<1x4096xi32, #tpu.memory_space<hbm>> -> memref<4096xi32, #tpu.memory_space<hbm>>
    tpu.wait_dma2 semaphore(%arg11 : memref<!tpu.dma_semaphore, #tpu.memory_space<semaphore_mem>>) src(%dma_wait3A_88 : memref<4096xi32, #tpu.memory_space<hbm>>) dst(%arg7 : memref<4096xi32, #tpu.memory_space<vmem>>)
    %mul3A_89 = arith.constant 4 : i32
    %mul3A_90 = arith.muli %add3A, %mul3A_89 : i32
    %add3A_91 = arith.constant 1 : i32
    %add3A_92 = arith.addi %mul3A_90, %add3A_91 : i32
    %dma_start3A_93 = arith.constant 0 : i32
    %dma_start3A_94 = arith.constant 0 : i32
    %dma_start3A_95 = tpu.memref_slice %arg6[%dma_start3A_93, %dma_start3A_94] : memref<513x64xf32, #tpu.memory_space<vmem>> -> memref<512x64xf32, #tpu.memory_space<vmem>>
    %dma_start3A_96 = arith.constant 0 : i32
    %dma_start3A_97 = arith.constant 0 : i32
    %dma_start3A_98 = tpu.memref_slice %arg2[%add3A_92, %dma_start3A_96, %dma_start3A_97] : memref<128x512x64xf32, #tpu.memory_space<hbm>> -> memref<1x512x64xf32, #tpu.memory_space<hbm>>
    %dma_start3A_99 = tpu.memref_squeeze %dma_start3A_98 : memref<1x512x64xf32, #tpu.memory_space<hbm>> -> memref<512x64xf32, #tpu.memory_space<hbm>>
    %dma_start3A_100 = arith.constant 0 : i32
    %dma_start3A_101 = arith.constant 0 : i32
    %dma_start3A_102 = tpu.memref_slice %arg6[%dma_start3A_100, %dma_start3A_101] : memref<513x64xf32, #tpu.memory_space<vmem>> -> memref<512x64xf32, #tpu.memory_space<vmem>>
    %dma_start3A_103 = arith.constant 0 : i32
    %dma_start3A_104 = arith.constant 0 : i32
    %dma_start3A_105 = tpu.memref_slice %arg2[%add3A_92, %dma_start3A_103, %dma_start3A_104] : memref<128x512x64xf32, #tpu.memory_space<hbm>> -> memref<1x512x64xf32, #tpu.memory_space<hbm>>
    %dma_start3A_106 = tpu.memref_squeeze %dma_start3A_105 : memref<1x512x64xf32, #tpu.memory_space<hbm>> -> memref<512x64xf32, #tpu.memory_space<hbm>>
    tpu.enqueue_dma source(%dma_start3A_106 : memref<512x64xf32, #tpu.memory_space<hbm>>) target(%dma_start3A_102 : memref<512x64xf32, #tpu.memory_space<vmem>>) target_semaphore(%arg12 : memref<!tpu.dma_semaphore, #tpu.memory_space<semaphore_mem>>)
    %dma_start3A_107 = arith.constant 0 : i32
    %dma_start3A_108 = tpu.memref_slice %arg3[%add3A_92, %dma_start3A_107] : memref<128x4096xi32, #tpu.memory_space<hbm>> -> memref<1x4096xi32, #tpu.memory_space<hbm>>
    %dma_start3A_109 = tpu.memref_squeeze %dma_start3A_108 : memref<1x4096xi32, #tpu.memory_space<hbm>> -> memref<4096xi32, #tpu.memory_space<hbm>>
    %dma_start3A_110 = arith.constant 0 : i32
    %dma_start3A_111 = tpu.memref_slice %arg3[%add3A_92, %dma_start3A_110] : memref<128x4096xi32, #tpu.memory_space<hbm>> -> memref<1x4096xi32, #tpu.memory_space<hbm>>
    %dma_start3A_112 = tpu.memref_squeeze %dma_start3A_111 : memref<1x4096xi32, #tpu.memory_space<hbm>> -> memref<4096xi32, #tpu.memory_space<hbm>>
    tpu.enqueue_dma source(%dma_start3A_112 : memref<4096xi32, #tpu.memory_space<hbm>>) target(%arg8 : memref<4096xi32, #tpu.memory_space<vmem>>) target_semaphore(%arg13 : memref<!tpu.dma_semaphore, #tpu.memory_space<semaphore_mem>>)
    %scan3A = arith.constant 0 : i32
    %scan3A_113 = arith.constant 0 : i32
    %scan3A_114 = arith.constant 256 : i32
    %scan3A_115 = arith.addi %scan3A_113, %scan3A_114 : i32
    %scan3A_116 = arith.constant 1 : i32
    %scan3A_117 = scf.for %scan3A_264 = %scan3A_113 to %scan3A_115 step %scan3A_116 iter_args(%scan3A_265 = %scan3A) -> (i32)  : i32 {
      %mul3A_266 = arith.constant 16 : i32
      %mul3A_267 = arith.muli %scan3A_264, %mul3A_266 : i32
      %get3A = arith.index_cast %mul3A_267 : i32 to index
      %get3A_268 = tpu.vector_load %arg7[%get3A] {strides = array<i32>} : memref<4096xi32, #tpu.memory_space<vmem>>, vector<16xi32>,
      %mul3A_269 = arith.constant 2 : i32
      %mul3A_270 = arith.muli %scan3A_264, %mul3A_269 : i32
      %add3A_271 = arith.constant 0 : i32
      %add3A_272 = arith.addi %mul3A_270, %add3A_271 : i32
      %slice3A = vector.extract_strided_slice %get3A_268 {offsets = [0], sizes = [1], strides = [1]} : vector<16xi32> to vector<1xi32>
      %squeeze3A = vector.extract %slice3A[0] : i32 from vector<1xi32>
      %lt3A = arith.constant 0 : i32
      %lt3A_273 = arith.cmpi slt, %squeeze3A, %lt3A : i32
      %jit3A = arith.constant 512 : i32
      %select_n3A = arith.select %lt3A_273, %jit3A, %squeeze3A : i32
      %slice3A_274 = vector.extract_strided_slice %get3A_268 {offsets = [1], sizes = [1], strides = [1]} : vector<16xi32> to vector<1xi32>
      %squeeze3A_275 = vector.extract %slice3A_274[0] : i32 from vector<1xi32>
      %lt3A_276 = arith.constant 0 : i32
      %lt3A_277 = arith.cmpi slt, %squeeze3A_275, %lt3A_276 : i32
      %jit3A_278 = arith.constant 512 : i32
      %select_n3A_279 = arith.select %lt3A_277, %jit3A_278, %squeeze3A_275 : i32
      %slice3A_280 = vector.extract_strided_slice %get3A_268 {offsets = [2], sizes = [1], strides = [1]} : vector<16xi32> to vector<1xi32>
      %squeeze3A_281 = vector.extract %slice3A_280[0] : i32 from vector<1xi32>
      %lt3A_282 = arith.constant 0 : i32
      %lt3A_283 = arith.cmpi slt, %squeeze3A_281, %lt3A_282 : i32
      %jit3A_284 = arith.constant 512 : i32
      %select_n3A_285 = arith.select %lt3A_283, %jit3A_284, %squeeze3A_281 : i32
      %slice3A_286 = vector.extract_strided_slice %get3A_268 {offsets = [3], sizes = [1], strides = [1]} : vector<16xi32> to vector<1xi32>
      %squeeze3A_287 = vector.extract %slice3A_286[0] : i32 from vector<1xi32>
      %lt3A_288 = arith.constant 0 : i32
      %lt3A_289 = arith.cmpi slt, %squeeze3A_287, %lt3A_288 : i32
      %jit3A_290 = arith.constant 512 : i32
      %select_n3A_291 = arith.select %lt3A_289, %jit3A_290, %squeeze3A_287 : i32
      %slice3A_292 = vector.extract_strided_slice %get3A_268 {offsets = [4], sizes = [1], strides = [1]} : vector<16xi32> to vector<1xi32>
      %squeeze3A_293 = vector.extract %slice3A_292[0] : i32 from vector<1xi32>
      %lt3A_294 = arith.constant 0 : i32
      %lt3A_295 = arith.cmpi slt, %squeeze3A_293, %lt3A_294 : i32
      %jit3A_296 = arith.constant 512 : i32
      %select_n3A_297 = arith.select %lt3A_295, %jit3A_296, %squeeze3A_293 : i32
      %slice3A_298 = vector.extract_strided_slice %get3A_268 {offsets = [5], sizes = [1], strides = [1]} : vector<16xi32> to vector<1xi32>
      %squeeze3A_299 = vector.extract %slice3A_298[0] : i32 from vector<1xi32>
      %lt3A_300 = arith.constant 0 : i32
      %lt3A_301 = arith.cmpi slt, %squeeze3A_299, %lt3A_300 : i32
      %jit3A_302 = arith.constant 512 : i32
      %select_n3A_303 = arith.select %lt3A_301, %jit3A_302, %squeeze3A_299 : i32
      %slice3A_304 = vector.extract_strided_slice %get3A_268 {offsets = [6], sizes = [1], strides = [1]} : vector<16xi32> to vector<1xi32>
      %squeeze3A_305 = vector.extract %slice3A_304[0] : i32 from vector<1xi32>
      %lt3A_306 = arith.constant 0 : i32
      %lt3A_307 = arith.cmpi slt, %squeeze3A_305, %lt3A_306 : i32
      %jit3A_308 = arith.constant 512 : i32
      %select_n3A_309 = arith.select %lt3A_307, %jit3A_308, %squeeze3A_305 : i32
      %slice3A_310 = vector.extract_strided_slice %get3A_268 {offsets = [7], sizes = [1], strides = [1]} : vector<16xi32> to vector<1xi32>
      %squeeze3A_311 = vector.extract %slice3A_310[0] : i32 from vector<1xi32>
      %lt3A_312 = arith.constant 0 : i32
      %lt3A_313 = arith.cmpi slt, %squeeze3A_311, %lt3A_312 : i32
      %jit3A_314 = arith.constant 512 : i32
      %select_n3A_315 = arith.select %lt3A_313, %jit3A_314, %squeeze3A_311 : i32
      %get3A_316 = arith.index_cast %add3A_272 : i32 to index
      %get3A_317 = arith.constant 0 : index
      %get3A_318 = tpu.vector_load %arg5[%get3A_316, %get3A_317] {strides = array<i32>} : memref<513x64xf32, #tpu.memory_space<vmem>>, vector<16xf32>,
      %get3A_319 = arith.index_cast %select_n3A : i32 to index
      %get3A_320 = arith.constant 0 : index
      %get3A_321 = tpu.vector_load %arg5[%get3A_319, %get3A_320] {strides = array<i32>} : memref<513x64xf32, #tpu.memory_space<vmem>>, vector<16xf32>,
      %get3A_322 = arith.index_cast %select_n3A_279 : i32 to index
      %get3A_323 = arith.constant 0 : index
      %get3A_324 = tpu.vector_load %arg5[%get3A_322, %get3A_323] {strides = array<i32>} : memref<513x64xf32, #tpu.memory_space<vmem>>, vector<16xf32>,
      %get3A_325 = arith.index_cast %select_n3A_285 : i32 to index
      %get3A_326 = arith.constant 0 : index
      %get3A_327 = tpu.vector_load %arg5[%get3A_325, %get3A_326] {strides = array<i32>} : memref<513x64xf32, #tpu.memory_space<vmem>>, vector<16xf32>,
      %get3A_328 = arith.index_cast %select_n3A_291 : i32 to index
      %get3A_329 = arith.constant 0 : index
      %get3A_330 = tpu.vector_load %arg5[%get3A_328, %get3A_329] {strides = array<i32>} : memref<513x64xf32, #tpu.memory_space<vmem>>, vector<16xf32>,
      %get3A_331 = arith.index_cast %select_n3A_297 : i32 to index
      %get3A_332 = arith.constant 0 : index
      %get3A_333 = tpu.vector_load %arg5[%get3A_331, %get3A_332] {strides = array<i32>} : memref<513x64xf32, #tpu.memory_space<vmem>>, vector<16xf32>,
      %get3A_334 = arith.index_cast %select_n3A_303 : i32 to index
      %get3A_335 = arith.constant 0 : index
      %get3A_336 = tpu.vector_load %arg5[%get3A_334, %get3A_335] {strides = array<i32>} : memref<513x64xf32, #tpu.memory_space<vmem>>, vector<16xf32>,
      %get3A_337 = arith.index_cast %select_n3A_309 : i32 to index
      %get3A_338 = arith.constant 0 : index
      %get3A_339 = tpu.vector_load %arg5[%get3A_337, %get3A_338] {strides = array<i32>} : memref<513x64xf32, #tpu.memory_space<vmem>>, vector<16xf32>,
      %get3A_340 = arith.index_cast %select_n3A_315 : i32 to index
      %get3A_341 = arith.constant 0 : index
      %get3A_342 = tpu.vector_load %arg5[%get3A_340, %get3A_341] {strides = array<i32>} : memref<513x64xf32, #tpu.memory_space<vmem>>, vector<16xf32>,
      %add3A_343 = arith.addf %get3A_318, %get3A_321 : vector<16xf32>
      %add3A_344 = arith.addf %get3A_324, %get3A_327 : vector<16xf32>
      %add3A_345 = arith.addf %get3A_330, %get3A_333 : vector<16xf32>
      %add3A_346 = arith.addf %get3A_336, %get3A_339 : vector<16xf32>
      %add3A_347 = arith.addf %add3A_343, %add3A_344 : vector<16xf32>
      %add3A_348 = arith.addf %add3A_345, %add3A_346 : vector<16xf32>
      %add3A_349 = arith.addf %add3A_347, %add3A_348 : vector<16xf32>
      %add3A_350 = arith.addf %add3A_349, %get3A_342 : vector<16xf32>
      %swap3A_351 = arith.index_cast %add3A_272 : i32 to index
      %swap3A_352 = arith.constant 0 : index
      %swap3A_353 = tpu.vector_load %arg9[%swap3A_351, %swap3A_352] {strides = array<i32>} : memref<512x64xf32, #tpu.memory_space<vmem>>, vector<16xf32>,
      tpu.vector_store %arg9[%swap3A_351, %swap3A_352], %add3A_350 {strides = array<i32>} : memref<512x64xf32, #tpu.memory_space<vmem>>, vector<16xf32>,
      %get3A_354 = arith.index_cast %add3A_272 : i32 to index
      %get3A_355 = arith.constant 16 : index
      %get3A_356 = tpu.vector_load %arg5[%get3A_354, %get3A_355] {strides = array<i32>} : memref<513x64xf32, #tpu.memory_space<vmem>>, vector<16xf32>,
      %get3A_357 = arith.index_cast %select_n3A : i32 to index
      %get3A_358 = arith.constant 16 : index
      %get3A_359 = tpu.vector_load %arg5[%get3A_357, %get3A_358] {strides = array<i32>} : memref<513x64xf32, #tpu.memory_space<vmem>>, vector<16xf32>,
      %get3A_360 = arith.index_cast %select_n3A_279 : i32 to index
      %get3A_361 = arith.constant 16 : index
      %get3A_362 = tpu.vector_load %arg5[%get3A_360, %get3A_361] {strides = array<i32>} : memref<513x64xf32, #tpu.memory_space<vmem>>, vector<16xf32>,
      %get3A_363 = arith.index_cast %select_n3A_285 : i32 to index
      %get3A_364 = arith.constant 16 : index
      %get3A_365 = tpu.vector_load %arg5[%get3A_363, %get3A_364] {strides = array<i32>} : memref<513x64xf32, #tpu.memory_space<vmem>>, vector<16xf32>,
      %get3A_366 = arith.index_cast %select_n3A_291 : i32 to index
      %get3A_367 = arith.constant 16 : index
      %get3A_368 = tpu.vector_load %arg5[%get3A_366, %get3A_367] {strides = array<i32>} : memref<513x64xf32, #tpu.memory_space<vmem>>, vector<16xf32>,
      %get3A_369 = arith.index_cast %select_n3A_297 : i32 to index
      %get3A_370 = arith.constant 16 : index
      %get3A_371 = tpu.vector_load %arg5[%get3A_369, %get3A_370] {strides = array<i32>} : memref<513x64xf32, #tpu.memory_space<vmem>>, vector<16xf32>,
      %get3A_372 = arith.index_cast %select_n3A_303 : i32 to index
      %get3A_373 = arith.constant 16 : index
      %get3A_374 = tpu.vector_load %arg5[%get3A_372, %get3A_373] {strides = array<i32>} : memref<513x64xf32, #tpu.memory_space<vmem>>, vector<16xf32>,
      %get3A_375 = arith.index_cast %select_n3A_309 : i32 to index
      %get3A_376 = arith.constant 16 : index
      %get3A_377 = tpu.vector_load %arg5[%get3A_375, %get3A_376] {strides = array<i32>} : memref<513x64xf32, #tpu.memory_space<vmem>>, vector<16xf32>,
      %get3A_378 = arith.index_cast %select_n3A_315 : i32 to index
      %get3A_379 = arith.constant 16 : index
      %get3A_380 = tpu.vector_load %arg5[%get3A_378, %get3A_379] {strides = array<i32>} : memref<513x64xf32, #tpu.memory_space<vmem>>, vector<16xf32>,
      %add3A_381 = arith.addf %get3A_356, %get3A_359 : vector<16xf32>
      %add3A_382 = arith.addf %get3A_362, %get3A_365 : vector<16xf32>
      %add3A_383 = arith.addf %get3A_368, %get3A_371 : vector<16xf32>
      %add3A_384 = arith.addf %get3A_374, %get3A_377 : vector<16xf32>
      %add3A_385 = arith.addf %add3A_381, %add3A_382 : vector<16xf32>
      %add3A_386 = arith.addf %add3A_383, %add3A_384 : vector<16xf32>
      %add3A_387 = arith.addf %add3A_385, %add3A_386 : vector<16xf32>
      %add3A_388 = arith.addf %add3A_387, %get3A_380 : vector<16xf32>
      %swap3A_389 = arith.index_cast %add3A_272 : i32 to index
      %swap3A_390 = arith.constant 16 : index
      %swap3A_391 = tpu.vector_load %arg9[%swap3A_389, %swap3A_390] {strides = array<i32>} : memref<512x64xf32, #tpu.memory_space<vmem>>, vector<16xf32>,
      tpu.vector_store %arg9[%swap3A_389, %swap3A_390], %add3A_388 {strides = array<i32>} : memref<512x64xf32, #tpu.memory_space<vmem>>, vector<16xf32>,
      %get3A_392 = arith.index_cast %add3A_272 : i32 to index
      %get3A_393 = arith.constant 32 : index
      %get3A_394 = tpu.vector_load %arg5[%get3A_392, %get3A_393] {strides = array<i32>} : memref<513x64xf32, #tpu.memory_space<vmem>>, vector<16xf32>,
      %get3A_395 = arith.index_cast %select_n3A : i32 to index
      %get3A_396 = arith.constant 32 : index
      %get3A_397 = tpu.vector_load %arg5[%get3A_395, %get3A_396] {strides = array<i32>} : memref<513x64xf32, #tpu.memory_space<vmem>>, vector<16xf32>,
      %get3A_398 = arith.index_cast %select_n3A_279 : i32 to index
      %get3A_399 = arith.constant 32 : index
      %get3A_400 = tpu.vector_load %arg5[%get3A_398, %get3A_399] {strides = array<i32>} : memref<513x64xf32, #tpu.memory_space<vmem>>, vector<16xf32>,
      %get3A_401 = arith.index_cast %select_n3A_285 : i32 to index
      %get3A_402 = arith.constant 32 : index
      %get3A_403 = tpu.vector_load %arg5[%get3A_401, %get3A_402] {strides = array<i32>} : memref<513x64xf32, #tpu.memory_space<vmem>>, vector<16xf32>,
      %get3A_404 = arith.index_cast %select_n3A_291 : i32 to index
      %get3A_405 = arith.constant 32 : index
      %get3A_406 = tpu.vector_load %arg5[%get3A_404, %get3A_405] {strides = array<i32>} : memref<513x64xf32, #tpu.memory_space<vmem>>, vector<16xf32>,
      %get3A_407 = arith.index_cast %select_n3A_297 : i32 to index
      %get3A_408 = arith.constant 32 : index
      %get3A_409 = tpu.vector_load %arg5[%get3A_407, %get3A_408] {strides = array<i32>} : memref<513x64xf32, #tpu.memory_space<vmem>>, vector<16xf32>,
      %get3A_410 = arith.index_cast %select_n3A_303 : i32 to index
      %get3A_411 = arith.constant 32 : index
      %get3A_412 = tpu.vector_load %arg5[%get3A_410, %get3A_411] {strides = array<i32>} : memref<513x64xf32, #tpu.memory_space<vmem>>, vector<16xf32>,
      %get3A_413 = arith.index_cast %select_n3A_309 : i32 to index
      %get3A_414 = arith.constant 32 : index
      %get3A_415 = tpu.vector_load %arg5[%get3A_413, %get3A_414] {strides = array<i32>} : memref<513x64xf32, #tpu.memory_space<vmem>>, vector<16xf32>,
      %get3A_416 = arith.index_cast %select_n3A_315 : i32 to index
      %get3A_417 = arith.constant 32 : index
      %get3A_418 = tpu.vector_load %arg5[%get3A_416, %get3A_417] {strides = array<i32>} : memref<513x64xf32, #tpu.memory_space<vmem>>, vector<16xf32>,
      %add3A_419 = arith.addf %get3A_394, %get3A_397 : vector<16xf32>
      %add3A_420 = arith.addf %get3A_400, %get3A_403 : vector<16xf32>
      %add3A_421 = arith.addf %get3A_406, %get3A_409 : vector<16xf32>
      %add3A_422 = arith.addf %get3A_412, %get3A_415 : vector<16xf32>
      %add3A_423 = arith.addf %add3A_419, %add3A_420 : vector<16xf32>
      %add3A_424 = arith.addf %add3A_421, %add3A_422 : vector<16xf32>
      %add3A_425 = arith.addf %add3A_423, %add3A_424 : vector<16xf32>
      %add3A_426 = arith.addf %add3A_425, %get3A_418 : vector<16xf32>
      %swap3A_427 = arith.index_cast %add3A_272 : i32 to index
      %swap3A_428 = arith.constant 32 : index
      %swap3A_429 = tpu.vector_load %arg9[%swap3A_427, %swap3A_428] {strides = array<i32>} : memref<512x64xf32, #tpu.memory_space<vmem>>, vector<16xf32>,
      tpu.vector_store %arg9[%swap3A_427, %swap3A_428], %add3A_426 {strides = array<i32>} : memref<512x64xf32, #tpu.memory_space<vmem>>, vector<16xf32>,
      %get3A_430 = arith.index_cast %add3A_272 : i32 to index
      %get3A_431 = arith.constant 48 : index
      %get3A_432 = tpu.vector_load %arg5[%get3A_430, %get3A_431] {strides = array<i32>} : memref<513x64xf32, #tpu.memory_space<vmem>>, vector<16xf32>,
      %get3A_433 = arith.index_cast %select_n3A : i32 to index
      %get3A_434 = arith.constant 48 : index
      %get3A_435 = tpu.vector_load %arg5[%get3A_433, %get3A_434] {strides = array<i32>} : memref<513x64xf32, #tpu.memory_space<vmem>>, vector<16xf32>,
      %get3A_436 = arith.index_cast %select_n3A_279 : i32 to index
      %get3A_437 = arith.constant 48 : index
      %get3A_438 = tpu.vector_load %arg5[%get3A_436, %get3A_437] {strides = array<i32>} : memref<513x64xf32, #tpu.memory_space<vmem>>, vector<16xf32>,
      %get3A_439 = arith.index_cast %select_n3A_285 : i32 to index
      %get3A_440 = arith.constant 48 : index
      %get3A_441 = tpu.vector_load %arg5[%get3A_439, %get3A_440] {strides = array<i32>} : memref<513x64xf32, #tpu.memory_space<vmem>>, vector<16xf32>,
      %get3A_442 = arith.index_cast %select_n3A_291 : i32 to index
      %get3A_443 = arith.constant 48 : index
      %get3A_444 = tpu.vector_load %arg5[%get3A_442, %get3A_443] {strides = array<i32>} : memref<513x64xf32, #tpu.memory_space<vmem>>, vector<16xf32>,
      %get3A_445 = arith.index_cast %select_n3A_297 : i32 to index
      %get3A_446 = arith.constant 48 : index
      %get3A_447 = tpu.vector_load %arg5[%get3A_445, %get3A_446] {strides = array<i32>} : memref<513x64xf32, #tpu.memory_space<vmem>>, vector<16xf32>,
      %get3A_448 = arith.index_cast %select_n3A_303 : i32 to index
      %get3A_449 = arith.constant 48 : index
      %get3A_450 = tpu.vector_load %arg5[%get3A_448, %get3A_449] {strides = array<i32>} : memref<513x64xf32, #tpu.memory_space<vmem>>, vector<16xf32>,
      %get3A_451 = arith.index_cast %select_n3A_309 : i32 to index
      %get3A_452 = arith.constant 48 : index
      %get3A_453 = tpu.vector_load %arg5[%get3A_451, %get3A_452] {strides = array<i32>} : memref<513x64xf32, #tpu.memory_space<vmem>>, vector<16xf32>,
      %get3A_454 = arith.index_cast %select_n3A_315 : i32 to index
      %get3A_455 = arith.constant 48 : index
      %get3A_456 = tpu.vector_load %arg5[%get3A_454, %get3A_455] {strides = array<i32>} : memref<513x64xf32, #tpu.memory_space<vmem>>, vector<16xf32>,
      %add3A_457 = arith.addf %get3A_432, %get3A_435 : vector<16xf32>
      %add3A_458 = arith.addf %get3A_438, %get3A_441 : vector<16xf32>
      %add3A_459 = arith.addf %get3A_444, %get3A_447 : vector<16xf32>
      %add3A_460 = arith.addf %get3A_450, %get3A_453 : vector<16xf32>
      %add3A_461 = arith.addf %add3A_457, %add3A_458 : vector<16xf32>
      %add3A_462 = arith.addf %add3A_459, %add3A_460 : vector<16xf32>
      %add3A_463 = arith.addf %add3A_461, %add3A_462 : vector<16xf32>
      %add3A_464 = arith.addf %add3A_463, %get3A_456 : vector<16xf32>
      %swap3A_465 = arith.index_cast %add3A_272 : i32 to index
      %swap3A_466 = arith.constant 48 : index
      %swap3A_467 = tpu.vector_load %arg9[%swap3A_465, %swap3A_466] {strides = array<i32>} : memref<512x64xf32, #tpu.memory_space<vmem>>, vector<16xf32>,
      tpu.vector_store %arg9[%swap3A_465, %swap3A_466], %add3A_464 {strides = array<i32>} : memref<512x64xf32, #tpu.memory_space<vmem>>, vector<16xf32>,
      %mul3A_468 = arith.constant 2 : i32
      %mul3A_469 = arith.muli %scan3A_264, %mul3A_468 : i32
      %add3A_470 = arith.constant 1 : i32
      %add3A_471 = arith.addi %mul3A_469, %add3A_470 : i32
      %slice3A_472 = vector.extract_strided_slice %get3A_268 {offsets = [8], sizes = [1], strides = [1]} : vector<16xi32> to vector<1xi32>
      %squeeze3A_473 = vector.extract %slice3A_472[0] : i32 from vector<1xi32>
      %lt3A_474 = arith.constant 0 : i32
      %lt3A_475 = arith.cmpi slt, %squeeze3A_473, %lt3A_474 : i32
      %jit3A_476 = arith.constant 512 : i32
      %select_n3A_477 = arith.select %lt3A_475, %jit3A_476, %squeeze3A_473 : i32
      %slice3A_478 = vector.extract_strided_slice %get3A_268 {offsets = [9], sizes = [1], strides = [1]} : vector<16xi32> to vector<1xi32>
      %squeeze3A_479 = vector.extract %slice3A_478[0] : i32 from vector<1xi32>
      %lt3A_480 = arith.constant 0 : i32
      %lt3A_481 = arith.cmpi slt, %squeeze3A_479, %lt3A_480 : i32
      %jit3A_482 = arith.constant 512 : i32
      %select_n3A_483 = arith.select %lt3A_481, %jit3A_482, %squeeze3A_479 : i32
      %slice3A_484 = vector.extract_strided_slice %get3A_268 {offsets = [10], sizes = [1], strides = [1]} : vector<16xi32> to vector<1xi32>
      %squeeze3A_485 = vector.extract %slice3A_484[0] : i32 from vector<1xi32>
      %lt3A_486 = arith.constant 0 : i32
      %lt3A_487 = arith.cmpi slt, %squeeze3A_485, %lt3A_486 : i32
      %jit3A_488 = arith.constant 512 : i32
      %select_n3A_489 = arith.select %lt3A_487, %jit3A_488, %squeeze3A_485 : i32
      %slice3A_490 = vector.extract_strided_slice %get3A_268 {offsets = [11], sizes = [1], strides = [1]} : vector<16xi32> to vector<1xi32>
      %squeeze3A_491 = vector.extract %slice3A_490[0] : i32 from vector<1xi32>
      %lt3A_492 = arith.constant 0 : i32
      %lt3A_493 = arith.cmpi slt, %squeeze3A_491, %lt3A_492 : i32
      %jit3A_494 = arith.constant 512 : i32
      %select_n3A_495 = arith.select %lt3A_493, %jit3A_494, %squeeze3A_491 : i32
      %slice3A_496 = vector.extract_strided_slice %get3A_268 {offsets = [12], sizes = [1], strides = [1]} : vector<16xi32> to vector<1xi32>
      %squeeze3A_497 = vector.extract %slice3A_496[0] : i32 from vector<1xi32>
      %lt3A_498 = arith.constant 0 : i32
      %lt3A_499 = arith.cmpi slt, %squeeze3A_497, %lt3A_498 : i32
      %jit3A_500 = arith.constant 512 : i32
      %select_n3A_501 = arith.select %lt3A_499, %jit3A_500, %squeeze3A_497 : i32
      %slice3A_502 = vector.extract_strided_slice %get3A_268 {offsets = [13], sizes = [1], strides = [1]} : vector<16xi32> to vector<1xi32>
      %squeeze3A_503 = vector.extract %slice3A_502[0] : i32 from vector<1xi32>
      %lt3A_504 = arith.constant 0 : i32
      %lt3A_505 = arith.cmpi slt, %squeeze3A_503, %lt3A_504 : i32
      %jit3A_506 = arith.constant 512 : i32
      %select_n3A_507 = arith.select %lt3A_505, %jit3A_506, %squeeze3A_503 : i32
      %slice3A_508 = vector.extract_strided_slice %get3A_268 {offsets = [14], sizes = [1], strides = [1]} : vector<16xi32> to vector<1xi32>
      %squeeze3A_509 = vector.extract %slice3A_508[0] : i32 from vector<1xi32>
      %lt3A_510 = arith.constant 0 : i32
      %lt3A_511 = arith.cmpi slt, %squeeze3A_509, %lt3A_510 : i32
      %jit3A_512 = arith.constant 512 : i32
      %select_n3A_513 = arith.select %lt3A_511, %jit3A_512, %squeeze3A_509 : i32
      %slice3A_514 = vector.extract_strided_slice %get3A_268 {offsets = [15], sizes = [1], strides = [1]} : vector<16xi32> to vector<1xi32>
      %squeeze3A_515 = vector.extract %slice3A_514[0] : i32 from vector<1xi32>
      %lt3A_516 = arith.constant 0 : i32
      %lt3A_517 = arith.cmpi slt, %squeeze3A_515, %lt3A_516 : i32
      %jit3A_518 = arith.constant 512 : i32
      %select_n3A_519 = arith.select %lt3A_517, %jit3A_518, %squeeze3A_515 : i32
      %get3A_520 = arith.index_cast %add3A_471 : i32 to index
      %get3A_521 = arith.constant 0 : index
      %get3A_522 = tpu.vector_load %arg5[%get3A_520, %get3A_521] {strides = array<i32>} : memref<513x64xf32, #tpu.memory_space<vmem>>, vector<16xf32>,
      %get3A_523 = arith.index_cast %select_n3A_477 : i32 to index
      %get3A_524 = arith.constant 0 : index
      %get3A_525 = tpu.vector_load %arg5[%get3A_523, %get3A_524] {strides = array<i32>} : memref<513x64xf32, #tpu.memory_space<vmem>>, vector<16xf32>,
      %get3A_526 = arith.index_cast %select_n3A_483 : i32 to index
      %get3A_527 = arith.constant 0 : index
      %get3A_528 = tpu.vector_load %arg5[%get3A_526, %get3A_527] {strides = array<i32>} : memref<513x64xf32, #tpu.memory_space<vmem>>, vector<16xf32>,
      %get3A_529 = arith.index_cast %select_n3A_489 : i32 to index
      %get3A_530 = arith.constant 0 : index
      %get3A_531 = tpu.vector_load %arg5[%get3A_529, %get3A_530] {strides = array<i32>} : memref<513x64xf32, #tpu.memory_space<vmem>>, vector<16xf32>,
      %get3A_532 = arith.index_cast %select_n3A_495 : i32 to index
      %get3A_533 = arith.constant 0 : index
      %get3A_534 = tpu.vector_load %arg5[%get3A_532, %get3A_533] {strides = array<i32>} : memref<513x64xf32, #tpu.memory_space<vmem>>, vector<16xf32>,
      %get3A_535 = arith.index_cast %select_n3A_501 : i32 to index
      %get3A_536 = arith.constant 0 : index
      %get3A_537 = tpu.vector_load %arg5[%get3A_535, %get3A_536] {strides = array<i32>} : memref<513x64xf32, #tpu.memory_space<vmem>>, vector<16xf32>,
      %get3A_538 = arith.index_cast %select_n3A_507 : i32 to index
      %get3A_539 = arith.constant 0 : index
      %get3A_540 = tpu.vector_load %arg5[%get3A_538, %get3A_539] {strides = array<i32>} : memref<513x64xf32, #tpu.memory_space<vmem>>, vector<16xf32>,
      %get3A_541 = arith.index_cast %select_n3A_513 : i32 to index
      %get3A_542 = arith.constant 0 : index
      %get3A_543 = tpu.vector_load %arg5[%get3A_541, %get3A_542] {strides = array<i32>} : memref<513x64xf32, #tpu.memory_space<vmem>>, vector<16xf32>,
      %get3A_544 = arith.index_cast %select_n3A_519 : i32 to index
      %get3A_545 = arith.constant 0 : index
      %get3A_546 = tpu.vector_load %arg5[%get3A_544, %get3A_545] {strides = array<i32>} : memref<513x64xf32, #tpu.memory_space<vmem>>, vector<16xf32>,
      %add3A_547 = arith.addf %get3A_522, %get3A_525 : vector<16xf32>
      %add3A_548 = arith.addf %get3A_528, %get3A_531 : vector<16xf32>
      %add3A_549 = arith.addf %get3A_534, %get3A_537 : vector<16xf32>
      %add3A_550 = arith.addf %get3A_540, %get3A_543 : vector<16xf32>
      %add3A_551 = arith.addf %add3A_547, %add3A_548 : vector<16xf32>
      %add3A_552 = arith.addf %add3A_549, %add3A_550 : vector<16xf32>
      %add3A_553 = arith.addf %add3A_551, %add3A_552 : vector<16xf32>
      %add3A_554 = arith.addf %add3A_553, %get3A_546 : vector<16xf32>
      %swap3A_555 = arith.index_cast %add3A_471 : i32 to index
      %swap3A_556 = arith.constant 0 : index
      %swap3A_557 = tpu.vector_load %arg9[%swap3A_555, %swap3A_556] {strides = array<i32>} : memref<512x64xf32, #tpu.memory_space<vmem>>, vector<16xf32>,
      tpu.vector_store %arg9[%swap3A_555, %swap3A_556], %add3A_554 {strides = array<i32>} : memref<512x64xf32, #tpu.memory_space<vmem>>, vector<16xf32>,
      %get3A_558 = arith.index_cast %add3A_471 : i32 to index
      %get3A_559 = arith.constant 16 : index
      %get3A_560 = tpu.vector_load %arg5[%get3A_558, %get3A_559] {strides = array<i32>} : memref<513x64xf32, #tpu.memory_space<vmem>>, vector<16xf32>,
      %get3A_561 = arith.index_cast %select_n3A_477 : i32 to index
      %get3A_562 = arith.constant 16 : index
      %get3A_563 = tpu.vector_load %arg5[%get3A_561, %get3A_562] {strides = array<i32>} : memref<513x64xf32, #tpu.memory_space<vmem>>, vector<16xf32>,
      %get3A_564 = arith.index_cast %select_n3A_483 : i32 to index
      %get3A_565 = arith.constant 16 : index
      %get3A_566 = tpu.vector_load %arg5[%get3A_564, %get3A_565] {strides = array<i32>} : memref<513x64xf32, #tpu.memory_space<vmem>>, vector<16xf32>,
      %get3A_567 = arith.index_cast %select_n3A_489 : i32 to index
      %get3A_568 = arith.constant 16 : index
      %get3A_569 = tpu.vector_load %arg5[%get3A_567, %get3A_568] {strides = array<i32>} : memref<513x64xf32, #tpu.memory_space<vmem>>, vector<16xf32>,
      %get3A_570 = arith.index_cast %select_n3A_495 : i32 to index
      %get3A_571 = arith.constant 16 : index
      %get3A_572 = tpu.vector_load %arg5[%get3A_570, %get3A_571] {strides = array<i32>} : memref<513x64xf32, #tpu.memory_space<vmem>>, vector<16xf32>,
      %get3A_573 = arith.index_cast %select_n3A_501 : i32 to index
      %get3A_574 = arith.constant 16 : index
      %get3A_575 = tpu.vector_load %arg5[%get3A_573, %get3A_574] {strides = array<i32>} : memref<513x64xf32, #tpu.memory_space<vmem>>, vector<16xf32>,
      %get3A_576 = arith.index_cast %select_n3A_507 : i32 to index
      %get3A_577 = arith.constant 16 : index
      %get3A_578 = tpu.vector_load %arg5[%get3A_576, %get3A_577] {strides = array<i32>} : memref<513x64xf32, #tpu.memory_space<vmem>>, vector<16xf32>,
      %get3A_579 = arith.index_cast %select_n3A_513 : i32 to index
      %get3A_580 = arith.constant 16 : index
      %get3A_581 = tpu.vector_load %arg5[%get3A_579, %get3A_580] {strides = array<i32>} : memref<513x64xf32, #tpu.memory_space<vmem>>, vector<16xf32>,
      %get3A_582 = arith.index_cast %select_n3A_519 : i32 to index
      %get3A_583 = arith.constant 16 : index
      %get3A_584 = tpu.vector_load %arg5[%get3A_582, %get3A_583] {strides = array<i32>} : memref<513x64xf32, #tpu.memory_space<vmem>>, vector<16xf32>,
      %add3A_585 = arith.addf %get3A_560, %get3A_563 : vector<16xf32>
      %add3A_586 = arith.addf %get3A_566, %get3A_569 : vector<16xf32>
      %add3A_587 = arith.addf %get3A_572, %get3A_575 : vector<16xf32>
      %add3A_588 = arith.addf %get3A_578, %get3A_581 : vector<16xf32>
      %add3A_589 = arith.addf %add3A_585, %add3A_586 : vector<16xf32>
      %add3A_590 = arith.addf %add3A_587, %add3A_588 : vector<16xf32>
      %add3A_591 = arith.addf %add3A_589, %add3A_590 : vector<16xf32>
      %add3A_592 = arith.addf %add3A_591, %get3A_584 : vector<16xf32>
      %swap3A_593 = arith.index_cast %add3A_471 : i32 to index
      %swap3A_594 = arith.constant 16 : index
      %swap3A_595 = tpu.vector_load %arg9[%swap3A_593, %swap3A_594] {strides = array<i32>} : memref<512x64xf32, #tpu.memory_space<vmem>>, vector<16xf32>,
      tpu.vector_store %arg9[%swap3A_593, %swap3A_594], %add3A_592 {strides = array<i32>} : memref<512x64xf32, #tpu.memory_space<vmem>>, vector<16xf32>,
      %get3A_596 = arith.index_cast %add3A_471 : i32 to index
      %get3A_597 = arith.constant 32 : index
      %get3A_598 = tpu.vector_load %arg5[%get3A_596, %get3A_597] {strides = array<i32>} : memref<513x64xf32, #tpu.memory_space<vmem>>, vector<16xf32>,
      %get3A_599 = arith.index_cast %select_n3A_477 : i32 to index
      %get3A_600 = arith.constant 32 : index
      %get3A_601 = tpu.vector_load %arg5[%get3A_599, %get3A_600] {strides = array<i32>} : memref<513x64xf32, #tpu.memory_space<vmem>>, vector<16xf32>,
      %get3A_602 = arith.index_cast %select_n3A_483 : i32 to index
      %get3A_603 = arith.constant 32 : index
      %get3A_604 = tpu.vector_load %arg5[%get3A_602, %get3A_603] {strides = array<i32>} : memref<513x64xf32, #tpu.memory_space<vmem>>, vector<16xf32>,
      %get3A_605 = arith.index_cast %select_n3A_489 : i32 to index
      %get3A_606 = arith.constant 32 : index
      %get3A_607 = tpu.vector_load %arg5[%get3A_605, %get3A_606] {strides = array<i32>} : memref<513x64xf32, #tpu.memory_space<vmem>>, vector<16xf32>,
      %get3A_608 = arith.index_cast %select_n3A_495 : i32 to index
      %get3A_609 = arith.constant 32 : index
      %get3A_610 = tpu.vector_load %arg5[%get3A_608, %get3A_609] {strides = array<i32>} : memref<513x64xf32, #tpu.memory_space<vmem>>, vector<16xf32>,
      %get3A_611 = arith.index_cast %select_n3A_501 : i32 to index
      %get3A_612 = arith.constant 32 : index
      %get3A_613 = tpu.vector_load %arg5[%get3A_611, %get3A_612] {strides = array<i32>} : memref<513x64xf32, #tpu.memory_space<vmem>>, vector<16xf32>,
      %get3A_614 = arith.index_cast %select_n3A_507 : i32 to index
      %get3A_615 = arith.constant 32 : index
      %get3A_616 = tpu.vector_load %arg5[%get3A_614, %get3A_615] {strides = array<i32>} : memref<513x64xf32, #tpu.memory_space<vmem>>, vector<16xf32>,
      %get3A_617 = arith.index_cast %select_n3A_513 : i32 to index
      %get3A_618 = arith.constant 32 : index
      %get3A_619 = tpu.vector_load %arg5[%get3A_617, %get3A_618] {strides = array<i32>} : memref<513x64xf32, #tpu.memory_space<vmem>>, vector<16xf32>,
      %get3A_620 = arith.index_cast %select_n3A_519 : i32 to index
      %get3A_621 = arith.constant 32 : index
      %get3A_622 = tpu.vector_load %arg5[%get3A_620, %get3A_621] {strides = array<i32>} : memref<513x64xf32, #tpu.memory_space<vmem>>, vector<16xf32>,
      %add3A_623 = arith.addf %get3A_598, %get3A_601 : vector<16xf32>
      %add3A_624 = arith.addf %get3A_604, %get3A_607 : vector<16xf32>
      %add3A_625 = arith.addf %get3A_610, %get3A_613 : vector<16xf32>
      %add3A_626 = arith.addf %get3A_616, %get3A_619 : vector<16xf32>
      %add3A_627 = arith.addf %add3A_623, %add3A_624 : vector<16xf32>
      %add3A_628 = arith.addf %add3A_625, %add3A_626 : vector<16xf32>
      %add3A_629 = arith.addf %add3A_627, %add3A_628 : vector<16xf32>
      %add3A_630 = arith.addf %add3A_629, %get3A_622 : vector<16xf32>
      %swap3A_631 = arith.index_cast %add3A_471 : i32 to index
      %swap3A_632 = arith.constant 32 : index
      %swap3A_633 = tpu.vector_load %arg9[%swap3A_631, %swap3A_632] {strides = array<i32>} : memref<512x64xf32, #tpu.memory_space<vmem>>, vector<16xf32>,
      tpu.vector_store %arg9[%swap3A_631, %swap3A_632], %add3A_630 {strides = array<i32>} : memref<512x64xf32, #tpu.memory_space<vmem>>, vector<16xf32>,
      %get3A_634 = arith.index_cast %add3A_471 : i32 to index
      %get3A_635 = arith.constant 48 : index
      %get3A_636 = tpu.vector_load %arg5[%get3A_634, %get3A_635] {strides = array<i32>} : memref<513x64xf32, #tpu.memory_space<vmem>>, vector<16xf32>,
      %get3A_637 = arith.index_cast %select_n3A_477 : i32 to index
      %get3A_638 = arith.constant 48 : index
      %get3A_639 = tpu.vector_load %arg5[%get3A_637, %get3A_638] {strides = array<i32>} : memref<513x64xf32, #tpu.memory_space<vmem>>, vector<16xf32>,
      %get3A_640 = arith.index_cast %select_n3A_483 : i32 to index
      %get3A_641 = arith.constant 48 : index
      %get3A_642 = tpu.vector_load %arg5[%get3A_640, %get3A_641] {strides = array<i32>} : memref<513x64xf32, #tpu.memory_space<vmem>>, vector<16xf32>,
      %get3A_643 = arith.index_cast %select_n3A_489 : i32 to index
      %get3A_644 = arith.constant 48 : index
      %get3A_645 = tpu.vector_load %arg5[%get3A_643, %get3A_644] {strides = array<i32>} : memref<513x64xf32, #tpu.memory_space<vmem>>, vector<16xf32>,
      %get3A_646 = arith.index_cast %select_n3A_495 : i32 to index
      %get3A_647 = arith.constant 48 : index
      %get3A_648 = tpu.vector_load %arg5[%get3A_646, %get3A_647] {strides = array<i32>} : memref<513x64xf32, #tpu.memory_space<vmem>>, vector<16xf32>,
      %get3A_649 = arith.index_cast %select_n3A_501 : i32 to index
      %get3A_650 = arith.constant 48 : index
      %get3A_651 = tpu.vector_load %arg5[%get3A_649, %get3A_650] {strides = array<i32>} : memref<513x64xf32, #tpu.memory_space<vmem>>, vector<16xf32>,
      %get3A_652 = arith.index_cast %select_n3A_507 : i32 to index
      %get3A_653 = arith.constant 48 : index
      %get3A_654 = tpu.vector_load %arg5[%get3A_652, %get3A_653] {strides = array<i32>} : memref<513x64xf32, #tpu.memory_space<vmem>>, vector<16xf32>,
      %get3A_655 = arith.index_cast %select_n3A_513 : i32 to index
      %get3A_656 = arith.constant 48 : index
      %get3A_657 = tpu.vector_load %arg5[%get3A_655, %get3A_656] {strides = array<i32>} : memref<513x64xf32, #tpu.memory_space<vmem>>, vector<16xf32>,
      %get3A_658 = arith.index_cast %select_n3A_519 : i32 to index
      %get3A_659 = arith.constant 48 : index
      %get3A_660 = tpu.vector_load %arg5[%get3A_658, %get3A_659] {strides = array<i32>} : memref<513x64xf32, #tpu.memory_space<vmem>>, vector<16xf32>,
      %add3A_661 = arith.addf %get3A_636, %get3A_639 : vector<16xf32>
      %add3A_662 = arith.addf %get3A_642, %get3A_645 : vector<16xf32>
      %add3A_663 = arith.addf %get3A_648, %get3A_651 : vector<16xf32>
      %add3A_664 = arith.addf %get3A_654, %get3A_657 : vector<16xf32>
      %add3A_665 = arith.addf %add3A_661, %add3A_662 : vector<16xf32>
      %add3A_666 = arith.addf %add3A_663, %add3A_664 : vector<16xf32>
      %add3A_667 = arith.addf %add3A_665, %add3A_666 : vector<16xf32>
      %add3A_668 = arith.addf %add3A_667, %get3A_660 : vector<16xf32>
      %swap3A_669 = arith.index_cast %add3A_471 : i32 to index
      %swap3A_670 = arith.constant 48 : index
      %swap3A_671 = tpu.vector_load %arg9[%swap3A_669, %swap3A_670] {strides = array<i32>} : memref<512x64xf32, #tpu.memory_space<vmem>>, vector<16xf32>,
      tpu.vector_store %arg9[%swap3A_669, %swap3A_670], %add3A_668 {strides = array<i32>} : memref<512x64xf32, #tpu.memory_space<vmem>>, vector<16xf32>,
      %scan3A_672 = arith.constant 0 : i32
      scf.yield %scan3A_672 : i32
    }
    %scan3A_118 = arith.constant 256 : i32
    %mul3A_119 = arith.constant 4 : i32
    %mul3A_120 = arith.muli %add3A, %mul3A_119 : i32
    %add3A_121 = arith.constant 0 : i32
    %add3A_122 = arith.addi %mul3A_120, %add3A_121 : i32
    "tpu.region"() ({
      %run_scoped3A = tpu.sem_alloc : memref<!tpu.dma_semaphore, #tpu.memory_space<semaphore_mem>>
      %dma_start3A_264 = arith.constant 0 : i32
      %dma_start3A_265 = arith.constant 0 : i32
      %dma_start3A_266 = tpu.memref_slice %arg4[%add3A_122, %dma_start3A_264, %dma_start3A_265] : memref<128x512x64xf32, #tpu.memory_space<hbm>> -> memref<1x512x64xf32, #tpu.memory_space<hbm>>
      %dma_start3A_267 = tpu.memref_squeeze %dma_start3A_266 : memref<1x512x64xf32, #tpu.memory_space<hbm>> -> memref<512x64xf32, #tpu.memory_space<hbm>>
      %dma_start3A_268 = arith.constant 0 : i32
      %dma_start3A_269 = arith.constant 0 : i32
      %dma_start3A_270 = tpu.memref_slice %arg4[%add3A_122, %dma_start3A_268, %dma_start3A_269] : memref<128x512x64xf32, #tpu.memory_space<hbm>> -> memref<1x512x64xf32, #tpu.memory_space<hbm>>
      %dma_start3A_271 = tpu.memref_squeeze %dma_start3A_270 : memref<1x512x64xf32, #tpu.memory_space<hbm>> -> memref<512x64xf32, #tpu.memory_space<hbm>>
      tpu.enqueue_dma source(%arg9 : memref<512x64xf32, #tpu.memory_space<vmem>>) target(%dma_start3A_271 : memref<512x64xf32, #tpu.memory_space<hbm>>) target_semaphore(%run_scoped3A : memref<!tpu.dma_semaphore, #tpu.memory_space<semaphore_mem>>)
      %dma_wait3A_272 = arith.constant 0 : i32
      %dma_wait3A_273 = arith.constant 0 : i32
      %dma_wait3A_274 = tpu.memref_slice %arg4[%add3A_122, %dma_wait3A_272, %dma_wait3A_273] : memref<128x512x64xf32, #tpu.memory_space<hbm>> -> memref<1x512x64xf32, #tpu.memory_space<hbm>>
      %dma_wait3A_275 = tpu.memref_squeeze %dma_wait3A_274 : memref<1x512x64xf32, #tpu.memory_space<hbm>> -> memref<512x64xf32, #tpu.memory_space<hbm>>
      %dma_wait3A_276 = arith.constant 0 : i32
      %dma_wait3A_277 = arith.constant 0 : i32
      %dma_wait3A_278 = tpu.memref_slice %arg4[%add3A_122, %dma_wait3A_276, %dma_wait3A_277] : memref<128x512x64xf32, #tpu.memory_space<hbm>> -> memref<1x512x64xf32, #tpu.memory_space<hbm>>
      %dma_wait3A_279 = tpu.memref_squeeze %dma_wait3A_278 : memref<1x512x64xf32, #tpu.memory_space<hbm>> -> memref<512x64xf32, #tpu.memory_space<hbm>>
      tpu.wait_dma2 semaphore(%run_scoped3A : memref<!tpu.dma_semaphore, #tpu.memory_space<semaphore_mem>>) src(%arg9 : memref<512x64xf32, #tpu.memory_space<vmem>>) dst(%dma_wait3A_279 : memref<512x64xf32, #tpu.memory_space<hbm>>)
      tpu.yield
    }) : () -> ()
    %dma_wait3A_123 = arith.constant 0 : i32
    %dma_wait3A_124 = arith.constant 0 : i32
    %dma_wait3A_125 = tpu.memref_slice %arg6[%dma_wait3A_123, %dma_wait3A_124] : memref<513x64xf32, #tpu.memory_space<vmem>> -> memref<512x64xf32, #tpu.memory_space<vmem>>
    %dma_wait3A_126 = arith.constant 0 : i32
    %dma_wait3A_127 = arith.constant 0 : i32
    %dma_wait3A_128 = tpu.memref_slice %arg2[%add3A_92, %dma_wait3A_126, %dma_wait3A_127] : memref<128x512x64xf32, #tpu.memory_space<hbm>> -> memref<1x512x64xf32, #tpu.memory_space<hbm>>
    %dma_wait3A_129 = tpu.memref_squeeze %dma_wait3A_128 : memref<1x512x64xf32, #tpu.memory_space<hbm>> -> memref<512x64xf32, #tpu.memory_space<hbm>>
    %dma_wait3A_130 = arith.constant 0 : i32
    %dma_wait3A_131 = arith.constant 0 : i32
    %dma_wait3A_132 = tpu.memref_slice %arg6[%dma_wait3A_130, %dma_wait3A_131] : memref<513x64xf32, #tpu.memory_space<vmem>> -> memref<512x64xf32, #tpu.memory_space<vmem>>
    %dma_wait3A_133 = arith.constant 0 : i32
    %dma_wait3A_134 = arith.constant 0 : i32
    %dma_wait3A_135 = tpu.memref_slice %arg2[%add3A_92, %dma_wait3A_133, %dma_wait3A_134] : memref<128x512x64xf32, #tpu.memory_space<hbm>> -> memref<1x512x64xf32, #tpu.memory_space<hbm>>
    %dma_wait3A_136 = tpu.memref_squeeze %dma_wait3A_135 : memref<1x512x64xf32, #tpu.memory_space<hbm>> -> memref<512x64xf32, #tpu.memory_space<hbm>>
    tpu.wait_dma2 semaphore(%arg12 : memref<!tpu.dma_semaphore, #tpu.memory_space<semaphore_mem>>) src(%dma_wait3A_136 : memref<512x64xf32, #tpu.memory_space<hbm>>) dst(%dma_wait3A_132 : memref<512x64xf32, #tpu.memory_space<vmem>>)
    %dma_wait3A_137 = arith.constant 0 : i32
    %dma_wait3A_138 = tpu.memref_slice %arg3[%add3A_92, %dma_wait3A_137] : memref<128x4096xi32, #tpu.memory_space<hbm>> -> memref<1x4096xi32, #tpu.memory_space<hbm>>
    %dma_wait3A_139 = tpu.memref_squeeze %dma_wait3A_138 : memref<1x4096xi32, #tpu.memory_space<hbm>> -> memref<4096xi32, #tpu.memory_space<hbm>>
    %dma_wait3A_140 = arith.constant 0 : i32
    %dma_wait3A_141 = tpu.memref_slice %arg3[%add3A_92, %dma_wait3A_140] : memref<128x4096xi32, #tpu.memory_space<hbm>> -> memref<1x4096xi32, #tpu.memory_space<hbm>>
    %dma_wait3A_142 = tpu.memref_squeeze %dma_wait3A_141 : memref<1x4096xi32, #tpu.memory_space<hbm>> -> memref<4096xi32, #tpu.memory_space<hbm>>
    tpu.wait_dma2 semaphore(%arg13 : memref<!tpu.dma_semaphore, #tpu.memory_space<semaphore_mem>>) src(%dma_wait3A_142 : memref<4096xi32, #tpu.memory_space<hbm>>) dst(%arg8 : memref<4096xi32, #tpu.memory_space<vmem>>)
    %mul3A_143 = arith.constant 4 : i32
    %mul3A_144 = arith.muli %add3A, %mul3A_143 : i32
    %add3A_145 = arith.constant 2 : i32
    %add3A_146 = arith.addi %mul3A_144, %add3A_145 : i32
    %dma_start3A_147 = arith.constant 0 : i32
    %dma_start3A_148 = arith.constant 0 : i32
    %dma_start3A_149 = tpu.memref_slice %arg5[%dma_start3A_147, %dma_start3A_148] : memref<513x64xf32, #tpu.memory_space<vmem>> -> memref<512x64xf32, #tpu.memory_space<vmem>>
    %dma_start3A_150 = arith.constant 0 : i32
    %dma_start3A_151 = arith.constant 0 : i32
    %dma_start3A_152 = tpu.memref_slice %arg2[%add3A_146, %dma_start3A_150, %dma_start3A_151] : memref<128x512x64xf32, #tpu.memory_space<hbm>> -> memref<1x512x64xf32, #tpu.memory_space<hbm>>
    %dma_start3A_153 = tpu.memref_squeeze %dma_start3A_152 : memref<1x512x64xf32, #tpu.memory_space<hbm>> -> memref<512x64xf32, #tpu.memory_space<hbm>>
    %dma_start3A_154 = arith.constant 0 : i32
    %dma_start3A_155 = arith.constant 0 : i32
    %dma_start3A_156 = tpu.memref_slice %arg5[%dma_start3A_154, %dma_start3A_155] : memref<513x64xf32, #tpu.memory_space<vmem>> -> memref<512x64xf32, #tpu.memory_space<vmem>>
    %dma_start3A_157 = arith.constant 0 : i32
    %dma_start3A_158 = arith.constant 0 : i32
    %dma_start3A_159 = tpu.memref_slice %arg2[%add3A_146, %dma_start3A_157, %dma_start3A_158] : memref<128x512x64xf32, #tpu.memory_space<hbm>> -> memref<1x512x64xf32, #tpu.memory_space<hbm>>
    %dma_start3A_160 = tpu.memref_squeeze %dma_start3A_159 : memref<1x512x64xf32, #tpu.memory_space<hbm>> -> memref<512x64xf32, #tpu.memory_space<hbm>>
    tpu.enqueue_dma source(%dma_start3A_160 : memref<512x64xf32, #tpu.memory_space<hbm>>) target(%dma_start3A_156 : memref<512x64xf32, #tpu.memory_space<vmem>>) target_semaphore(%arg10 : memref<!tpu.dma_semaphore, #tpu.memory_space<semaphore_mem>>)
    %dma_start3A_161 = arith.constant 0 : i32
    %dma_start3A_162 = tpu.memref_slice %arg3[%add3A_146, %dma_start3A_161] : memref<128x4096xi32, #tpu.memory_space<hbm>> -> memref<1x4096xi32, #tpu.memory_space<hbm>>
    %dma_start3A_163 = tpu.memref_squeeze %dma_start3A_162 : memref<1x4096xi32, #tpu.memory_space<hbm>> -> memref<4096xi32, #tpu.memory_space<hbm>>
    %dma_start3A_164 = arith.constant 0 : i32
    %dma_start3A_165 = tpu.memref_slice %arg3[%add3A_146, %dma_start3A_164] : memref<128x4096xi32, #tpu.memory_space<hbm>> -> memref<1x4096xi32, #tpu.memory_space<hbm>>
    %dma_start3A_166 = tpu.memref_squeeze %dma_start3A_165 : memref<1x4096xi32, #tpu.memory_space<hbm>> -> memref<4096xi32, #tpu.memory_space<hbm>>
    tpu.enqueue_dma source(%dma_start3A_166 : memref<4096xi32, #tpu.memory_space<hbm>>) target(%arg7 : memref<4096xi32, #tpu.memory_space<vmem>>) target_semaphore(%arg11 : memref<!tpu.dma_semaphore, #tpu.memory_space<semaphore_mem>>)
    %scan3A_167 = arith.constant 0 : i32
    %scan3A_168 = arith.constant 0 : i32
    %scan3A_169 = arith.constant 256 : i32
    %scan3A_170 = arith.addi %scan3A_168, %scan3A_169 : i32
    %scan3A_171 = arith.constant 1 : i32
    %scan3A_172 = scf.for %scan3A_264 = %scan3A_168 to %scan3A_170 step %scan3A_171 iter_args(%scan3A_265 = %scan3A_167) -> (i32)  : i32 {
      %mul3A_266 = arith.constant 16 : i32
      %mul3A_267 = arith.muli %scan3A_264, %mul3A_266 : i32
      %get3A = arith.index_cast %mul3A_267 : i32 to index
      %get3A_268 = tpu.vector_load %arg8[%get3A] {strides = array<i32>} : memref<4096xi32, #tpu.memory_space<vmem>>, vector<16xi32>,
      %mul3A_269 = arith.constant 2 : i32
      %mul3A_270 = arith.muli %scan3A_264, %mul3A_269 : i32
      %add3A_271 = arith.constant 0 : i32
      %add3A_272 = arith.addi %mul3A_270, %add3A_271 : i32
      %slice3A = vector.extract_strided_slice %get3A_268 {offsets = [0], sizes = [1], strides = [1]} : vector<16xi32> to vector<1xi32>
      %squeeze3A = vector.extract %slice3A[0] : i32 from vector<1xi32>
      %lt3A = arith.constant 0 : i32
      %lt3A_273 = arith.cmpi slt, %squeeze3A, %lt3A : i32
      %jit3A = arith.constant 512 : i32
      %select_n3A = arith.select %lt3A_273, %jit3A, %squeeze3A : i32
      %slice3A_274 = vector.extract_strided_slice %get3A_268 {offsets = [1], sizes = [1], strides = [1]} : vector<16xi32> to vector<1xi32>
      %squeeze3A_275 = vector.extract %slice3A_274[0] : i32 from vector<1xi32>
      %lt3A_276 = arith.constant 0 : i32
      %lt3A_277 = arith.cmpi slt, %squeeze3A_275, %lt3A_276 : i32
      %jit3A_278 = arith.constant 512 : i32
      %select_n3A_279 = arith.select %lt3A_277, %jit3A_278, %squeeze3A_275 : i32
      %slice3A_280 = vector.extract_strided_slice %get3A_268 {offsets = [2], sizes = [1], strides = [1]} : vector<16xi32> to vector<1xi32>
      %squeeze3A_281 = vector.extract %slice3A_280[0] : i32 from vector<1xi32>
      %lt3A_282 = arith.constant 0 : i32
      %lt3A_283 = arith.cmpi slt, %squeeze3A_281, %lt3A_282 : i32
      %jit3A_284 = arith.constant 512 : i32
      %select_n3A_285 = arith.select %lt3A_283, %jit3A_284, %squeeze3A_281 : i32
      %slice3A_286 = vector.extract_strided_slice %get3A_268 {offsets = [3], sizes = [1], strides = [1]} : vector<16xi32> to vector<1xi32>
      %squeeze3A_287 = vector.extract %slice3A_286[0] : i32 from vector<1xi32>
      %lt3A_288 = arith.constant 0 : i32
      %lt3A_289 = arith.cmpi slt, %squeeze3A_287, %lt3A_288 : i32
      %jit3A_290 = arith.constant 512 : i32
      %select_n3A_291 = arith.select %lt3A_289, %jit3A_290, %squeeze3A_287 : i32
      %slice3A_292 = vector.extract_strided_slice %get3A_268 {offsets = [4], sizes = [1], strides = [1]} : vector<16xi32> to vector<1xi32>
      %squeeze3A_293 = vector.extract %slice3A_292[0] : i32 from vector<1xi32>
      %lt3A_294 = arith.constant 0 : i32
      %lt3A_295 = arith.cmpi slt, %squeeze3A_293, %lt3A_294 : i32
      %jit3A_296 = arith.constant 512 : i32
      %select_n3A_297 = arith.select %lt3A_295, %jit3A_296, %squeeze3A_293 : i32
      %slice3A_298 = vector.extract_strided_slice %get3A_268 {offsets = [5], sizes = [1], strides = [1]} : vector<16xi32> to vector<1xi32>
      %squeeze3A_299 = vector.extract %slice3A_298[0] : i32 from vector<1xi32>
      %lt3A_300 = arith.constant 0 : i32
      %lt3A_301 = arith.cmpi slt, %squeeze3A_299, %lt3A_300 : i32
      %jit3A_302 = arith.constant 512 : i32
      %select_n3A_303 = arith.select %lt3A_301, %jit3A_302, %squeeze3A_299 : i32
      %slice3A_304 = vector.extract_strided_slice %get3A_268 {offsets = [6], sizes = [1], strides = [1]} : vector<16xi32> to vector<1xi32>
      %squeeze3A_305 = vector.extract %slice3A_304[0] : i32 from vector<1xi32>
      %lt3A_306 = arith.constant 0 : i32
      %lt3A_307 = arith.cmpi slt, %squeeze3A_305, %lt3A_306 : i32
      %jit3A_308 = arith.constant 512 : i32
      %select_n3A_309 = arith.select %lt3A_307, %jit3A_308, %squeeze3A_305 : i32
      %slice3A_310 = vector.extract_strided_slice %get3A_268 {offsets = [7], sizes = [1], strides = [1]} : vector<16xi32> to vector<1xi32>
      %squeeze3A_311 = vector.extract %slice3A_310[0] : i32 from vector<1xi32>
      %lt3A_312 = arith.constant 0 : i32
      %lt3A_313 = arith.cmpi slt, %squeeze3A_311, %lt3A_312 : i32
      %jit3A_314 = arith.constant 512 : i32
      %select_n3A_315 = arith.select %lt3A_313, %jit3A_314, %squeeze3A_311 : i32
      %get3A_316 = arith.index_cast %add3A_272 : i32 to index
      %get3A_317 = arith.constant 0 : index
      %get3A_318 = tpu.vector_load %arg6[%get3A_316, %get3A_317] {strides = array<i32>} : memref<513x64xf32, #tpu.memory_space<vmem>>, vector<16xf32>,
      %get3A_319 = arith.index_cast %select_n3A : i32 to index
      %get3A_320 = arith.constant 0 : index
      %get3A_321 = tpu.vector_load %arg6[%get3A_319, %get3A_320] {strides = array<i32>} : memref<513x64xf32, #tpu.memory_space<vmem>>, vector<16xf32>,
      %get3A_322 = arith.index_cast %select_n3A_279 : i32 to index
      %get3A_323 = arith.constant 0 : index
      %get3A_324 = tpu.vector_load %arg6[%get3A_322, %get3A_323] {strides = array<i32>} : memref<513x64xf32, #tpu.memory_space<vmem>>, vector<16xf32>,
      %get3A_325 = arith.index_cast %select_n3A_285 : i32 to index
      %get3A_326 = arith.constant 0 : index
      %get3A_327 = tpu.vector_load %arg6[%get3A_325, %get3A_326] {strides = array<i32>} : memref<513x64xf32, #tpu.memory_space<vmem>>, vector<16xf32>,
      %get3A_328 = arith.index_cast %select_n3A_291 : i32 to index
      %get3A_329 = arith.constant 0 : index
      %get3A_330 = tpu.vector_load %arg6[%get3A_328, %get3A_329] {strides = array<i32>} : memref<513x64xf32, #tpu.memory_space<vmem>>, vector<16xf32>,
      %get3A_331 = arith.index_cast %select_n3A_297 : i32 to index
      %get3A_332 = arith.constant 0 : index
      %get3A_333 = tpu.vector_load %arg6[%get3A_331, %get3A_332] {strides = array<i32>} : memref<513x64xf32, #tpu.memory_space<vmem>>, vector<16xf32>,
      %get3A_334 = arith.index_cast %select_n3A_303 : i32 to index
      %get3A_335 = arith.constant 0 : index
      %get3A_336 = tpu.vector_load %arg6[%get3A_334, %get3A_335] {strides = array<i32>} : memref<513x64xf32, #tpu.memory_space<vmem>>, vector<16xf32>,
      %get3A_337 = arith.index_cast %select_n3A_309 : i32 to index
      %get3A_338 = arith.constant 0 : index
      %get3A_339 = tpu.vector_load %arg6[%get3A_337, %get3A_338] {strides = array<i32>} : memref<513x64xf32, #tpu.memory_space<vmem>>, vector<16xf32>,
      %get3A_340 = arith.index_cast %select_n3A_315 : i32 to index
      %get3A_341 = arith.constant 0 : index
      %get3A_342 = tpu.vector_load %arg6[%get3A_340, %get3A_341] {strides = array<i32>} : memref<513x64xf32, #tpu.memory_space<vmem>>, vector<16xf32>,
      %add3A_343 = arith.addf %get3A_318, %get3A_321 : vector<16xf32>
      %add3A_344 = arith.addf %get3A_324, %get3A_327 : vector<16xf32>
      %add3A_345 = arith.addf %get3A_330, %get3A_333 : vector<16xf32>
      %add3A_346 = arith.addf %get3A_336, %get3A_339 : vector<16xf32>
      %add3A_347 = arith.addf %add3A_343, %add3A_344 : vector<16xf32>
      %add3A_348 = arith.addf %add3A_345, %add3A_346 : vector<16xf32>
      %add3A_349 = arith.addf %add3A_347, %add3A_348 : vector<16xf32>
      %add3A_350 = arith.addf %add3A_349, %get3A_342 : vector<16xf32>
      %swap3A_351 = arith.index_cast %add3A_272 : i32 to index
      %swap3A_352 = arith.constant 0 : index
      %swap3A_353 = tpu.vector_load %arg9[%swap3A_351, %swap3A_352] {strides = array<i32>} : memref<512x64xf32, #tpu.memory_space<vmem>>, vector<16xf32>,
      tpu.vector_store %arg9[%swap3A_351, %swap3A_352], %add3A_350 {strides = array<i32>} : memref<512x64xf32, #tpu.memory_space<vmem>>, vector<16xf32>,
      %get3A_354 = arith.index_cast %add3A_272 : i32 to index
      %get3A_355 = arith.constant 16 : index
      %get3A_356 = tpu.vector_load %arg6[%get3A_354, %get3A_355] {strides = array<i32>} : memref<513x64xf32, #tpu.memory_space<vmem>>, vector<16xf32>,
      %get3A_357 = arith.index_cast %select_n3A : i32 to index
      %get3A_358 = arith.constant 16 : index
      %get3A_359 = tpu.vector_load %arg6[%get3A_357, %get3A_358] {strides = array<i32>} : memref<513x64xf32, #tpu.memory_space<vmem>>, vector<16xf32>,
      %get3A_360 = arith.index_cast %select_n3A_279 : i32 to index
      %get3A_361 = arith.constant 16 : index
      %get3A_362 = tpu.vector_load %arg6[%get3A_360, %get3A_361] {strides = array<i32>} : memref<513x64xf32, #tpu.memory_space<vmem>>, vector<16xf32>,
      %get3A_363 = arith.index_cast %select_n3A_285 : i32 to index
      %get3A_364 = arith.constant 16 : index
      %get3A_365 = tpu.vector_load %arg6[%get3A_363, %get3A_364] {strides = array<i32>} : memref<513x64xf32, #tpu.memory_space<vmem>>, vector<16xf32>,
      %get3A_366 = arith.index_cast %select_n3A_291 : i32 to index
      %get3A_367 = arith.constant 16 : index
      %get3A_368 = tpu.vector_load %arg6[%get3A_366, %get3A_367] {strides = array<i32>} : memref<513x64xf32, #tpu.memory_space<vmem>>, vector<16xf32>,
      %get3A_369 = arith.index_cast %select_n3A_297 : i32 to index
      %get3A_370 = arith.constant 16 : index
      %get3A_371 = tpu.vector_load %arg6[%get3A_369, %get3A_370] {strides = array<i32>} : memref<513x64xf32, #tpu.memory_space<vmem>>, vector<16xf32>,
      %get3A_372 = arith.index_cast %select_n3A_303 : i32 to index
      %get3A_373 = arith.constant 16 : index
      %get3A_374 = tpu.vector_load %arg6[%get3A_372, %get3A_373] {strides = array<i32>} : memref<513x64xf32, #tpu.memory_space<vmem>>, vector<16xf32>,
      %get3A_375 = arith.index_cast %select_n3A_309 : i32 to index
      %get3A_376 = arith.constant 16 : index
      %get3A_377 = tpu.vector_load %arg6[%get3A_375, %get3A_376] {strides = array<i32>} : memref<513x64xf32, #tpu.memory_space<vmem>>, vector<16xf32>,
      %get3A_378 = arith.index_cast %select_n3A_315 : i32 to index
      %get3A_379 = arith.constant 16 : index
      %get3A_380 = tpu.vector_load %arg6[%get3A_378, %get3A_379] {strides = array<i32>} : memref<513x64xf32, #tpu.memory_space<vmem>>, vector<16xf32>,
      %add3A_381 = arith.addf %get3A_356, %get3A_359 : vector<16xf32>
      %add3A_382 = arith.addf %get3A_362, %get3A_365 : vector<16xf32>
      %add3A_383 = arith.addf %get3A_368, %get3A_371 : vector<16xf32>
      %add3A_384 = arith.addf %get3A_374, %get3A_377 : vector<16xf32>
      %add3A_385 = arith.addf %add3A_381, %add3A_382 : vector<16xf32>
      %add3A_386 = arith.addf %add3A_383, %add3A_384 : vector<16xf32>
      %add3A_387 = arith.addf %add3A_385, %add3A_386 : vector<16xf32>
      %add3A_388 = arith.addf %add3A_387, %get3A_380 : vector<16xf32>
      %swap3A_389 = arith.index_cast %add3A_272 : i32 to index
      %swap3A_390 = arith.constant 16 : index
      %swap3A_391 = tpu.vector_load %arg9[%swap3A_389, %swap3A_390] {strides = array<i32>} : memref<512x64xf32, #tpu.memory_space<vmem>>, vector<16xf32>,
      tpu.vector_store %arg9[%swap3A_389, %swap3A_390], %add3A_388 {strides = array<i32>} : memref<512x64xf32, #tpu.memory_space<vmem>>, vector<16xf32>,
      %get3A_392 = arith.index_cast %add3A_272 : i32 to index
      %get3A_393 = arith.constant 32 : index
      %get3A_394 = tpu.vector_load %arg6[%get3A_392, %get3A_393] {strides = array<i32>} : memref<513x64xf32, #tpu.memory_space<vmem>>, vector<16xf32>,
      %get3A_395 = arith.index_cast %select_n3A : i32 to index
      %get3A_396 = arith.constant 32 : index
      %get3A_397 = tpu.vector_load %arg6[%get3A_395, %get3A_396] {strides = array<i32>} : memref<513x64xf32, #tpu.memory_space<vmem>>, vector<16xf32>,
      %get3A_398 = arith.index_cast %select_n3A_279 : i32 to index
      %get3A_399 = arith.constant 32 : index
      %get3A_400 = tpu.vector_load %arg6[%get3A_398, %get3A_399] {strides = array<i32>} : memref<513x64xf32, #tpu.memory_space<vmem>>, vector<16xf32>,
      %get3A_401 = arith.index_cast %select_n3A_285 : i32 to index
      %get3A_402 = arith.constant 32 : index
      %get3A_403 = tpu.vector_load %arg6[%get3A_401, %get3A_402] {strides = array<i32>} : memref<513x64xf32, #tpu.memory_space<vmem>>, vector<16xf32>,
      %get3A_404 = arith.index_cast %select_n3A_291 : i32 to index
      %get3A_405 = arith.constant 32 : index
      %get3A_406 = tpu.vector_load %arg6[%get3A_404, %get3A_405] {strides = array<i32>} : memref<513x64xf32, #tpu.memory_space<vmem>>, vector<16xf32>,
      %get3A_407 = arith.index_cast %select_n3A_297 : i32 to index
      %get3A_408 = arith.constant 32 : index
      %get3A_409 = tpu.vector_load %arg6[%get3A_407, %get3A_408] {strides = array<i32>} : memref<513x64xf32, #tpu.memory_space<vmem>>, vector<16xf32>,
      %get3A_410 = arith.index_cast %select_n3A_303 : i32 to index
      %get3A_411 = arith.constant 32 : index
      %get3A_412 = tpu.vector_load %arg6[%get3A_410, %get3A_411] {strides = array<i32>} : memref<513x64xf32, #tpu.memory_space<vmem>>, vector<16xf32>,
      %get3A_413 = arith.index_cast %select_n3A_309 : i32 to index
      %get3A_414 = arith.constant 32 : index
      %get3A_415 = tpu.vector_load %arg6[%get3A_413, %get3A_414] {strides = array<i32>} : memref<513x64xf32, #tpu.memory_space<vmem>>, vector<16xf32>,
      %get3A_416 = arith.index_cast %select_n3A_315 : i32 to index
      %get3A_417 = arith.constant 32 : index
      %get3A_418 = tpu.vector_load %arg6[%get3A_416, %get3A_417] {strides = array<i32>} : memref<513x64xf32, #tpu.memory_space<vmem>>, vector<16xf32>,
      %add3A_419 = arith.addf %get3A_394, %get3A_397 : vector<16xf32>
      %add3A_420 = arith.addf %get3A_400, %get3A_403 : vector<16xf32>
      %add3A_421 = arith.addf %get3A_406, %get3A_409 : vector<16xf32>
      %add3A_422 = arith.addf %get3A_412, %get3A_415 : vector<16xf32>
      %add3A_423 = arith.addf %add3A_419, %add3A_420 : vector<16xf32>
      %add3A_424 = arith.addf %add3A_421, %add3A_422 : vector<16xf32>
      %add3A_425 = arith.addf %add3A_423, %add3A_424 : vector<16xf32>
      %add3A_426 = arith.addf %add3A_425, %get3A_418 : vector<16xf32>
      %swap3A_427 = arith.index_cast %add3A_272 : i32 to index
      %swap3A_428 = arith.constant 32 : index
      %swap3A_429 = tpu.vector_load %arg9[%swap3A_427, %swap3A_428] {strides = array<i32>} : memref<512x64xf32, #tpu.memory_space<vmem>>, vector<16xf32>,
      tpu.vector_store %arg9[%swap3A_427, %swap3A_428], %add3A_426 {strides = array<i32>} : memref<512x64xf32, #tpu.memory_space<vmem>>, vector<16xf32>,
      %get3A_430 = arith.index_cast %add3A_272 : i32 to index
      %get3A_431 = arith.constant 48 : index
      %get3A_432 = tpu.vector_load %arg6[%get3A_430, %get3A_431] {strides = array<i32>} : memref<513x64xf32, #tpu.memory_space<vmem>>, vector<16xf32>,
      %get3A_433 = arith.index_cast %select_n3A : i32 to index
      %get3A_434 = arith.constant 48 : index
      %get3A_435 = tpu.vector_load %arg6[%get3A_433, %get3A_434] {strides = array<i32>} : memref<513x64xf32, #tpu.memory_space<vmem>>, vector<16xf32>,
      %get3A_436 = arith.index_cast %select_n3A_279 : i32 to index
      %get3A_437 = arith.constant 48 : index
      %get3A_438 = tpu.vector_load %arg6[%get3A_436, %get3A_437] {strides = array<i32>} : memref<513x64xf32, #tpu.memory_space<vmem>>, vector<16xf32>,
      %get3A_439 = arith.index_cast %select_n3A_285 : i32 to index
      %get3A_440 = arith.constant 48 : index
      %get3A_441 = tpu.vector_load %arg6[%get3A_439, %get3A_440] {strides = array<i32>} : memref<513x64xf32, #tpu.memory_space<vmem>>, vector<16xf32>,
      %get3A_442 = arith.index_cast %select_n3A_291 : i32 to index
      %get3A_443 = arith.constant 48 : index
      %get3A_444 = tpu.vector_load %arg6[%get3A_442, %get3A_443] {strides = array<i32>} : memref<513x64xf32, #tpu.memory_space<vmem>>, vector<16xf32>,
      %get3A_445 = arith.index_cast %select_n3A_297 : i32 to index
      %get3A_446 = arith.constant 48 : index
      %get3A_447 = tpu.vector_load %arg6[%get3A_445, %get3A_446] {strides = array<i32>} : memref<513x64xf32, #tpu.memory_space<vmem>>, vector<16xf32>,
      %get3A_448 = arith.index_cast %select_n3A_303 : i32 to index
      %get3A_449 = arith.constant 48 : index
      %get3A_450 = tpu.vector_load %arg6[%get3A_448, %get3A_449] {strides = array<i32>} : memref<513x64xf32, #tpu.memory_space<vmem>>, vector<16xf32>,
      %get3A_451 = arith.index_cast %select_n3A_309 : i32 to index
      %get3A_452 = arith.constant 48 : index
      %get3A_453 = tpu.vector_load %arg6[%get3A_451, %get3A_452] {strides = array<i32>} : memref<513x64xf32, #tpu.memory_space<vmem>>, vector<16xf32>,
      %get3A_454 = arith.index_cast %select_n3A_315 : i32 to index
      %get3A_455 = arith.constant 48 : index
      %get3A_456 = tpu.vector_load %arg6[%get3A_454, %get3A_455] {strides = array<i32>} : memref<513x64xf32, #tpu.memory_space<vmem>>, vector<16xf32>,
      %add3A_457 = arith.addf %get3A_432, %get3A_435 : vector<16xf32>
      %add3A_458 = arith.addf %get3A_438, %get3A_441 : vector<16xf32>
      %add3A_459 = arith.addf %get3A_444, %get3A_447 : vector<16xf32>
      %add3A_460 = arith.addf %get3A_450, %get3A_453 : vector<16xf32>
      %add3A_461 = arith.addf %add3A_457, %add3A_458 : vector<16xf32>
      %add3A_462 = arith.addf %add3A_459, %add3A_460 : vector<16xf32>
      %add3A_463 = arith.addf %add3A_461, %add3A_462 : vector<16xf32>
      %add3A_464 = arith.addf %add3A_463, %get3A_456 : vector<16xf32>
      %swap3A_465 = arith.index_cast %add3A_272 : i32 to index
      %swap3A_466 = arith.constant 48 : index
      %swap3A_467 = tpu.vector_load %arg9[%swap3A_465, %swap3A_466] {strides = array<i32>} : memref<512x64xf32, #tpu.memory_space<vmem>>, vector<16xf32>,
      tpu.vector_store %arg9[%swap3A_465, %swap3A_466], %add3A_464 {strides = array<i32>} : memref<512x64xf32, #tpu.memory_space<vmem>>, vector<16xf32>,
      %mul3A_468 = arith.constant 2 : i32
      %mul3A_469 = arith.muli %scan3A_264, %mul3A_468 : i32
      %add3A_470 = arith.constant 1 : i32
      %add3A_471 = arith.addi %mul3A_469, %add3A_470 : i32
      %slice3A_472 = vector.extract_strided_slice %get3A_268 {offsets = [8], sizes = [1], strides = [1]} : vector<16xi32> to vector<1xi32>
      %squeeze3A_473 = vector.extract %slice3A_472[0] : i32 from vector<1xi32>
      %lt3A_474 = arith.constant 0 : i32
      %lt3A_475 = arith.cmpi slt, %squeeze3A_473, %lt3A_474 : i32
      %jit3A_476 = arith.constant 512 : i32
      %select_n3A_477 = arith.select %lt3A_475, %jit3A_476, %squeeze3A_473 : i32
      %slice3A_478 = vector.extract_strided_slice %get3A_268 {offsets = [9], sizes = [1], strides = [1]} : vector<16xi32> to vector<1xi32>
      %squeeze3A_479 = vector.extract %slice3A_478[0] : i32 from vector<1xi32>
      %lt3A_480 = arith.constant 0 : i32
      %lt3A_481 = arith.cmpi slt, %squeeze3A_479, %lt3A_480 : i32
      %jit3A_482 = arith.constant 512 : i32
      %select_n3A_483 = arith.select %lt3A_481, %jit3A_482, %squeeze3A_479 : i32
      %slice3A_484 = vector.extract_strided_slice %get3A_268 {offsets = [10], sizes = [1], strides = [1]} : vector<16xi32> to vector<1xi32>
      %squeeze3A_485 = vector.extract %slice3A_484[0] : i32 from vector<1xi32>
      %lt3A_486 = arith.constant 0 : i32
      %lt3A_487 = arith.cmpi slt, %squeeze3A_485, %lt3A_486 : i32
      %jit3A_488 = arith.constant 512 : i32
      %select_n3A_489 = arith.select %lt3A_487, %jit3A_488, %squeeze3A_485 : i32
      %slice3A_490 = vector.extract_strided_slice %get3A_268 {offsets = [11], sizes = [1], strides = [1]} : vector<16xi32> to vector<1xi32>
      %squeeze3A_491 = vector.extract %slice3A_490[0] : i32 from vector<1xi32>
      %lt3A_492 = arith.constant 0 : i32
      %lt3A_493 = arith.cmpi slt, %squeeze3A_491, %lt3A_492 : i32
      %jit3A_494 = arith.constant 512 : i32
      %select_n3A_495 = arith.select %lt3A_493, %jit3A_494, %squeeze3A_491 : i32
      %slice3A_496 = vector.extract_strided_slice %get3A_268 {offsets = [12], sizes = [1], strides = [1]} : vector<16xi32> to vector<1xi32>
      %squeeze3A_497 = vector.extract %slice3A_496[0] : i32 from vector<1xi32>
      %lt3A_498 = arith.constant 0 : i32
      %lt3A_499 = arith.cmpi slt, %squeeze3A_497, %lt3A_498 : i32
      %jit3A_500 = arith.constant 512 : i32
      %select_n3A_501 = arith.select %lt3A_499, %jit3A_500, %squeeze3A_497 : i32
      %slice3A_502 = vector.extract_strided_slice %get3A_268 {offsets = [13], sizes = [1], strides = [1]} : vector<16xi32> to vector<1xi32>
      %squeeze3A_503 = vector.extract %slice3A_502[0] : i32 from vector<1xi32>
      %lt3A_504 = arith.constant 0 : i32
      %lt3A_505 = arith.cmpi slt, %squeeze3A_503, %lt3A_504 : i32
      %jit3A_506 = arith.constant 512 : i32
      %select_n3A_507 = arith.select %lt3A_505, %jit3A_506, %squeeze3A_503 : i32
      %slice3A_508 = vector.extract_strided_slice %get3A_268 {offsets = [14], sizes = [1], strides = [1]} : vector<16xi32> to vector<1xi32>
      %squeeze3A_509 = vector.extract %slice3A_508[0] : i32 from vector<1xi32>
      %lt3A_510 = arith.constant 0 : i32
      %lt3A_511 = arith.cmpi slt, %squeeze3A_509, %lt3A_510 : i32
      %jit3A_512 = arith.constant 512 : i32
      %select_n3A_513 = arith.select %lt3A_511, %jit3A_512, %squeeze3A_509 : i32
      %slice3A_514 = vector.extract_strided_slice %get3A_268 {offsets = [15], sizes = [1], strides = [1]} : vector<16xi32> to vector<1xi32>
      %squeeze3A_515 = vector.extract %slice3A_514[0] : i32 from vector<1xi32>
      %lt3A_516 = arith.constant 0 : i32
      %lt3A_517 = arith.cmpi slt, %squeeze3A_515, %lt3A_516 : i32
      %jit3A_518 = arith.constant 512 : i32
      %select_n3A_519 = arith.select %lt3A_517, %jit3A_518, %squeeze3A_515 : i32
      %get3A_520 = arith.index_cast %add3A_471 : i32 to index
      %get3A_521 = arith.constant 0 : index
      %get3A_522 = tpu.vector_load %arg6[%get3A_520, %get3A_521] {strides = array<i32>} : memref<513x64xf32, #tpu.memory_space<vmem>>, vector<16xf32>,
      %get3A_523 = arith.index_cast %select_n3A_477 : i32 to index
      %get3A_524 = arith.constant 0 : index
      %get3A_525 = tpu.vector_load %arg6[%get3A_523, %get3A_524] {strides = array<i32>} : memref<513x64xf32, #tpu.memory_space<vmem>>, vector<16xf32>,
      %get3A_526 = arith.index_cast %select_n3A_483 : i32 to index
      %get3A_527 = arith.constant 0 : index
      %get3A_528 = tpu.vector_load %arg6[%get3A_526, %get3A_527] {strides = array<i32>} : memref<513x64xf32, #tpu.memory_space<vmem>>, vector<16xf32>,
      %get3A_529 = arith.index_cast %select_n3A_489 : i32 to index
      %get3A_530 = arith.constant 0 : index
      %get3A_531 = tpu.vector_load %arg6[%get3A_529, %get3A_530] {strides = array<i32>} : memref<513x64xf32, #tpu.memory_space<vmem>>, vector<16xf32>,
      %get3A_532 = arith.index_cast %select_n3A_495 : i32 to index
      %get3A_533 = arith.constant 0 : index
      %get3A_534 = tpu.vector_load %arg6[%get3A_532, %get3A_533] {strides = array<i32>} : memref<513x64xf32, #tpu.memory_space<vmem>>, vector<16xf32>,
      %get3A_535 = arith.index_cast %select_n3A_501 : i32 to index
      %get3A_536 = arith.constant 0 : index
      %get3A_537 = tpu.vector_load %arg6[%get3A_535, %get3A_536] {strides = array<i32>} : memref<513x64xf32, #tpu.memory_space<vmem>>, vector<16xf32>,
      %get3A_538 = arith.index_cast %select_n3A_507 : i32 to index
      %get3A_539 = arith.constant 0 : index
      %get3A_540 = tpu.vector_load %arg6[%get3A_538, %get3A_539] {strides = array<i32>} : memref<513x64xf32, #tpu.memory_space<vmem>>, vector<16xf32>,
      %get3A_541 = arith.index_cast %select_n3A_513 : i32 to index
      %get3A_542 = arith.constant 0 : index
      %get3A_543 = tpu.vector_load %arg6[%get3A_541, %get3A_542] {strides = array<i32>} : memref<513x64xf32, #tpu.memory_space<vmem>>, vector<16xf32>,
      %get3A_544 = arith.index_cast %select_n3A_519 : i32 to index
      %get3A_545 = arith.constant 0 : index
      %get3A_546 = tpu.vector_load %arg6[%get3A_544, %get3A_545] {strides = array<i32>} : memref<513x64xf32, #tpu.memory_space<vmem>>, vector<16xf32>,
      %add3A_547 = arith.addf %get3A_522, %get3A_525 : vector<16xf32>
      %add3A_548 = arith.addf %get3A_528, %get3A_531 : vector<16xf32>
      %add3A_549 = arith.addf %get3A_534, %get3A_537 : vector<16xf32>
      %add3A_550 = arith.addf %get3A_540, %get3A_543 : vector<16xf32>
      %add3A_551 = arith.addf %add3A_547, %add3A_548 : vector<16xf32>
      %add3A_552 = arith.addf %add3A_549, %add3A_550 : vector<16xf32>
      %add3A_553 = arith.addf %add3A_551, %add3A_552 : vector<16xf32>
      %add3A_554 = arith.addf %add3A_553, %get3A_546 : vector<16xf32>
      %swap3A_555 = arith.index_cast %add3A_471 : i32 to index
      %swap3A_556 = arith.constant 0 : index
      %swap3A_557 = tpu.vector_load %arg9[%swap3A_555, %swap3A_556] {strides = array<i32>} : memref<512x64xf32, #tpu.memory_space<vmem>>, vector<16xf32>,
      tpu.vector_store %arg9[%swap3A_555, %swap3A_556], %add3A_554 {strides = array<i32>} : memref<512x64xf32, #tpu.memory_space<vmem>>, vector<16xf32>,
      %get3A_558 = arith.index_cast %add3A_471 : i32 to index
      %get3A_559 = arith.constant 16 : index
      %get3A_560 = tpu.vector_load %arg6[%get3A_558, %get3A_559] {strides = array<i32>} : memref<513x64xf32, #tpu.memory_space<vmem>>, vector<16xf32>,
      %get3A_561 = arith.index_cast %select_n3A_477 : i32 to index
      %get3A_562 = arith.constant 16 : index
      %get3A_563 = tpu.vector_load %arg6[%get3A_561, %get3A_562] {strides = array<i32>} : memref<513x64xf32, #tpu.memory_space<vmem>>, vector<16xf32>,
      %get3A_564 = arith.index_cast %select_n3A_483 : i32 to index
      %get3A_565 = arith.constant 16 : index
      %get3A_566 = tpu.vector_load %arg6[%get3A_564, %get3A_565] {strides = array<i32>} : memref<513x64xf32, #tpu.memory_space<vmem>>, vector<16xf32>,
      %get3A_567 = arith.index_cast %select_n3A_489 : i32 to index
      %get3A_568 = arith.constant 16 : index
      %get3A_569 = tpu.vector_load %arg6[%get3A_567, %get3A_568] {strides = array<i32>} : memref<513x64xf32, #tpu.memory_space<vmem>>, vector<16xf32>,
      %get3A_570 = arith.index_cast %select_n3A_495 : i32 to index
      %get3A_571 = arith.constant 16 : index
      %get3A_572 = tpu.vector_load %arg6[%get3A_570, %get3A_571] {strides = array<i32>} : memref<513x64xf32, #tpu.memory_space<vmem>>, vector<16xf32>,
      %get3A_573 = arith.index_cast %select_n3A_501 : i32 to index
      %get3A_574 = arith.constant 16 : index
      %get3A_575 = tpu.vector_load %arg6[%get3A_573, %get3A_574] {strides = array<i32>} : memref<513x64xf32, #tpu.memory_space<vmem>>, vector<16xf32>,
      %get3A_576 = arith.index_cast %select_n3A_507 : i32 to index
      %get3A_577 = arith.constant 16 : index
      %get3A_578 = tpu.vector_load %arg6[%get3A_576, %get3A_577] {strides = array<i32>} : memref<513x64xf32, #tpu.memory_space<vmem>>, vector<16xf32>,
      %get3A_579 = arith.index_cast %select_n3A_513 : i32 to index
      %get3A_580 = arith.constant 16 : index
      %get3A_581 = tpu.vector_load %arg6[%get3A_579, %get3A_580] {strides = array<i32>} : memref<513x64xf32, #tpu.memory_space<vmem>>, vector<16xf32>,
      %get3A_582 = arith.index_cast %select_n3A_519 : i32 to index
      %get3A_583 = arith.constant 16 : index
      %get3A_584 = tpu.vector_load %arg6[%get3A_582, %get3A_583] {strides = array<i32>} : memref<513x64xf32, #tpu.memory_space<vmem>>, vector<16xf32>,
      %add3A_585 = arith.addf %get3A_560, %get3A_563 : vector<16xf32>
      %add3A_586 = arith.addf %get3A_566, %get3A_569 : vector<16xf32>
      %add3A_587 = arith.addf %get3A_572, %get3A_575 : vector<16xf32>
      %add3A_588 = arith.addf %get3A_578, %get3A_581 : vector<16xf32>
      %add3A_589 = arith.addf %add3A_585, %add3A_586 : vector<16xf32>
      %add3A_590 = arith.addf %add3A_587, %add3A_588 : vector<16xf32>
      %add3A_591 = arith.addf %add3A_589, %add3A_590 : vector<16xf32>
      %add3A_592 = arith.addf %add3A_591, %get3A_584 : vector<16xf32>
      %swap3A_593 = arith.index_cast %add3A_471 : i32 to index
      %swap3A_594 = arith.constant 16 : index
      %swap3A_595 = tpu.vector_load %arg9[%swap3A_593, %swap3A_594] {strides = array<i32>} : memref<512x64xf32, #tpu.memory_space<vmem>>, vector<16xf32>,
      tpu.vector_store %arg9[%swap3A_593, %swap3A_594], %add3A_592 {strides = array<i32>} : memref<512x64xf32, #tpu.memory_space<vmem>>, vector<16xf32>,
      %get3A_596 = arith.index_cast %add3A_471 : i32 to index
      %get3A_597 = arith.constant 32 : index
      %get3A_598 = tpu.vector_load %arg6[%get3A_596, %get3A_597] {strides = array<i32>} : memref<513x64xf32, #tpu.memory_space<vmem>>, vector<16xf32>,
      %get3A_599 = arith.index_cast %select_n3A_477 : i32 to index
      %get3A_600 = arith.constant 32 : index
      %get3A_601 = tpu.vector_load %arg6[%get3A_599, %get3A_600] {strides = array<i32>} : memref<513x64xf32, #tpu.memory_space<vmem>>, vector<16xf32>,
      %get3A_602 = arith.index_cast %select_n3A_483 : i32 to index
      %get3A_603 = arith.constant 32 : index
      %get3A_604 = tpu.vector_load %arg6[%get3A_602, %get3A_603] {strides = array<i32>} : memref<513x64xf32, #tpu.memory_space<vmem>>, vector<16xf32>,
      %get3A_605 = arith.index_cast %select_n3A_489 : i32 to index
      %get3A_606 = arith.constant 32 : index
      %get3A_607 = tpu.vector_load %arg6[%get3A_605, %get3A_606] {strides = array<i32>} : memref<513x64xf32, #tpu.memory_space<vmem>>, vector<16xf32>,
      %get3A_608 = arith.index_cast %select_n3A_495 : i32 to index
      %get3A_609 = arith.constant 32 : index
      %get3A_610 = tpu.vector_load %arg6[%get3A_608, %get3A_609] {strides = array<i32>} : memref<513x64xf32, #tpu.memory_space<vmem>>, vector<16xf32>,
      %get3A_611 = arith.index_cast %select_n3A_501 : i32 to index
      %get3A_612 = arith.constant 32 : index
      %get3A_613 = tpu.vector_load %arg6[%get3A_611, %get3A_612] {strides = array<i32>} : memref<513x64xf32, #tpu.memory_space<vmem>>, vector<16xf32>,
      %get3A_614 = arith.index_cast %select_n3A_507 : i32 to index
      %get3A_615 = arith.constant 32 : index
      %get3A_616 = tpu.vector_load %arg6[%get3A_614, %get3A_615] {strides = array<i32>} : memref<513x64xf32, #tpu.memory_space<vmem>>, vector<16xf32>,
      %get3A_617 = arith.index_cast %select_n3A_513 : i32 to index
      %get3A_618 = arith.constant 32 : index
      %get3A_619 = tpu.vector_load %arg6[%get3A_617, %get3A_618] {strides = array<i32>} : memref<513x64xf32, #tpu.memory_space<vmem>>, vector<16xf32>,
      %get3A_620 = arith.index_cast %select_n3A_519 : i32 to index
      %get3A_621 = arith.constant 32 : index
      %get3A_622 = tpu.vector_load %arg6[%get3A_620, %get3A_621] {strides = array<i32>} : memref<513x64xf32, #tpu.memory_space<vmem>>, vector<16xf32>,
      %add3A_623 = arith.addf %get3A_598, %get3A_601 : vector<16xf32>
      %add3A_624 = arith.addf %get3A_604, %get3A_607 : vector<16xf32>
      %add3A_625 = arith.addf %get3A_610, %get3A_613 : vector<16xf32>
      %add3A_626 = arith.addf %get3A_616, %get3A_619 : vector<16xf32>
      %add3A_627 = arith.addf %add3A_623, %add3A_624 : vector<16xf32>
      %add3A_628 = arith.addf %add3A_625, %add3A_626 : vector<16xf32>
      %add3A_629 = arith.addf %add3A_627, %add3A_628 : vector<16xf32>
      %add3A_630 = arith.addf %add3A_629, %get3A_622 : vector<16xf32>
      %swap3A_631 = arith.index_cast %add3A_471 : i32 to index
      %swap3A_632 = arith.constant 32 : index
      %swap3A_633 = tpu.vector_load %arg9[%swap3A_631, %swap3A_632] {strides = array<i32>} : memref<512x64xf32, #tpu.memory_space<vmem>>, vector<16xf32>,
      tpu.vector_store %arg9[%swap3A_631, %swap3A_632], %add3A_630 {strides = array<i32>} : memref<512x64xf32, #tpu.memory_space<vmem>>, vector<16xf32>,
      %get3A_634 = arith.index_cast %add3A_471 : i32 to index
      %get3A_635 = arith.constant 48 : index
      %get3A_636 = tpu.vector_load %arg6[%get3A_634, %get3A_635] {strides = array<i32>} : memref<513x64xf32, #tpu.memory_space<vmem>>, vector<16xf32>,
      %get3A_637 = arith.index_cast %select_n3A_477 : i32 to index
      %get3A_638 = arith.constant 48 : index
      %get3A_639 = tpu.vector_load %arg6[%get3A_637, %get3A_638] {strides = array<i32>} : memref<513x64xf32, #tpu.memory_space<vmem>>, vector<16xf32>,
      %get3A_640 = arith.index_cast %select_n3A_483 : i32 to index
      %get3A_641 = arith.constant 48 : index
      %get3A_642 = tpu.vector_load %arg6[%get3A_640, %get3A_641] {strides = array<i32>} : memref<513x64xf32, #tpu.memory_space<vmem>>, vector<16xf32>,
      %get3A_643 = arith.index_cast %select_n3A_489 : i32 to index
      %get3A_644 = arith.constant 48 : index
      %get3A_645 = tpu.vector_load %arg6[%get3A_643, %get3A_644] {strides = array<i32>} : memref<513x64xf32, #tpu.memory_space<vmem>>, vector<16xf32>,
      %get3A_646 = arith.index_cast %select_n3A_495 : i32 to index
      %get3A_647 = arith.constant 48 : index
      %get3A_648 = tpu.vector_load %arg6[%get3A_646, %get3A_647] {strides = array<i32>} : memref<513x64xf32, #tpu.memory_space<vmem>>, vector<16xf32>,
      %get3A_649 = arith.index_cast %select_n3A_501 : i32 to index
      %get3A_650 = arith.constant 48 : index
      %get3A_651 = tpu.vector_load %arg6[%get3A_649, %get3A_650] {strides = array<i32>} : memref<513x64xf32, #tpu.memory_space<vmem>>, vector<16xf32>,
      %get3A_652 = arith.index_cast %select_n3A_507 : i32 to index
      %get3A_653 = arith.constant 48 : index
      %get3A_654 = tpu.vector_load %arg6[%get3A_652, %get3A_653] {strides = array<i32>} : memref<513x64xf32, #tpu.memory_space<vmem>>, vector<16xf32>,
      %get3A_655 = arith.index_cast %select_n3A_513 : i32 to index
      %get3A_656 = arith.constant 48 : index
      %get3A_657 = tpu.vector_load %arg6[%get3A_655, %get3A_656] {strides = array<i32>} : memref<513x64xf32, #tpu.memory_space<vmem>>, vector<16xf32>,
      %get3A_658 = arith.index_cast %select_n3A_519 : i32 to index
      %get3A_659 = arith.constant 48 : index
      %get3A_660 = tpu.vector_load %arg6[%get3A_658, %get3A_659] {strides = array<i32>} : memref<513x64xf32, #tpu.memory_space<vmem>>, vector<16xf32>,
      %add3A_661 = arith.addf %get3A_636, %get3A_639 : vector<16xf32>
      %add3A_662 = arith.addf %get3A_642, %get3A_645 : vector<16xf32>
      %add3A_663 = arith.addf %get3A_648, %get3A_651 : vector<16xf32>
      %add3A_664 = arith.addf %get3A_654, %get3A_657 : vector<16xf32>
      %add3A_665 = arith.addf %add3A_661, %add3A_662 : vector<16xf32>
      %add3A_666 = arith.addf %add3A_663, %add3A_664 : vector<16xf32>
      %add3A_667 = arith.addf %add3A_665, %add3A_666 : vector<16xf32>
      %add3A_668 = arith.addf %add3A_667, %get3A_660 : vector<16xf32>
      %swap3A_669 = arith.index_cast %add3A_471 : i32 to index
      %swap3A_670 = arith.constant 48 : index
      %swap3A_671 = tpu.vector_load %arg9[%swap3A_669, %swap3A_670] {strides = array<i32>} : memref<512x64xf32, #tpu.memory_space<vmem>>, vector<16xf32>,
      tpu.vector_store %arg9[%swap3A_669, %swap3A_670], %add3A_668 {strides = array<i32>} : memref<512x64xf32, #tpu.memory_space<vmem>>, vector<16xf32>,
      %scan3A_672 = arith.constant 0 : i32
      scf.yield %scan3A_672 : i32
    }
    %scan3A_173 = arith.constant 256 : i32
    %mul3A_174 = arith.constant 4 : i32
    %mul3A_175 = arith.muli %add3A, %mul3A_174 : i32
    %add3A_176 = arith.constant 1 : i32
    %add3A_177 = arith.addi %mul3A_175, %add3A_176 : i32
    "tpu.region"() ({
      %run_scoped3A = tpu.sem_alloc : memref<!tpu.dma_semaphore, #tpu.memory_space<semaphore_mem>>
      %dma_start3A_264 = arith.constant 0 : i32
      %dma_start3A_265 = arith.constant 0 : i32
      %dma_start3A_266 = tpu.memref_slice %arg4[%add3A_177, %dma_start3A_264, %dma_start3A_265] : memref<128x512x64xf32, #tpu.memory_space<hbm>> -> memref<1x512x64xf32, #tpu.memory_space<hbm>>
      %dma_start3A_267 = tpu.memref_squeeze %dma_start3A_266 : memref<1x512x64xf32, #tpu.memory_space<hbm>> -> memref<512x64xf32, #tpu.memory_space<hbm>>
      %dma_start3A_268 = arith.constant 0 : i32
      %dma_start3A_269 = arith.constant 0 : i32
      %dma_start3A_270 = tpu.memref_slice %arg4[%add3A_177, %dma_start3A_268, %dma_start3A_269] : memref<128x512x64xf32, #tpu.memory_space<hbm>> -> memref<1x512x64xf32, #tpu.memory_space<hbm>>
      %dma_start3A_271 = tpu.memref_squeeze %dma_start3A_270 : memref<1x512x64xf32, #tpu.memory_space<hbm>> -> memref<512x64xf32, #tpu.memory_space<hbm>>
      tpu.enqueue_dma source(%arg9 : memref<512x64xf32, #tpu.memory_space<vmem>>) target(%dma_start3A_271 : memref<512x64xf32, #tpu.memory_space<hbm>>) target_semaphore(%run_scoped3A : memref<!tpu.dma_semaphore, #tpu.memory_space<semaphore_mem>>)
      %dma_wait3A_272 = arith.constant 0 : i32
      %dma_wait3A_273 = arith.constant 0 : i32
      %dma_wait3A_274 = tpu.memref_slice %arg4[%add3A_177, %dma_wait3A_272, %dma_wait3A_273] : memref<128x512x64xf32, #tpu.memory_space<hbm>> -> memref<1x512x64xf32, #tpu.memory_space<hbm>>
      %dma_wait3A_275 = tpu.memref_squeeze %dma_wait3A_274 : memref<1x512x64xf32, #tpu.memory_space<hbm>> -> memref<512x64xf32, #tpu.memory_space<hbm>>
      %dma_wait3A_276 = arith.constant 0 : i32
      %dma_wait3A_277 = arith.constant 0 : i32
      %dma_wait3A_278 = tpu.memref_slice %arg4[%add3A_177, %dma_wait3A_276, %dma_wait3A_277] : memref<128x512x64xf32, #tpu.memory_space<hbm>> -> memref<1x512x64xf32, #tpu.memory_space<hbm>>
      %dma_wait3A_279 = tpu.memref_squeeze %dma_wait3A_278 : memref<1x512x64xf32, #tpu.memory_space<hbm>> -> memref<512x64xf32, #tpu.memory_space<hbm>>
      tpu.wait_dma2 semaphore(%run_scoped3A : memref<!tpu.dma_semaphore, #tpu.memory_space<semaphore_mem>>) src(%arg9 : memref<512x64xf32, #tpu.memory_space<vmem>>) dst(%dma_wait3A_279 : memref<512x64xf32, #tpu.memory_space<hbm>>)
      tpu.yield
    }) : () -> ()
    %dma_wait3A_178 = arith.constant 0 : i32
    %dma_wait3A_179 = arith.constant 0 : i32
    %dma_wait3A_180 = tpu.memref_slice %arg5[%dma_wait3A_178, %dma_wait3A_179] : memref<513x64xf32, #tpu.memory_space<vmem>> -> memref<512x64xf32, #tpu.memory_space<vmem>>
    %dma_wait3A_181 = arith.constant 0 : i32
    %dma_wait3A_182 = arith.constant 0 : i32
    %dma_wait3A_183 = tpu.memref_slice %arg2[%add3A_146, %dma_wait3A_181, %dma_wait3A_182] : memref<128x512x64xf32, #tpu.memory_space<hbm>> -> memref<1x512x64xf32, #tpu.memory_space<hbm>>
    %dma_wait3A_184 = tpu.memref_squeeze %dma_wait3A_183 : memref<1x512x64xf32, #tpu.memory_space<hbm>> -> memref<512x64xf32, #tpu.memory_space<hbm>>
    %dma_wait3A_185 = arith.constant 0 : i32
    %dma_wait3A_186 = arith.constant 0 : i32
    %dma_wait3A_187 = tpu.memref_slice %arg5[%dma_wait3A_185, %dma_wait3A_186] : memref<513x64xf32, #tpu.memory_space<vmem>> -> memref<512x64xf32, #tpu.memory_space<vmem>>
    %dma_wait3A_188 = arith.constant 0 : i32
    %dma_wait3A_189 = arith.constant 0 : i32
    %dma_wait3A_190 = tpu.memref_slice %arg2[%add3A_146, %dma_wait3A_188, %dma_wait3A_189] : memref<128x512x64xf32, #tpu.memory_space<hbm>> -> memref<1x512x64xf32, #tpu.memory_space<hbm>>
    %dma_wait3A_191 = tpu.memref_squeeze %dma_wait3A_190 : memref<1x512x64xf32, #tpu.memory_space<hbm>> -> memref<512x64xf32, #tpu.memory_space<hbm>>
    tpu.wait_dma2 semaphore(%arg10 : memref<!tpu.dma_semaphore, #tpu.memory_space<semaphore_mem>>) src(%dma_wait3A_191 : memref<512x64xf32, #tpu.memory_space<hbm>>) dst(%dma_wait3A_187 : memref<512x64xf32, #tpu.memory_space<vmem>>)
    %dma_wait3A_192 = arith.constant 0 : i32
    %dma_wait3A_193 = tpu.memref_slice %arg3[%add3A_146, %dma_wait3A_192] : memref<128x4096xi32, #tpu.memory_space<hbm>> -> memref<1x4096xi32, #tpu.memory_space<hbm>>
    %dma_wait3A_194 = tpu.memref_squeeze %dma_wait3A_193 : memref<1x4096xi32, #tpu.memory_space<hbm>> -> memref<4096xi32, #tpu.memory_space<hbm>>
    %dma_wait3A_195 = arith.constant 0 : i32
    %dma_wait3A_196 = tpu.memref_slice %arg3[%add3A_146, %dma_wait3A_195] : memref<128x4096xi32, #tpu.memory_space<hbm>> -> memref<1x4096xi32, #tpu.memory_space<hbm>>
    %dma_wait3A_197 = tpu.memref_squeeze %dma_wait3A_196 : memref<1x4096xi32, #tpu.memory_space<hbm>> -> memref<4096xi32, #tpu.memory_space<hbm>>
    tpu.wait_dma2 semaphore(%arg11 : memref<!tpu.dma_semaphore, #tpu.memory_space<semaphore_mem>>) src(%dma_wait3A_197 : memref<4096xi32, #tpu.memory_space<hbm>>) dst(%arg7 : memref<4096xi32, #tpu.memory_space<vmem>>)
    %mul3A_198 = arith.constant 4 : i32
    %mul3A_199 = arith.muli %add3A, %mul3A_198 : i32
    %add3A_200 = arith.constant 3 : i32
    %add3A_201 = arith.addi %mul3A_199, %add3A_200 : i32
    %dma_start3A_202 = arith.constant 0 : i32
    %dma_start3A_203 = arith.constant 0 : i32
    %dma_start3A_204 = tpu.memref_slice %arg6[%dma_start3A_202, %dma_start3A_203] : memref<513x64xf32, #tpu.memory_space<vmem>> -> memref<512x64xf32, #tpu.memory_space<vmem>>
    %dma_start3A_205 = arith.constant 0 : i32
    %dma_start3A_206 = arith.constant 0 : i32
    %dma_start3A_207 = tpu.memref_slice %arg2[%add3A_201, %dma_start3A_205, %dma_start3A_206] : memref<128x512x64xf32, #tpu.memory_space<hbm>> -> memref<1x512x64xf32, #tpu.memory_space<hbm>>
    %dma_start3A_208 = tpu.memref_squeeze %dma_start3A_207 : memref<1x512x64xf32, #tpu.memory_space<hbm>> -> memref<512x64xf32, #tpu.memory_space<hbm>>
    %dma_start3A_209 = arith.constant 0 : i32
    %dma_start3A_210 = arith.constant 0 : i32
    %dma_start3A_211 = tpu.memref_slice %arg6[%dma_start3A_209, %dma_start3A_210] : memref<513x64xf32, #tpu.memory_space<vmem>> -> memref<512x64xf32, #tpu.memory_space<vmem>>
    %dma_start3A_212 = arith.constant 0 : i32
    %dma_start3A_213 = arith.constant 0 : i32
    %dma_start3A_214 = tpu.memref_slice %arg2[%add3A_201, %dma_start3A_212, %dma_start3A_213] : memref<128x512x64xf32, #tpu.memory_space<hbm>> -> memref<1x512x64xf32, #tpu.memory_space<hbm>>
    %dma_start3A_215 = tpu.memref_squeeze %dma_start3A_214 : memref<1x512x64xf32, #tpu.memory_space<hbm>> -> memref<512x64xf32, #tpu.memory_space<hbm>>
    tpu.enqueue_dma source(%dma_start3A_215 : memref<512x64xf32, #tpu.memory_space<hbm>>) target(%dma_start3A_211 : memref<512x64xf32, #tpu.memory_space<vmem>>) target_semaphore(%arg12 : memref<!tpu.dma_semaphore, #tpu.memory_space<semaphore_mem>>)
    %dma_start3A_216 = arith.constant 0 : i32
    %dma_start3A_217 = tpu.memref_slice %arg3[%add3A_201, %dma_start3A_216] : memref<128x4096xi32, #tpu.memory_space<hbm>> -> memref<1x4096xi32, #tpu.memory_space<hbm>>
    %dma_start3A_218 = tpu.memref_squeeze %dma_start3A_217 : memref<1x4096xi32, #tpu.memory_space<hbm>> -> memref<4096xi32, #tpu.memory_space<hbm>>
    %dma_start3A_219 = arith.constant 0 : i32
    %dma_start3A_220 = tpu.memref_slice %arg3[%add3A_201, %dma_start3A_219] : memref<128x4096xi32, #tpu.memory_space<hbm>> -> memref<1x4096xi32, #tpu.memory_space<hbm>>
    %dma_start3A_221 = tpu.memref_squeeze %dma_start3A_220 : memref<1x4096xi32, #tpu.memory_space<hbm>> -> memref<4096xi32, #tpu.memory_space<hbm>>
    tpu.enqueue_dma source(%dma_start3A_221 : memref<4096xi32, #tpu.memory_space<hbm>>) target(%arg8 : memref<4096xi32, #tpu.memory_space<vmem>>) target_semaphore(%arg13 : memref<!tpu.dma_semaphore, #tpu.memory_space<semaphore_mem>>)
    %scan3A_222 = arith.constant 0 : i32
    %scan3A_223 = arith.constant 0 : i32
    %scan3A_224 = arith.constant 256 : i32
    %scan3A_225 = arith.addi %scan3A_223, %scan3A_224 : i32
    %scan3A_226 = arith.constant 1 : i32
    %scan3A_227 = scf.for %scan3A_264 = %scan3A_223 to %scan3A_225 step %scan3A_226 iter_args(%scan3A_265 = %scan3A_222) -> (i32)  : i32 {
      %mul3A_266 = arith.constant 16 : i32
      %mul3A_267 = arith.muli %scan3A_264, %mul3A_266 : i32
      %get3A = arith.index_cast %mul3A_267 : i32 to index
      %get3A_268 = tpu.vector_load %arg7[%get3A] {strides = array<i32>} : memref<4096xi32, #tpu.memory_space<vmem>>, vector<16xi32>,
      %mul3A_269 = arith.constant 2 : i32
      %mul3A_270 = arith.muli %scan3A_264, %mul3A_269 : i32
      %add3A_271 = arith.constant 0 : i32
      %add3A_272 = arith.addi %mul3A_270, %add3A_271 : i32
      %slice3A = vector.extract_strided_slice %get3A_268 {offsets = [0], sizes = [1], strides = [1]} : vector<16xi32> to vector<1xi32>
      %squeeze3A = vector.extract %slice3A[0] : i32 from vector<1xi32>
      %lt3A = arith.constant 0 : i32
      %lt3A_273 = arith.cmpi slt, %squeeze3A, %lt3A : i32
      %jit3A = arith.constant 512 : i32
      %select_n3A = arith.select %lt3A_273, %jit3A, %squeeze3A : i32
      %slice3A_274 = vector.extract_strided_slice %get3A_268 {offsets = [1], sizes = [1], strides = [1]} : vector<16xi32> to vector<1xi32>
      %squeeze3A_275 = vector.extract %slice3A_274[0] : i32 from vector<1xi32>
      %lt3A_276 = arith.constant 0 : i32
      %lt3A_277 = arith.cmpi slt, %squeeze3A_275, %lt3A_276 : i32
      %jit3A_278 = arith.constant 512 : i32
      %select_n3A_279 = arith.select %lt3A_277, %jit3A_278, %squeeze3A_275 : i32
      %slice3A_280 = vector.extract_strided_slice %get3A_268 {offsets = [2], sizes = [1], strides = [1]} : vector<16xi32> to vector<1xi32>
      %squeeze3A_281 = vector.extract %slice3A_280[0] : i32 from vector<1xi32>
      %lt3A_282 = arith.constant 0 : i32
      %lt3A_283 = arith.cmpi slt, %squeeze3A_281, %lt3A_282 : i32
      %jit3A_284 = arith.constant 512 : i32
      %select_n3A_285 = arith.select %lt3A_283, %jit3A_284, %squeeze3A_281 : i32
      %slice3A_286 = vector.extract_strided_slice %get3A_268 {offsets = [3], sizes = [1], strides = [1]} : vector<16xi32> to vector<1xi32>
      %squeeze3A_287 = vector.extract %slice3A_286[0] : i32 from vector<1xi32>
      %lt3A_288 = arith.constant 0 : i32
      %lt3A_289 = arith.cmpi slt, %squeeze3A_287, %lt3A_288 : i32
      %jit3A_290 = arith.constant 512 : i32
      %select_n3A_291 = arith.select %lt3A_289, %jit3A_290, %squeeze3A_287 : i32
      %slice3A_292 = vector.extract_strided_slice %get3A_268 {offsets = [4], sizes = [1], strides = [1]} : vector<16xi32> to vector<1xi32>
      %squeeze3A_293 = vector.extract %slice3A_292[0] : i32 from vector<1xi32>
      %lt3A_294 = arith.constant 0 : i32
      %lt3A_295 = arith.cmpi slt, %squeeze3A_293, %lt3A_294 : i32
      %jit3A_296 = arith.constant 512 : i32
      %select_n3A_297 = arith.select %lt3A_295, %jit3A_296, %squeeze3A_293 : i32
      %slice3A_298 = vector.extract_strided_slice %get3A_268 {offsets = [5], sizes = [1], strides = [1]} : vector<16xi32> to vector<1xi32>
      %squeeze3A_299 = vector.extract %slice3A_298[0] : i32 from vector<1xi32>
      %lt3A_300 = arith.constant 0 : i32
      %lt3A_301 = arith.cmpi slt, %squeeze3A_299, %lt3A_300 : i32
      %jit3A_302 = arith.constant 512 : i32
      %select_n3A_303 = arith.select %lt3A_301, %jit3A_302, %squeeze3A_299 : i32
      %slice3A_304 = vector.extract_strided_slice %get3A_268 {offsets = [6], sizes = [1], strides = [1]} : vector<16xi32> to vector<1xi32>
      %squeeze3A_305 = vector.extract %slice3A_304[0] : i32 from vector<1xi32>
      %lt3A_306 = arith.constant 0 : i32
      %lt3A_307 = arith.cmpi slt, %squeeze3A_305, %lt3A_306 : i32
      %jit3A_308 = arith.constant 512 : i32
      %select_n3A_309 = arith.select %lt3A_307, %jit3A_308, %squeeze3A_305 : i32
      %slice3A_310 = vector.extract_strided_slice %get3A_268 {offsets = [7], sizes = [1], strides = [1]} : vector<16xi32> to vector<1xi32>
      %squeeze3A_311 = vector.extract %slice3A_310[0] : i32 from vector<1xi32>
      %lt3A_312 = arith.constant 0 : i32
      %lt3A_313 = arith.cmpi slt, %squeeze3A_311, %lt3A_312 : i32
      %jit3A_314 = arith.constant 512 : i32
      %select_n3A_315 = arith.select %lt3A_313, %jit3A_314, %squeeze3A_311 : i32
      %get3A_316 = arith.index_cast %add3A_272 : i32 to index
      %get3A_317 = arith.constant 0 : index
      %get3A_318 = tpu.vector_load %arg5[%get3A_316, %get3A_317] {strides = array<i32>} : memref<513x64xf32, #tpu.memory_space<vmem>>, vector<16xf32>,
      %get3A_319 = arith.index_cast %select_n3A : i32 to index
      %get3A_320 = arith.constant 0 : index
      %get3A_321 = tpu.vector_load %arg5[%get3A_319, %get3A_320] {strides = array<i32>} : memref<513x64xf32, #tpu.memory_space<vmem>>, vector<16xf32>,
      %get3A_322 = arith.index_cast %select_n3A_279 : i32 to index
      %get3A_323 = arith.constant 0 : index
      %get3A_324 = tpu.vector_load %arg5[%get3A_322, %get3A_323] {strides = array<i32>} : memref<513x64xf32, #tpu.memory_space<vmem>>, vector<16xf32>,
      %get3A_325 = arith.index_cast %select_n3A_285 : i32 to index
      %get3A_326 = arith.constant 0 : index
      %get3A_327 = tpu.vector_load %arg5[%get3A_325, %get3A_326] {strides = array<i32>} : memref<513x64xf32, #tpu.memory_space<vmem>>, vector<16xf32>,
      %get3A_328 = arith.index_cast %select_n3A_291 : i32 to index
      %get3A_329 = arith.constant 0 : index
      %get3A_330 = tpu.vector_load %arg5[%get3A_328, %get3A_329] {strides = array<i32>} : memref<513x64xf32, #tpu.memory_space<vmem>>, vector<16xf32>,
      %get3A_331 = arith.index_cast %select_n3A_297 : i32 to index
      %get3A_332 = arith.constant 0 : index
      %get3A_333 = tpu.vector_load %arg5[%get3A_331, %get3A_332] {strides = array<i32>} : memref<513x64xf32, #tpu.memory_space<vmem>>, vector<16xf32>,
      %get3A_334 = arith.index_cast %select_n3A_303 : i32 to index
      %get3A_335 = arith.constant 0 : index
      %get3A_336 = tpu.vector_load %arg5[%get3A_334, %get3A_335] {strides = array<i32>} : memref<513x64xf32, #tpu.memory_space<vmem>>, vector<16xf32>,
      %get3A_337 = arith.index_cast %select_n3A_309 : i32 to index
      %get3A_338 = arith.constant 0 : index
      %get3A_339 = tpu.vector_load %arg5[%get3A_337, %get3A_338] {strides = array<i32>} : memref<513x64xf32, #tpu.memory_space<vmem>>, vector<16xf32>,
      %get3A_340 = arith.index_cast %select_n3A_315 : i32 to index
      %get3A_341 = arith.constant 0 : index
      %get3A_342 = tpu.vector_load %arg5[%get3A_340, %get3A_341] {strides = array<i32>} : memref<513x64xf32, #tpu.memory_space<vmem>>, vector<16xf32>,
      %add3A_343 = arith.addf %get3A_318, %get3A_321 : vector<16xf32>
      %add3A_344 = arith.addf %get3A_324, %get3A_327 : vector<16xf32>
      %add3A_345 = arith.addf %get3A_330, %get3A_333 : vector<16xf32>
      %add3A_346 = arith.addf %get3A_336, %get3A_339 : vector<16xf32>
      %add3A_347 = arith.addf %add3A_343, %add3A_344 : vector<16xf32>
      %add3A_348 = arith.addf %add3A_345, %add3A_346 : vector<16xf32>
      %add3A_349 = arith.addf %add3A_347, %add3A_348 : vector<16xf32>
      %add3A_350 = arith.addf %add3A_349, %get3A_342 : vector<16xf32>
      %swap3A_351 = arith.index_cast %add3A_272 : i32 to index
      %swap3A_352 = arith.constant 0 : index
      %swap3A_353 = tpu.vector_load %arg9[%swap3A_351, %swap3A_352] {strides = array<i32>} : memref<512x64xf32, #tpu.memory_space<vmem>>, vector<16xf32>,
      tpu.vector_store %arg9[%swap3A_351, %swap3A_352], %add3A_350 {strides = array<i32>} : memref<512x64xf32, #tpu.memory_space<vmem>>, vector<16xf32>,
      %get3A_354 = arith.index_cast %add3A_272 : i32 to index
      %get3A_355 = arith.constant 16 : index
      %get3A_356 = tpu.vector_load %arg5[%get3A_354, %get3A_355] {strides = array<i32>} : memref<513x64xf32, #tpu.memory_space<vmem>>, vector<16xf32>,
      %get3A_357 = arith.index_cast %select_n3A : i32 to index
      %get3A_358 = arith.constant 16 : index
      %get3A_359 = tpu.vector_load %arg5[%get3A_357, %get3A_358] {strides = array<i32>} : memref<513x64xf32, #tpu.memory_space<vmem>>, vector<16xf32>,
      %get3A_360 = arith.index_cast %select_n3A_279 : i32 to index
      %get3A_361 = arith.constant 16 : index
      %get3A_362 = tpu.vector_load %arg5[%get3A_360, %get3A_361] {strides = array<i32>} : memref<513x64xf32, #tpu.memory_space<vmem>>, vector<16xf32>,
      %get3A_363 = arith.index_cast %select_n3A_285 : i32 to index
      %get3A_364 = arith.constant 16 : index
      %get3A_365 = tpu.vector_load %arg5[%get3A_363, %get3A_364] {strides = array<i32>} : memref<513x64xf32, #tpu.memory_space<vmem>>, vector<16xf32>,
      %get3A_366 = arith.index_cast %select_n3A_291 : i32 to index
      %get3A_367 = arith.constant 16 : index
      %get3A_368 = tpu.vector_load %arg5[%get3A_366, %get3A_367] {strides = array<i32>} : memref<513x64xf32, #tpu.memory_space<vmem>>, vector<16xf32>,
      %get3A_369 = arith.index_cast %select_n3A_297 : i32 to index
      %get3A_370 = arith.constant 16 : index
      %get3A_371 = tpu.vector_load %arg5[%get3A_369, %get3A_370] {strides = array<i32>} : memref<513x64xf32, #tpu.memory_space<vmem>>, vector<16xf32>,
      %get3A_372 = arith.index_cast %select_n3A_303 : i32 to index
      %get3A_373 = arith.constant 16 : index
      %get3A_374 = tpu.vector_load %arg5[%get3A_372, %get3A_373] {strides = array<i32>} : memref<513x64xf32, #tpu.memory_space<vmem>>, vector<16xf32>,
      %get3A_375 = arith.index_cast %select_n3A_309 : i32 to index
      %get3A_376 = arith.constant 16 : index
      %get3A_377 = tpu.vector_load %arg5[%get3A_375, %get3A_376] {strides = array<i32>} : memref<513x64xf32, #tpu.memory_space<vmem>>, vector<16xf32>,
      %get3A_378 = arith.index_cast %select_n3A_315 : i32 to index
      %get3A_379 = arith.constant 16 : index
      %get3A_380 = tpu.vector_load %arg5[%get3A_378, %get3A_379] {strides = array<i32>} : memref<513x64xf32, #tpu.memory_space<vmem>>, vector<16xf32>,
      %add3A_381 = arith.addf %get3A_356, %get3A_359 : vector<16xf32>
      %add3A_382 = arith.addf %get3A_362, %get3A_365 : vector<16xf32>
      %add3A_383 = arith.addf %get3A_368, %get3A_371 : vector<16xf32>
      %add3A_384 = arith.addf %get3A_374, %get3A_377 : vector<16xf32>
      %add3A_385 = arith.addf %add3A_381, %add3A_382 : vector<16xf32>
      %add3A_386 = arith.addf %add3A_383, %add3A_384 : vector<16xf32>
      %add3A_387 = arith.addf %add3A_385, %add3A_386 : vector<16xf32>
      %add3A_388 = arith.addf %add3A_387, %get3A_380 : vector<16xf32>
      %swap3A_389 = arith.index_cast %add3A_272 : i32 to index
      %swap3A_390 = arith.constant 16 : index
      %swap3A_391 = tpu.vector_load %arg9[%swap3A_389, %swap3A_390] {strides = array<i32>} : memref<512x64xf32, #tpu.memory_space<vmem>>, vector<16xf32>,
      tpu.vector_store %arg9[%swap3A_389, %swap3A_390], %add3A_388 {strides = array<i32>} : memref<512x64xf32, #tpu.memory_space<vmem>>, vector<16xf32>,
      %get3A_392 = arith.index_cast %add3A_272 : i32 to index
      %get3A_393 = arith.constant 32 : index
      %get3A_394 = tpu.vector_load %arg5[%get3A_392, %get3A_393] {strides = array<i32>} : memref<513x64xf32, #tpu.memory_space<vmem>>, vector<16xf32>,
      %get3A_395 = arith.index_cast %select_n3A : i32 to index
      %get3A_396 = arith.constant 32 : index
      %get3A_397 = tpu.vector_load %arg5[%get3A_395, %get3A_396] {strides = array<i32>} : memref<513x64xf32, #tpu.memory_space<vmem>>, vector<16xf32>,
      %get3A_398 = arith.index_cast %select_n3A_279 : i32 to index
      %get3A_399 = arith.constant 32 : index
      %get3A_400 = tpu.vector_load %arg5[%get3A_398, %get3A_399] {strides = array<i32>} : memref<513x64xf32, #tpu.memory_space<vmem>>, vector<16xf32>,
      %get3A_401 = arith.index_cast %select_n3A_285 : i32 to index
      %get3A_402 = arith.constant 32 : index
      %get3A_403 = tpu.vector_load %arg5[%get3A_401, %get3A_402] {strides = array<i32>} : memref<513x64xf32, #tpu.memory_space<vmem>>, vector<16xf32>,
      %get3A_404 = arith.index_cast %select_n3A_291 : i32 to index
      %get3A_405 = arith.constant 32 : index
      %get3A_406 = tpu.vector_load %arg5[%get3A_404, %get3A_405] {strides = array<i32>} : memref<513x64xf32, #tpu.memory_space<vmem>>, vector<16xf32>,
      %get3A_407 = arith.index_cast %select_n3A_297 : i32 to index
      %get3A_408 = arith.constant 32 : index
      %get3A_409 = tpu.vector_load %arg5[%get3A_407, %get3A_408] {strides = array<i32>} : memref<513x64xf32, #tpu.memory_space<vmem>>, vector<16xf32>,
      %get3A_410 = arith.index_cast %select_n3A_303 : i32 to index
      %get3A_411 = arith.constant 32 : index
      %get3A_412 = tpu.vector_load %arg5[%get3A_410, %get3A_411] {strides = array<i32>} : memref<513x64xf32, #tpu.memory_space<vmem>>, vector<16xf32>,
      %get3A_413 = arith.index_cast %select_n3A_309 : i32 to index
      %get3A_414 = arith.constant 32 : index
      %get3A_415 = tpu.vector_load %arg5[%get3A_413, %get3A_414] {strides = array<i32>} : memref<513x64xf32, #tpu.memory_space<vmem>>, vector<16xf32>,
      %get3A_416 = arith.index_cast %select_n3A_315 : i32 to index
      %get3A_417 = arith.constant 32 : index
      %get3A_418 = tpu.vector_load %arg5[%get3A_416, %get3A_417] {strides = array<i32>} : memref<513x64xf32, #tpu.memory_space<vmem>>, vector<16xf32>,
      %add3A_419 = arith.addf %get3A_394, %get3A_397 : vector<16xf32>
      %add3A_420 = arith.addf %get3A_400, %get3A_403 : vector<16xf32>
      %add3A_421 = arith.addf %get3A_406, %get3A_409 : vector<16xf32>
      %add3A_422 = arith.addf %get3A_412, %get3A_415 : vector<16xf32>
      %add3A_423 = arith.addf %add3A_419, %add3A_420 : vector<16xf32>
      %add3A_424 = arith.addf %add3A_421, %add3A_422 : vector<16xf32>
      %add3A_425 = arith.addf %add3A_423, %add3A_424 : vector<16xf32>
      %add3A_426 = arith.addf %add3A_425, %get3A_418 : vector<16xf32>
      %swap3A_427 = arith.index_cast %add3A_272 : i32 to index
      %swap3A_428 = arith.constant 32 : index
      %swap3A_429 = tpu.vector_load %arg9[%swap3A_427, %swap3A_428] {strides = array<i32>} : memref<512x64xf32, #tpu.memory_space<vmem>>, vector<16xf32>,
      tpu.vector_store %arg9[%swap3A_427, %swap3A_428], %add3A_426 {strides = array<i32>} : memref<512x64xf32, #tpu.memory_space<vmem>>, vector<16xf32>,
      %get3A_430 = arith.index_cast %add3A_272 : i32 to index
      %get3A_431 = arith.constant 48 : index
      %get3A_432 = tpu.vector_load %arg5[%get3A_430, %get3A_431] {strides = array<i32>} : memref<513x64xf32, #tpu.memory_space<vmem>>, vector<16xf32>,
      %get3A_433 = arith.index_cast %select_n3A : i32 to index
      %get3A_434 = arith.constant 48 : index
      %get3A_435 = tpu.vector_load %arg5[%get3A_433, %get3A_434] {strides = array<i32>} : memref<513x64xf32, #tpu.memory_space<vmem>>, vector<16xf32>,
      %get3A_436 = arith.index_cast %select_n3A_279 : i32 to index
      %get3A_437 = arith.constant 48 : index
      %get3A_438 = tpu.vector_load %arg5[%get3A_436, %get3A_437] {strides = array<i32>} : memref<513x64xf32, #tpu.memory_space<vmem>>, vector<16xf32>,
      %get3A_439 = arith.index_cast %select_n3A_285 : i32 to index
      %get3A_440 = arith.constant 48 : index
      %get3A_441 = tpu.vector_load %arg5[%get3A_439, %get3A_440] {strides = array<i32>} : memref<513x64xf32, #tpu.memory_space<vmem>>, vector<16xf32>,
      %get3A_442 = arith.index_cast %select_n3A_291 : i32 to index
      %get3A_443 = arith.constant 48 : index
      %get3A_444 = tpu.vector_load %arg5[%get3A_442, %get3A_443] {strides = array<i32>} : memref<513x64xf32, #tpu.memory_space<vmem>>, vector<16xf32>,
      %get3A_445 = arith.index_cast %select_n3A_297 : i32 to index
      %get3A_446 = arith.constant 48 : index
      %get3A_447 = tpu.vector_load %arg5[%get3A_445, %get3A_446] {strides = array<i32>} : memref<513x64xf32, #tpu.memory_space<vmem>>, vector<16xf32>,
      %get3A_448 = arith.index_cast %select_n3A_303 : i32 to index
      %get3A_449 = arith.constant 48 : index
      %get3A_450 = tpu.vector_load %arg5[%get3A_448, %get3A_449] {strides = array<i32>} : memref<513x64xf32, #tpu.memory_space<vmem>>, vector<16xf32>,
      %get3A_451 = arith.index_cast %select_n3A_309 : i32 to index
      %get3A_452 = arith.constant 48 : index
      %get3A_453 = tpu.vector_load %arg5[%get3A_451, %get3A_452] {strides = array<i32>} : memref<513x64xf32, #tpu.memory_space<vmem>>, vector<16xf32>,
      %get3A_454 = arith.index_cast %select_n3A_315 : i32 to index
      %get3A_455 = arith.constant 48 : index
      %get3A_456 = tpu.vector_load %arg5[%get3A_454, %get3A_455] {strides = array<i32>} : memref<513x64xf32, #tpu.memory_space<vmem>>, vector<16xf32>,
      %add3A_457 = arith.addf %get3A_432, %get3A_435 : vector<16xf32>
      %add3A_458 = arith.addf %get3A_438, %get3A_441 : vector<16xf32>
      %add3A_459 = arith.addf %get3A_444, %get3A_447 : vector<16xf32>
      %add3A_460 = arith.addf %get3A_450, %get3A_453 : vector<16xf32>
      %add3A_461 = arith.addf %add3A_457, %add3A_458 : vector<16xf32>
      %add3A_462 = arith.addf %add3A_459, %add3A_460 : vector<16xf32>
      %add3A_463 = arith.addf %add3A_461, %add3A_462 : vector<16xf32>
      %add3A_464 = arith.addf %add3A_463, %get3A_456 : vector<16xf32>
      %swap3A_465 = arith.index_cast %add3A_272 : i32 to index
      %swap3A_466 = arith.constant 48 : index
      %swap3A_467 = tpu.vector_load %arg9[%swap3A_465, %swap3A_466] {strides = array<i32>} : memref<512x64xf32, #tpu.memory_space<vmem>>, vector<16xf32>,
      tpu.vector_store %arg9[%swap3A_465, %swap3A_466], %add3A_464 {strides = array<i32>} : memref<512x64xf32, #tpu.memory_space<vmem>>, vector<16xf32>,
      %mul3A_468 = arith.constant 2 : i32
      %mul3A_469 = arith.muli %scan3A_264, %mul3A_468 : i32
      %add3A_470 = arith.constant 1 : i32
      %add3A_471 = arith.addi %mul3A_469, %add3A_470 : i32
      %slice3A_472 = vector.extract_strided_slice %get3A_268 {offsets = [8], sizes = [1], strides = [1]} : vector<16xi32> to vector<1xi32>
      %squeeze3A_473 = vector.extract %slice3A_472[0] : i32 from vector<1xi32>
      %lt3A_474 = arith.constant 0 : i32
      %lt3A_475 = arith.cmpi slt, %squeeze3A_473, %lt3A_474 : i32
      %jit3A_476 = arith.constant 512 : i32
      %select_n3A_477 = arith.select %lt3A_475, %jit3A_476, %squeeze3A_473 : i32
      %slice3A_478 = vector.extract_strided_slice %get3A_268 {offsets = [9], sizes = [1], strides = [1]} : vector<16xi32> to vector<1xi32>
      %squeeze3A_479 = vector.extract %slice3A_478[0] : i32 from vector<1xi32>
      %lt3A_480 = arith.constant 0 : i32
      %lt3A_481 = arith.cmpi slt, %squeeze3A_479, %lt3A_480 : i32
      %jit3A_482 = arith.constant 512 : i32
      %select_n3A_483 = arith.select %lt3A_481, %jit3A_482, %squeeze3A_479 : i32
      %slice3A_484 = vector.extract_strided_slice %get3A_268 {offsets = [10], sizes = [1], strides = [1]} : vector<16xi32> to vector<1xi32>
      %squeeze3A_485 = vector.extract %slice3A_484[0] : i32 from vector<1xi32>
      %lt3A_486 = arith.constant 0 : i32
      %lt3A_487 = arith.cmpi slt, %squeeze3A_485, %lt3A_486 : i32
      %jit3A_488 = arith.constant 512 : i32
      %select_n3A_489 = arith.select %lt3A_487, %jit3A_488, %squeeze3A_485 : i32
      %slice3A_490 = vector.extract_strided_slice %get3A_268 {offsets = [11], sizes = [1], strides = [1]} : vector<16xi32> to vector<1xi32>
      %squeeze3A_491 = vector.extract %slice3A_490[0] : i32 from vector<1xi32>
      %lt3A_492 = arith.constant 0 : i32
      %lt3A_493 = arith.cmpi slt, %squeeze3A_491, %lt3A_492 : i32
      %jit3A_494 = arith.constant 512 : i32
      %select_n3A_495 = arith.select %lt3A_493, %jit3A_494, %squeeze3A_491 : i32
      %slice3A_496 = vector.extract_strided_slice %get3A_268 {offsets = [12], sizes = [1], strides = [1]} : vector<16xi32> to vector<1xi32>
      %squeeze3A_497 = vector.extract %slice3A_496[0] : i32 from vector<1xi32>
      %lt3A_498 = arith.constant 0 : i32
      %lt3A_499 = arith.cmpi slt, %squeeze3A_497, %lt3A_498 : i32
      %jit3A_500 = arith.constant 512 : i32
      %select_n3A_501 = arith.select %lt3A_499, %jit3A_500, %squeeze3A_497 : i32
      %slice3A_502 = vector.extract_strided_slice %get3A_268 {offsets = [13], sizes = [1], strides = [1]} : vector<16xi32> to vector<1xi32>
      %squeeze3A_503 = vector.extract %slice3A_502[0] : i32 from vector<1xi32>
      %lt3A_504 = arith.constant 0 : i32
      %lt3A_505 = arith.cmpi slt, %squeeze3A_503, %lt3A_504 : i32
      %jit3A_506 = arith.constant 512 : i32
      %select_n3A_507 = arith.select %lt3A_505, %jit3A_506, %squeeze3A_503 : i32
      %slice3A_508 = vector.extract_strided_slice %get3A_268 {offsets = [14], sizes = [1], strides = [1]} : vector<16xi32> to vector<1xi32>
      %squeeze3A_509 = vector.extract %slice3A_508[0] : i32 from vector<1xi32>
      %lt3A_510 = arith.constant 0 : i32
      %lt3A_511 = arith.cmpi slt, %squeeze3A_509, %lt3A_510 : i32
      %jit3A_512 = arith.constant 512 : i32
      %select_n3A_513 = arith.select %lt3A_511, %jit3A_512, %squeeze3A_509 : i32
      %slice3A_514 = vector.extract_strided_slice %get3A_268 {offsets = [15], sizes = [1], strides = [1]} : vector<16xi32> to vector<1xi32>
      %squeeze3A_515 = vector.extract %slice3A_514[0] : i32 from vector<1xi32>
      %lt3A_516 = arith.constant 0 : i32
      %lt3A_517 = arith.cmpi slt, %squeeze3A_515, %lt3A_516 : i32
      %jit3A_518 = arith.constant 512 : i32
      %select_n3A_519 = arith.select %lt3A_517, %jit3A_518, %squeeze3A_515 : i32
      %get3A_520 = arith.index_cast %add3A_471 : i32 to index
      %get3A_521 = arith.constant 0 : index
      %get3A_522 = tpu.vector_load %arg5[%get3A_520, %get3A_521] {strides = array<i32>} : memref<513x64xf32, #tpu.memory_space<vmem>>, vector<16xf32>,
      %get3A_523 = arith.index_cast %select_n3A_477 : i32 to index
      %get3A_524 = arith.constant 0 : index
      %get3A_525 = tpu.vector_load %arg5[%get3A_523, %get3A_524] {strides = array<i32>} : memref<513x64xf32, #tpu.memory_space<vmem>>, vector<16xf32>,
      %get3A_526 = arith.index_cast %select_n3A_483 : i32 to index
      %get3A_527 = arith.constant 0 : index
      %get3A_528 = tpu.vector_load %arg5[%get3A_526, %get3A_527] {strides = array<i32>} : memref<513x64xf32, #tpu.memory_space<vmem>>, vector<16xf32>,
      %get3A_529 = arith.index_cast %select_n3A_489 : i32 to index
      %get3A_530 = arith.constant 0 : index
      %get3A_531 = tpu.vector_load %arg5[%get3A_529, %get3A_530] {strides = array<i32>} : memref<513x64xf32, #tpu.memory_space<vmem>>, vector<16xf32>,
      %get3A_532 = arith.index_cast %select_n3A_495 : i32 to index
      %get3A_533 = arith.constant 0 : index
      %get3A_534 = tpu.vector_load %arg5[%get3A_532, %get3A_533] {strides = array<i32>} : memref<513x64xf32, #tpu.memory_space<vmem>>, vector<16xf32>,
      %get3A_535 = arith.index_cast %select_n3A_501 : i32 to index
      %get3A_536 = arith.constant 0 : index
      %get3A_537 = tpu.vector_load %arg5[%get3A_535, %get3A_536] {strides = array<i32>} : memref<513x64xf32, #tpu.memory_space<vmem>>, vector<16xf32>,
      %get3A_538 = arith.index_cast %select_n3A_507 : i32 to index
      %get3A_539 = arith.constant 0 : index
      %get3A_540 = tpu.vector_load %arg5[%get3A_538, %get3A_539] {strides = array<i32>} : memref<513x64xf32, #tpu.memory_space<vmem>>, vector<16xf32>,
      %get3A_541 = arith.index_cast %select_n3A_513 : i32 to index
      %get3A_542 = arith.constant 0 : index
      %get3A_543 = tpu.vector_load %arg5[%get3A_541, %get3A_542] {strides = array<i32>} : memref<513x64xf32, #tpu.memory_space<vmem>>, vector<16xf32>,
      %get3A_544 = arith.index_cast %select_n3A_519 : i32 to index
      %get3A_545 = arith.constant 0 : index
      %get3A_546 = tpu.vector_load %arg5[%get3A_544, %get3A_545] {strides = array<i32>} : memref<513x64xf32, #tpu.memory_space<vmem>>, vector<16xf32>,
      %add3A_547 = arith.addf %get3A_522, %get3A_525 : vector<16xf32>
      %add3A_548 = arith.addf %get3A_528, %get3A_531 : vector<16xf32>
      %add3A_549 = arith.addf %get3A_534, %get3A_537 : vector<16xf32>
      %add3A_550 = arith.addf %get3A_540, %get3A_543 : vector<16xf32>
      %add3A_551 = arith.addf %add3A_547, %add3A_548 : vector<16xf32>
      %add3A_552 = arith.addf %add3A_549, %add3A_550 : vector<16xf32>
      %add3A_553 = arith.addf %add3A_551, %add3A_552 : vector<16xf32>
      %add3A_554 = arith.addf %add3A_553, %get3A_546 : vector<16xf32>
      %swap3A_555 = arith.index_cast %add3A_471 : i32 to index
      %swap3A_556 = arith.constant 0 : index
      %swap3A_557 = tpu.vector_load %arg9[%swap3A_555, %swap3A_556] {strides = array<i32>} : memref<512x64xf32, #tpu.memory_space<vmem>>, vector<16xf32>,
      tpu.vector_store %arg9[%swap3A_555, %swap3A_556], %add3A_554 {strides = array<i32>} : memref<512x64xf32, #tpu.memory_space<vmem>>, vector<16xf32>,
      %get3A_558 = arith.index_cast %add3A_471 : i32 to index
      %get3A_559 = arith.constant 16 : index
      %get3A_560 = tpu.vector_load %arg5[%get3A_558, %get3A_559] {strides = array<i32>} : memref<513x64xf32, #tpu.memory_space<vmem>>, vector<16xf32>,
      %get3A_561 = arith.index_cast %select_n3A_477 : i32 to index
      %get3A_562 = arith.constant 16 : index
      %get3A_563 = tpu.vector_load %arg5[%get3A_561, %get3A_562] {strides = array<i32>} : memref<513x64xf32, #tpu.memory_space<vmem>>, vector<16xf32>,
      %get3A_564 = arith.index_cast %select_n3A_483 : i32 to index
      %get3A_565 = arith.constant 16 : index
      %get3A_566 = tpu.vector_load %arg5[%get3A_564, %get3A_565] {strides = array<i32>} : memref<513x64xf32, #tpu.memory_space<vmem>>, vector<16xf32>,
      %get3A_567 = arith.index_cast %select_n3A_489 : i32 to index
      %get3A_568 = arith.constant 16 : index
      %get3A_569 = tpu.vector_load %arg5[%get3A_567, %get3A_568] {strides = array<i32>} : memref<513x64xf32, #tpu.memory_space<vmem>>, vector<16xf32>,
      %get3A_570 = arith.index_cast %select_n3A_495 : i32 to index
      %get3A_571 = arith.constant 16 : index
      %get3A_572 = tpu.vector_load %arg5[%get3A_570, %get3A_571] {strides = array<i32>} : memref<513x64xf32, #tpu.memory_space<vmem>>, vector<16xf32>,
      %get3A_573 = arith.index_cast %select_n3A_501 : i32 to index
      %get3A_574 = arith.constant 16 : index
      %get3A_575 = tpu.vector_load %arg5[%get3A_573, %get3A_574] {strides = array<i32>} : memref<513x64xf32, #tpu.memory_space<vmem>>, vector<16xf32>,
      %get3A_576 = arith.index_cast %select_n3A_507 : i32 to index
      %get3A_577 = arith.constant 16 : index
      %get3A_578 = tpu.vector_load %arg5[%get3A_576, %get3A_577] {strides = array<i32>} : memref<513x64xf32, #tpu.memory_space<vmem>>, vector<16xf32>,
      %get3A_579 = arith.index_cast %select_n3A_513 : i32 to index
      %get3A_580 = arith.constant 16 : index
      %get3A_581 = tpu.vector_load %arg5[%get3A_579, %get3A_580] {strides = array<i32>} : memref<513x64xf32, #tpu.memory_space<vmem>>, vector<16xf32>,
      %get3A_582 = arith.index_cast %select_n3A_519 : i32 to index
      %get3A_583 = arith.constant 16 : index
      %get3A_584 = tpu.vector_load %arg5[%get3A_582, %get3A_583] {strides = array<i32>} : memref<513x64xf32, #tpu.memory_space<vmem>>, vector<16xf32>,
      %add3A_585 = arith.addf %get3A_560, %get3A_563 : vector<16xf32>
      %add3A_586 = arith.addf %get3A_566, %get3A_569 : vector<16xf32>
      %add3A_587 = arith.addf %get3A_572, %get3A_575 : vector<16xf32>
      %add3A_588 = arith.addf %get3A_578, %get3A_581 : vector<16xf32>
      %add3A_589 = arith.addf %add3A_585, %add3A_586 : vector<16xf32>
      %add3A_590 = arith.addf %add3A_587, %add3A_588 : vector<16xf32>
      %add3A_591 = arith.addf %add3A_589, %add3A_590 : vector<16xf32>
      %add3A_592 = arith.addf %add3A_591, %get3A_584 : vector<16xf32>
      %swap3A_593 = arith.index_cast %add3A_471 : i32 to index
      %swap3A_594 = arith.constant 16 : index
      %swap3A_595 = tpu.vector_load %arg9[%swap3A_593, %swap3A_594] {strides = array<i32>} : memref<512x64xf32, #tpu.memory_space<vmem>>, vector<16xf32>,
      tpu.vector_store %arg9[%swap3A_593, %swap3A_594], %add3A_592 {strides = array<i32>} : memref<512x64xf32, #tpu.memory_space<vmem>>, vector<16xf32>,
      %get3A_596 = arith.index_cast %add3A_471 : i32 to index
      %get3A_597 = arith.constant 32 : index
      %get3A_598 = tpu.vector_load %arg5[%get3A_596, %get3A_597] {strides = array<i32>} : memref<513x64xf32, #tpu.memory_space<vmem>>, vector<16xf32>,
      %get3A_599 = arith.index_cast %select_n3A_477 : i32 to index
      %get3A_600 = arith.constant 32 : index
      %get3A_601 = tpu.vector_load %arg5[%get3A_599, %get3A_600] {strides = array<i32>} : memref<513x64xf32, #tpu.memory_space<vmem>>, vector<16xf32>,
      %get3A_602 = arith.index_cast %select_n3A_483 : i32 to index
      %get3A_603 = arith.constant 32 : index
      %get3A_604 = tpu.vector_load %arg5[%get3A_602, %get3A_603] {strides = array<i32>} : memref<513x64xf32, #tpu.memory_space<vmem>>, vector<16xf32>,
      %get3A_605 = arith.index_cast %select_n3A_489 : i32 to index
      %get3A_606 = arith.constant 32 : index
      %get3A_607 = tpu.vector_load %arg5[%get3A_605, %get3A_606] {strides = array<i32>} : memref<513x64xf32, #tpu.memory_space<vmem>>, vector<16xf32>,
      %get3A_608 = arith.index_cast %select_n3A_495 : i32 to index
      %get3A_609 = arith.constant 32 : index
      %get3A_610 = tpu.vector_load %arg5[%get3A_608, %get3A_609] {strides = array<i32>} : memref<513x64xf32, #tpu.memory_space<vmem>>, vector<16xf32>,
      %get3A_611 = arith.index_cast %select_n3A_501 : i32 to index
      %get3A_612 = arith.constant 32 : index
      %get3A_613 = tpu.vector_load %arg5[%get3A_611, %get3A_612] {strides = array<i32>} : memref<513x64xf32, #tpu.memory_space<vmem>>, vector<16xf32>,
      %get3A_614 = arith.index_cast %select_n3A_507 : i32 to index
      %get3A_615 = arith.constant 32 : index
      %get3A_616 = tpu.vector_load %arg5[%get3A_614, %get3A_615] {strides = array<i32>} : memref<513x64xf32, #tpu.memory_space<vmem>>, vector<16xf32>,
      %get3A_617 = arith.index_cast %select_n3A_513 : i32 to index
      %get3A_618 = arith.constant 32 : index
      %get3A_619 = tpu.vector_load %arg5[%get3A_617, %get3A_618] {strides = array<i32>} : memref<513x64xf32, #tpu.memory_space<vmem>>, vector<16xf32>,
      %get3A_620 = arith.index_cast %select_n3A_519 : i32 to index
      %get3A_621 = arith.constant 32 : index
      %get3A_622 = tpu.vector_load %arg5[%get3A_620, %get3A_621] {strides = array<i32>} : memref<513x64xf32, #tpu.memory_space<vmem>>, vector<16xf32>,
      %add3A_623 = arith.addf %get3A_598, %get3A_601 : vector<16xf32>
      %add3A_624 = arith.addf %get3A_604, %get3A_607 : vector<16xf32>
      %add3A_625 = arith.addf %get3A_610, %get3A_613 : vector<16xf32>
      %add3A_626 = arith.addf %get3A_616, %get3A_619 : vector<16xf32>
      %add3A_627 = arith.addf %add3A_623, %add3A_624 : vector<16xf32>
      %add3A_628 = arith.addf %add3A_625, %add3A_626 : vector<16xf32>
      %add3A_629 = arith.addf %add3A_627, %add3A_628 : vector<16xf32>
      %add3A_630 = arith.addf %add3A_629, %get3A_622 : vector<16xf32>
      %swap3A_631 = arith.index_cast %add3A_471 : i32 to index
      %swap3A_632 = arith.constant 32 : index
      %swap3A_633 = tpu.vector_load %arg9[%swap3A_631, %swap3A_632] {strides = array<i32>} : memref<512x64xf32, #tpu.memory_space<vmem>>, vector<16xf32>,
      tpu.vector_store %arg9[%swap3A_631, %swap3A_632], %add3A_630 {strides = array<i32>} : memref<512x64xf32, #tpu.memory_space<vmem>>, vector<16xf32>,
      %get3A_634 = arith.index_cast %add3A_471 : i32 to index
      %get3A_635 = arith.constant 48 : index
      %get3A_636 = tpu.vector_load %arg5[%get3A_634, %get3A_635] {strides = array<i32>} : memref<513x64xf32, #tpu.memory_space<vmem>>, vector<16xf32>,
      %get3A_637 = arith.index_cast %select_n3A_477 : i32 to index
      %get3A_638 = arith.constant 48 : index
      %get3A_639 = tpu.vector_load %arg5[%get3A_637, %get3A_638] {strides = array<i32>} : memref<513x64xf32, #tpu.memory_space<vmem>>, vector<16xf32>,
      %get3A_640 = arith.index_cast %select_n3A_483 : i32 to index
      %get3A_641 = arith.constant 48 : index
      %get3A_642 = tpu.vector_load %arg5[%get3A_640, %get3A_641] {strides = array<i32>} : memref<513x64xf32, #tpu.memory_space<vmem>>, vector<16xf32>,
      %get3A_643 = arith.index_cast %select_n3A_489 : i32 to index
      %get3A_644 = arith.constant 48 : index
      %get3A_645 = tpu.vector_load %arg5[%get3A_643, %get3A_644] {strides = array<i32>} : memref<513x64xf32, #tpu.memory_space<vmem>>, vector<16xf32>,
      %get3A_646 = arith.index_cast %select_n3A_495 : i32 to index
      %get3A_647 = arith.constant 48 : index
      %get3A_648 = tpu.vector_load %arg5[%get3A_646, %get3A_647] {strides = array<i32>} : memref<513x64xf32, #tpu.memory_space<vmem>>, vector<16xf32>,
      %get3A_649 = arith.index_cast %select_n3A_501 : i32 to index
      %get3A_650 = arith.constant 48 : index
      %get3A_651 = tpu.vector_load %arg5[%get3A_649, %get3A_650] {strides = array<i32>} : memref<513x64xf32, #tpu.memory_space<vmem>>, vector<16xf32>,
      %get3A_652 = arith.index_cast %select_n3A_507 : i32 to index
      %get3A_653 = arith.constant 48 : index
      %get3A_654 = tpu.vector_load %arg5[%get3A_652, %get3A_653] {strides = array<i32>} : memref<513x64xf32, #tpu.memory_space<vmem>>, vector<16xf32>,
      %get3A_655 = arith.index_cast %select_n3A_513 : i32 to index
      %get3A_656 = arith.constant 48 : index
      %get3A_657 = tpu.vector_load %arg5[%get3A_655, %get3A_656] {strides = array<i32>} : memref<513x64xf32, #tpu.memory_space<vmem>>, vector<16xf32>,
      %get3A_658 = arith.index_cast %select_n3A_519 : i32 to index
      %get3A_659 = arith.constant 48 : index
      %get3A_660 = tpu.vector_load %arg5[%get3A_658, %get3A_659] {strides = array<i32>} : memref<513x64xf32, #tpu.memory_space<vmem>>, vector<16xf32>,
      %add3A_661 = arith.addf %get3A_636, %get3A_639 : vector<16xf32>
      %add3A_662 = arith.addf %get3A_642, %get3A_645 : vector<16xf32>
      %add3A_663 = arith.addf %get3A_648, %get3A_651 : vector<16xf32>
      %add3A_664 = arith.addf %get3A_654, %get3A_657 : vector<16xf32>
      %add3A_665 = arith.addf %add3A_661, %add3A_662 : vector<16xf32>
      %add3A_666 = arith.addf %add3A_663, %add3A_664 : vector<16xf32>
      %add3A_667 = arith.addf %add3A_665, %add3A_666 : vector<16xf32>
      %add3A_668 = arith.addf %add3A_667, %get3A_660 : vector<16xf32>
      %swap3A_669 = arith.index_cast %add3A_471 : i32 to index
      %swap3A_670 = arith.constant 48 : index
      %swap3A_671 = tpu.vector_load %arg9[%swap3A_669, %swap3A_670] {strides = array<i32>} : memref<512x64xf32, #tpu.memory_space<vmem>>, vector<16xf32>,
      tpu.vector_store %arg9[%swap3A_669, %swap3A_670], %add3A_668 {strides = array<i32>} : memref<512x64xf32, #tpu.memory_space<vmem>>, vector<16xf32>,
      %scan3A_672 = arith.constant 0 : i32
      scf.yield %scan3A_672 : i32
    }
    %scan3A_228 = arith.constant 256 : i32
    %mul3A_229 = arith.constant 4 : i32
    %mul3A_230 = arith.muli %add3A, %mul3A_229 : i32
    %add3A_231 = arith.constant 2 : i32
    %add3A_232 = arith.addi %mul3A_230, %add3A_231 : i32
    "tpu.region"() ({
      %run_scoped3A = tpu.sem_alloc : memref<!tpu.dma_semaphore, #tpu.memory_space<semaphore_mem>>
      %dma_start3A_264 = arith.constant 0 : i32
      %dma_start3A_265 = arith.constant 0 : i32
      %dma_start3A_266 = tpu.memref_slice %arg4[%add3A_232, %dma_start3A_264, %dma_start3A_265] : memref<128x512x64xf32, #tpu.memory_space<hbm>> -> memref<1x512x64xf32, #tpu.memory_space<hbm>>
      %dma_start3A_267 = tpu.memref_squeeze %dma_start3A_266 : memref<1x512x64xf32, #tpu.memory_space<hbm>> -> memref<512x64xf32, #tpu.memory_space<hbm>>
      %dma_start3A_268 = arith.constant 0 : i32
      %dma_start3A_269 = arith.constant 0 : i32
      %dma_start3A_270 = tpu.memref_slice %arg4[%add3A_232, %dma_start3A_268, %dma_start3A_269] : memref<128x512x64xf32, #tpu.memory_space<hbm>> -> memref<1x512x64xf32, #tpu.memory_space<hbm>>
      %dma_start3A_271 = tpu.memref_squeeze %dma_start3A_270 : memref<1x512x64xf32, #tpu.memory_space<hbm>> -> memref<512x64xf32, #tpu.memory_space<hbm>>
      tpu.enqueue_dma source(%arg9 : memref<512x64xf32, #tpu.memory_space<vmem>>) target(%dma_start3A_271 : memref<512x64xf32, #tpu.memory_space<hbm>>) target_semaphore(%run_scoped3A : memref<!tpu.dma_semaphore, #tpu.memory_space<semaphore_mem>>)
      %dma_wait3A_272 = arith.constant 0 : i32
      %dma_wait3A_273 = arith.constant 0 : i32
      %dma_wait3A_274 = tpu.memref_slice %arg4[%add3A_232, %dma_wait3A_272, %dma_wait3A_273] : memref<128x512x64xf32, #tpu.memory_space<hbm>> -> memref<1x512x64xf32, #tpu.memory_space<hbm>>
      %dma_wait3A_275 = tpu.memref_squeeze %dma_wait3A_274 : memref<1x512x64xf32, #tpu.memory_space<hbm>> -> memref<512x64xf32, #tpu.memory_space<hbm>>
      %dma_wait3A_276 = arith.constant 0 : i32
      %dma_wait3A_277 = arith.constant 0 : i32
      %dma_wait3A_278 = tpu.memref_slice %arg4[%add3A_232, %dma_wait3A_276, %dma_wait3A_277] : memref<128x512x64xf32, #tpu.memory_space<hbm>> -> memref<1x512x64xf32, #tpu.memory_space<hbm>>
      %dma_wait3A_279 = tpu.memref_squeeze %dma_wait3A_278 : memref<1x512x64xf32, #tpu.memory_space<hbm>> -> memref<512x64xf32, #tpu.memory_space<hbm>>
      tpu.wait_dma2 semaphore(%run_scoped3A : memref<!tpu.dma_semaphore, #tpu.memory_space<semaphore_mem>>) src(%arg9 : memref<512x64xf32, #tpu.memory_space<vmem>>) dst(%dma_wait3A_279 : memref<512x64xf32, #tpu.memory_space<hbm>>)
      tpu.yield
    }) : () -> ()
    %dma_wait3A_233 = arith.constant 0 : i32
    %dma_wait3A_234 = arith.constant 0 : i32
    %dma_wait3A_235 = tpu.memref_slice %arg6[%dma_wait3A_233, %dma_wait3A_234] : memref<513x64xf32, #tpu.memory_space<vmem>> -> memref<512x64xf32, #tpu.memory_space<vmem>>
    %dma_wait3A_236 = arith.constant 0 : i32
    %dma_wait3A_237 = arith.constant 0 : i32
    %dma_wait3A_238 = tpu.memref_slice %arg2[%add3A_201, %dma_wait3A_236, %dma_wait3A_237] : memref<128x512x64xf32, #tpu.memory_space<hbm>> -> memref<1x512x64xf32, #tpu.memory_space<hbm>>
    %dma_wait3A_239 = tpu.memref_squeeze %dma_wait3A_238 : memref<1x512x64xf32, #tpu.memory_space<hbm>> -> memref<512x64xf32, #tpu.memory_space<hbm>>
    %dma_wait3A_240 = arith.constant 0 : i32
    %dma_wait3A_241 = arith.constant 0 : i32
    %dma_wait3A_242 = tpu.memref_slice %arg6[%dma_wait3A_240, %dma_wait3A_241] : memref<513x64xf32, #tpu.memory_space<vmem>> -> memref<512x64xf32, #tpu.memory_space<vmem>>
    %dma_wait3A_243 = arith.constant 0 : i32
    %dma_wait3A_244 = arith.constant 0 : i32
    %dma_wait3A_245 = tpu.memref_slice %arg2[%add3A_201, %dma_wait3A_243, %dma_wait3A_244] : memref<128x512x64xf32, #tpu.memory_space<hbm>> -> memref<1x512x64xf32, #tpu.memory_space<hbm>>
    %dma_wait3A_246 = tpu.memref_squeeze %dma_wait3A_245 : memref<1x512x64xf32, #tpu.memory_space<hbm>> -> memref<512x64xf32, #tpu.memory_space<hbm>>
    tpu.wait_dma2 semaphore(%arg12 : memref<!tpu.dma_semaphore, #tpu.memory_space<semaphore_mem>>) src(%dma_wait3A_246 : memref<512x64xf32, #tpu.memory_space<hbm>>) dst(%dma_wait3A_242 : memref<512x64xf32, #tpu.memory_space<vmem>>)
    %dma_wait3A_247 = arith.constant 0 : i32
    %dma_wait3A_248 = tpu.memref_slice %arg3[%add3A_201, %dma_wait3A_247] : memref<128x4096xi32, #tpu.memory_space<hbm>> -> memref<1x4096xi32, #tpu.memory_space<hbm>>
    %dma_wait3A_249 = tpu.memref_squeeze %dma_wait3A_248 : memref<1x4096xi32, #tpu.memory_space<hbm>> -> memref<4096xi32, #tpu.memory_space<hbm>>
    %dma_wait3A_250 = arith.constant 0 : i32
    %dma_wait3A_251 = tpu.memref_slice %arg3[%add3A_201, %dma_wait3A_250] : memref<128x4096xi32, #tpu.memory_space<hbm>> -> memref<1x4096xi32, #tpu.memory_space<hbm>>
    %dma_wait3A_252 = tpu.memref_squeeze %dma_wait3A_251 : memref<1x4096xi32, #tpu.memory_space<hbm>> -> memref<4096xi32, #tpu.memory_space<hbm>>
    tpu.wait_dma2 semaphore(%arg13 : memref<!tpu.dma_semaphore, #tpu.memory_space<semaphore_mem>>) src(%dma_wait3A_252 : memref<4096xi32, #tpu.memory_space<hbm>>) dst(%arg8 : memref<4096xi32, #tpu.memory_space<vmem>>)
    %scan3A_253 = arith.constant 0 : i32
    %scan3A_254 = arith.constant 0 : i32
    %scan3A_255 = arith.constant 256 : i32
    %scan3A_256 = arith.addi %scan3A_254, %scan3A_255 : i32
    %scan3A_257 = arith.constant 1 : i32
    %scan3A_258 = scf.for %scan3A_264 = %scan3A_254 to %scan3A_256 step %scan3A_257 iter_args(%scan3A_265 = %scan3A_253) -> (i32)  : i32 {
      %mul3A_266 = arith.constant 16 : i32
      %mul3A_267 = arith.muli %scan3A_264, %mul3A_266 : i32
      %get3A = arith.index_cast %mul3A_267 : i32 to index
      %get3A_268 = tpu.vector_load %arg8[%get3A] {strides = array<i32>} : memref<4096xi32, #tpu.memory_space<vmem>>, vector<16xi32>,
      %mul3A_269 = arith.constant 2 : i32
      %mul3A_270 = arith.muli %scan3A_264, %mul3A_269 : i32
      %add3A_271 = arith.constant 0 : i32
      %add3A_272 = arith.addi %mul3A_270, %add3A_271 : i32
      %slice3A = vector.extract_strided_slice %get3A_268 {offsets = [0], sizes = [1], strides = [1]} : vector<16xi32> to vector<1xi32>
      %squeeze3A = vector.extract %slice3A[0] : i32 from vector<1xi32>
      %lt3A = arith.constant 0 : i32
      %lt3A_273 = arith.cmpi slt, %squeeze3A, %lt3A : i32
      %jit3A = arith.constant 512 : i32
      %select_n3A = arith.select %lt3A_273, %jit3A, %squeeze3A : i32
      %slice3A_274 = vector.extract_strided_slice %get3A_268 {offsets = [1], sizes = [1], strides = [1]} : vector<16xi32> to vector<1xi32>
      %squeeze3A_275 = vector.extract %slice3A_274[0] : i32 from vector<1xi32>
      %lt3A_276 = arith.constant 0 : i32
      %lt3A_277 = arith.cmpi slt, %squeeze3A_275, %lt3A_276 : i32
      %jit3A_278 = arith.constant 512 : i32
      %select_n3A_279 = arith.select %lt3A_277, %jit3A_278, %squeeze3A_275 : i32
      %slice3A_280 = vector.extract_strided_slice %get3A_268 {offsets = [2], sizes = [1], strides = [1]} : vector<16xi32> to vector<1xi32>
      %squeeze3A_281 = vector.extract %slice3A_280[0] : i32 from vector<1xi32>
      %lt3A_282 = arith.constant 0 : i32
      %lt3A_283 = arith.cmpi slt, %squeeze3A_281, %lt3A_282 : i32
      %jit3A_284 = arith.constant 512 : i32
      %select_n3A_285 = arith.select %lt3A_283, %jit3A_284, %squeeze3A_281 : i32
      %slice3A_286 = vector.extract_strided_slice %get3A_268 {offsets = [3], sizes = [1], strides = [1]} : vector<16xi32> to vector<1xi32>
      %squeeze3A_287 = vector.extract %slice3A_286[0] : i32 from vector<1xi32>
      %lt3A_288 = arith.constant 0 : i32
      %lt3A_289 = arith.cmpi slt, %squeeze3A_287, %lt3A_288 : i32
      %jit3A_290 = arith.constant 512 : i32
      %select_n3A_291 = arith.select %lt3A_289, %jit3A_290, %squeeze3A_287 : i32
      %slice3A_292 = vector.extract_strided_slice %get3A_268 {offsets = [4], sizes = [1], strides = [1]} : vector<16xi32> to vector<1xi32>
      %squeeze3A_293 = vector.extract %slice3A_292[0] : i32 from vector<1xi32>
      %lt3A_294 = arith.constant 0 : i32
      %lt3A_295 = arith.cmpi slt, %squeeze3A_293, %lt3A_294 : i32
      %jit3A_296 = arith.constant 512 : i32
      %select_n3A_297 = arith.select %lt3A_295, %jit3A_296, %squeeze3A_293 : i32
      %slice3A_298 = vector.extract_strided_slice %get3A_268 {offsets = [5], sizes = [1], strides = [1]} : vector<16xi32> to vector<1xi32>
      %squeeze3A_299 = vector.extract %slice3A_298[0] : i32 from vector<1xi32>
      %lt3A_300 = arith.constant 0 : i32
      %lt3A_301 = arith.cmpi slt, %squeeze3A_299, %lt3A_300 : i32
      %jit3A_302 = arith.constant 512 : i32
      %select_n3A_303 = arith.select %lt3A_301, %jit3A_302, %squeeze3A_299 : i32
      %slice3A_304 = vector.extract_strided_slice %get3A_268 {offsets = [6], sizes = [1], strides = [1]} : vector<16xi32> to vector<1xi32>
      %squeeze3A_305 = vector.extract %slice3A_304[0] : i32 from vector<1xi32>
      %lt3A_306 = arith.constant 0 : i32
      %lt3A_307 = arith.cmpi slt, %squeeze3A_305, %lt3A_306 : i32
      %jit3A_308 = arith.constant 512 : i32
      %select_n3A_309 = arith.select %lt3A_307, %jit3A_308, %squeeze3A_305 : i32
      %slice3A_310 = vector.extract_strided_slice %get3A_268 {offsets = [7], sizes = [1], strides = [1]} : vector<16xi32> to vector<1xi32>
      %squeeze3A_311 = vector.extract %slice3A_310[0] : i32 from vector<1xi32>
      %lt3A_312 = arith.constant 0 : i32
      %lt3A_313 = arith.cmpi slt, %squeeze3A_311, %lt3A_312 : i32
      %jit3A_314 = arith.constant 512 : i32
      %select_n3A_315 = arith.select %lt3A_313, %jit3A_314, %squeeze3A_311 : i32
      %get3A_316 = arith.index_cast %add3A_272 : i32 to index
      %get3A_317 = arith.constant 0 : index
      %get3A_318 = tpu.vector_load %arg6[%get3A_316, %get3A_317] {strides = array<i32>} : memref<513x64xf32, #tpu.memory_space<vmem>>, vector<16xf32>,
      %get3A_319 = arith.index_cast %select_n3A : i32 to index
      %get3A_320 = arith.constant 0 : index
      %get3A_321 = tpu.vector_load %arg6[%get3A_319, %get3A_320] {strides = array<i32>} : memref<513x64xf32, #tpu.memory_space<vmem>>, vector<16xf32>,
      %get3A_322 = arith.index_cast %select_n3A_279 : i32 to index
      %get3A_323 = arith.constant 0 : index
      %get3A_324 = tpu.vector_load %arg6[%get3A_322, %get3A_323] {strides = array<i32>} : memref<513x64xf32, #tpu.memory_space<vmem>>, vector<16xf32>,
      %get3A_325 = arith.index_cast %select_n3A_285 : i32 to index
      %get3A_326 = arith.constant 0 : index
      %get3A_327 = tpu.vector_load %arg6[%get3A_325, %get3A_326] {strides = array<i32>} : memref<513x64xf32, #tpu.memory_space<vmem>>, vector<16xf32>,
      %get3A_328 = arith.index_cast %select_n3A_291 : i32 to index
      %get3A_329 = arith.constant 0 : index
      %get3A_330 = tpu.vector_load %arg6[%get3A_328, %get3A_329] {strides = array<i32>} : memref<513x64xf32, #tpu.memory_space<vmem>>, vector<16xf32>,
      %get3A_331 = arith.index_cast %select_n3A_297 : i32 to index
      %get3A_332 = arith.constant 0 : index
      %get3A_333 = tpu.vector_load %arg6[%get3A_331, %get3A_332] {strides = array<i32>} : memref<513x64xf32, #tpu.memory_space<vmem>>, vector<16xf32>,
      %get3A_334 = arith.index_cast %select_n3A_303 : i32 to index
      %get3A_335 = arith.constant 0 : index
      %get3A_336 = tpu.vector_load %arg6[%get3A_334, %get3A_335] {strides = array<i32>} : memref<513x64xf32, #tpu.memory_space<vmem>>, vector<16xf32>,
      %get3A_337 = arith.index_cast %select_n3A_309 : i32 to index
      %get3A_338 = arith.constant 0 : index
      %get3A_339 = tpu.vector_load %arg6[%get3A_337, %get3A_338] {strides = array<i32>} : memref<513x64xf32, #tpu.memory_space<vmem>>, vector<16xf32>,
      %get3A_340 = arith.index_cast %select_n3A_315 : i32 to index
      %get3A_341 = arith.constant 0 : index
      %get3A_342 = tpu.vector_load %arg6[%get3A_340, %get3A_341] {strides = array<i32>} : memref<513x64xf32, #tpu.memory_space<vmem>>, vector<16xf32>,
      %add3A_343 = arith.addf %get3A_318, %get3A_321 : vector<16xf32>
      %add3A_344 = arith.addf %get3A_324, %get3A_327 : vector<16xf32>
      %add3A_345 = arith.addf %get3A_330, %get3A_333 : vector<16xf32>
      %add3A_346 = arith.addf %get3A_336, %get3A_339 : vector<16xf32>
      %add3A_347 = arith.addf %add3A_343, %add3A_344 : vector<16xf32>
      %add3A_348 = arith.addf %add3A_345, %add3A_346 : vector<16xf32>
      %add3A_349 = arith.addf %add3A_347, %add3A_348 : vector<16xf32>
      %add3A_350 = arith.addf %add3A_349, %get3A_342 : vector<16xf32>
      %swap3A_351 = arith.index_cast %add3A_272 : i32 to index
      %swap3A_352 = arith.constant 0 : index
      %swap3A_353 = tpu.vector_load %arg9[%swap3A_351, %swap3A_352] {strides = array<i32>} : memref<512x64xf32, #tpu.memory_space<vmem>>, vector<16xf32>,
      tpu.vector_store %arg9[%swap3A_351, %swap3A_352], %add3A_350 {strides = array<i32>} : memref<512x64xf32, #tpu.memory_space<vmem>>, vector<16xf32>,
      %get3A_354 = arith.index_cast %add3A_272 : i32 to index
      %get3A_355 = arith.constant 16 : index
      %get3A_356 = tpu.vector_load %arg6[%get3A_354, %get3A_355] {strides = array<i32>} : memref<513x64xf32, #tpu.memory_space<vmem>>, vector<16xf32>,
      %get3A_357 = arith.index_cast %select_n3A : i32 to index
      %get3A_358 = arith.constant 16 : index
      %get3A_359 = tpu.vector_load %arg6[%get3A_357, %get3A_358] {strides = array<i32>} : memref<513x64xf32, #tpu.memory_space<vmem>>, vector<16xf32>,
      %get3A_360 = arith.index_cast %select_n3A_279 : i32 to index
      %get3A_361 = arith.constant 16 : index
      %get3A_362 = tpu.vector_load %arg6[%get3A_360, %get3A_361] {strides = array<i32>} : memref<513x64xf32, #tpu.memory_space<vmem>>, vector<16xf32>,
      %get3A_363 = arith.index_cast %select_n3A_285 : i32 to index
      %get3A_364 = arith.constant 16 : index
      %get3A_365 = tpu.vector_load %arg6[%get3A_363, %get3A_364] {strides = array<i32>} : memref<513x64xf32, #tpu.memory_space<vmem>>, vector<16xf32>,
      %get3A_366 = arith.index_cast %select_n3A_291 : i32 to index
      %get3A_367 = arith.constant 16 : index
      %get3A_368 = tpu.vector_load %arg6[%get3A_366, %get3A_367] {strides = array<i32>} : memref<513x64xf32, #tpu.memory_space<vmem>>, vector<16xf32>,
      %get3A_369 = arith.index_cast %select_n3A_297 : i32 to index
      %get3A_370 = arith.constant 16 : index
      %get3A_371 = tpu.vector_load %arg6[%get3A_369, %get3A_370] {strides = array<i32>} : memref<513x64xf32, #tpu.memory_space<vmem>>, vector<16xf32>,
      %get3A_372 = arith.index_cast %select_n3A_303 : i32 to index
      %get3A_373 = arith.constant 16 : index
      %get3A_374 = tpu.vector_load %arg6[%get3A_372, %get3A_373] {strides = array<i32>} : memref<513x64xf32, #tpu.memory_space<vmem>>, vector<16xf32>,
      %get3A_375 = arith.index_cast %select_n3A_309 : i32 to index
      %get3A_376 = arith.constant 16 : index
      %get3A_377 = tpu.vector_load %arg6[%get3A_375, %get3A_376] {strides = array<i32>} : memref<513x64xf32, #tpu.memory_space<vmem>>, vector<16xf32>,
      %get3A_378 = arith.index_cast %select_n3A_315 : i32 to index
      %get3A_379 = arith.constant 16 : index
      %get3A_380 = tpu.vector_load %arg6[%get3A_378, %get3A_379] {strides = array<i32>} : memref<513x64xf32, #tpu.memory_space<vmem>>, vector<16xf32>,
      %add3A_381 = arith.addf %get3A_356, %get3A_359 : vector<16xf32>
      %add3A_382 = arith.addf %get3A_362, %get3A_365 : vector<16xf32>
      %add3A_383 = arith.addf %get3A_368, %get3A_371 : vector<16xf32>
      %add3A_384 = arith.addf %get3A_374, %get3A_377 : vector<16xf32>
      %add3A_385 = arith.addf %add3A_381, %add3A_382 : vector<16xf32>
      %add3A_386 = arith.addf %add3A_383, %add3A_384 : vector<16xf32>
      %add3A_387 = arith.addf %add3A_385, %add3A_386 : vector<16xf32>
      %add3A_388 = arith.addf %add3A_387, %get3A_380 : vector<16xf32>
      %swap3A_389 = arith.index_cast %add3A_272 : i32 to index
      %swap3A_390 = arith.constant 16 : index
      %swap3A_391 = tpu.vector_load %arg9[%swap3A_389, %swap3A_390] {strides = array<i32>} : memref<512x64xf32, #tpu.memory_space<vmem>>, vector<16xf32>,
      tpu.vector_store %arg9[%swap3A_389, %swap3A_390], %add3A_388 {strides = array<i32>} : memref<512x64xf32, #tpu.memory_space<vmem>>, vector<16xf32>,
      %get3A_392 = arith.index_cast %add3A_272 : i32 to index
      %get3A_393 = arith.constant 32 : index
      %get3A_394 = tpu.vector_load %arg6[%get3A_392, %get3A_393] {strides = array<i32>} : memref<513x64xf32, #tpu.memory_space<vmem>>, vector<16xf32>,
      %get3A_395 = arith.index_cast %select_n3A : i32 to index
      %get3A_396 = arith.constant 32 : index
      %get3A_397 = tpu.vector_load %arg6[%get3A_395, %get3A_396] {strides = array<i32>} : memref<513x64xf32, #tpu.memory_space<vmem>>, vector<16xf32>,
      %get3A_398 = arith.index_cast %select_n3A_279 : i32 to index
      %get3A_399 = arith.constant 32 : index
      %get3A_400 = tpu.vector_load %arg6[%get3A_398, %get3A_399] {strides = array<i32>} : memref<513x64xf32, #tpu.memory_space<vmem>>, vector<16xf32>,
      %get3A_401 = arith.index_cast %select_n3A_285 : i32 to index
      %get3A_402 = arith.constant 32 : index
      %get3A_403 = tpu.vector_load %arg6[%get3A_401, %get3A_402] {strides = array<i32>} : memref<513x64xf32, #tpu.memory_space<vmem>>, vector<16xf32>,
      %get3A_404 = arith.index_cast %select_n3A_291 : i32 to index
      %get3A_405 = arith.constant 32 : index
      %get3A_406 = tpu.vector_load %arg6[%get3A_404, %get3A_405] {strides = array<i32>} : memref<513x64xf32, #tpu.memory_space<vmem>>, vector<16xf32>,
      %get3A_407 = arith.index_cast %select_n3A_297 : i32 to index
      %get3A_408 = arith.constant 32 : index
      %get3A_409 = tpu.vector_load %arg6[%get3A_407, %get3A_408] {strides = array<i32>} : memref<513x64xf32, #tpu.memory_space<vmem>>, vector<16xf32>,
      %get3A_410 = arith.index_cast %select_n3A_303 : i32 to index
      %get3A_411 = arith.constant 32 : index
      %get3A_412 = tpu.vector_load %arg6[%get3A_410, %get3A_411] {strides = array<i32>} : memref<513x64xf32, #tpu.memory_space<vmem>>, vector<16xf32>,
      %get3A_413 = arith.index_cast %select_n3A_309 : i32 to index
      %get3A_414 = arith.constant 32 : index
      %get3A_415 = tpu.vector_load %arg6[%get3A_413, %get3A_414] {strides = array<i32>} : memref<513x64xf32, #tpu.memory_space<vmem>>, vector<16xf32>,
      %get3A_416 = arith.index_cast %select_n3A_315 : i32 to index
      %get3A_417 = arith.constant 32 : index
      %get3A_418 = tpu.vector_load %arg6[%get3A_416, %get3A_417] {strides = array<i32>} : memref<513x64xf32, #tpu.memory_space<vmem>>, vector<16xf32>,
      %add3A_419 = arith.addf %get3A_394, %get3A_397 : vector<16xf32>
      %add3A_420 = arith.addf %get3A_400, %get3A_403 : vector<16xf32>
      %add3A_421 = arith.addf %get3A_406, %get3A_409 : vector<16xf32>
      %add3A_422 = arith.addf %get3A_412, %get3A_415 : vector<16xf32>
      %add3A_423 = arith.addf %add3A_419, %add3A_420 : vector<16xf32>
      %add3A_424 = arith.addf %add3A_421, %add3A_422 : vector<16xf32>
      %add3A_425 = arith.addf %add3A_423, %add3A_424 : vector<16xf32>
      %add3A_426 = arith.addf %add3A_425, %get3A_418 : vector<16xf32>
      %swap3A_427 = arith.index_cast %add3A_272 : i32 to index
      %swap3A_428 = arith.constant 32 : index
      %swap3A_429 = tpu.vector_load %arg9[%swap3A_427, %swap3A_428] {strides = array<i32>} : memref<512x64xf32, #tpu.memory_space<vmem>>, vector<16xf32>,
      tpu.vector_store %arg9[%swap3A_427, %swap3A_428], %add3A_426 {strides = array<i32>} : memref<512x64xf32, #tpu.memory_space<vmem>>, vector<16xf32>,
      %get3A_430 = arith.index_cast %add3A_272 : i32 to index
      %get3A_431 = arith.constant 48 : index
      %get3A_432 = tpu.vector_load %arg6[%get3A_430, %get3A_431] {strides = array<i32>} : memref<513x64xf32, #tpu.memory_space<vmem>>, vector<16xf32>,
      %get3A_433 = arith.index_cast %select_n3A : i32 to index
      %get3A_434 = arith.constant 48 : index
      %get3A_435 = tpu.vector_load %arg6[%get3A_433, %get3A_434] {strides = array<i32>} : memref<513x64xf32, #tpu.memory_space<vmem>>, vector<16xf32>,
      %get3A_436 = arith.index_cast %select_n3A_279 : i32 to index
      %get3A_437 = arith.constant 48 : index
      %get3A_438 = tpu.vector_load %arg6[%get3A_436, %get3A_437] {strides = array<i32>} : memref<513x64xf32, #tpu.memory_space<vmem>>, vector<16xf32>,
      %get3A_439 = arith.index_cast %select_n3A_285 : i32 to index
      %get3A_440 = arith.constant 48 : index
      %get3A_441 = tpu.vector_load %arg6[%get3A_439, %get3A_440] {strides = array<i32>} : memref<513x64xf32, #tpu.memory_space<vmem>>, vector<16xf32>,
      %get3A_442 = arith.index_cast %select_n3A_291 : i32 to index
      %get3A_443 = arith.constant 48 : index
      %get3A_444 = tpu.vector_load %arg6[%get3A_442, %get3A_443] {strides = array<i32>} : memref<513x64xf32, #tpu.memory_space<vmem>>, vector<16xf32>,
      %get3A_445 = arith.index_cast %select_n3A_297 : i32 to index
      %get3A_446 = arith.constant 48 : index
      %get3A_447 = tpu.vector_load %arg6[%get3A_445, %get3A_446] {strides = array<i32>} : memref<513x64xf32, #tpu.memory_space<vmem>>, vector<16xf32>,
      %get3A_448 = arith.index_cast %select_n3A_303 : i32 to index
      %get3A_449 = arith.constant 48 : index
      %get3A_450 = tpu.vector_load %arg6[%get3A_448, %get3A_449] {strides = array<i32>} : memref<513x64xf32, #tpu.memory_space<vmem>>, vector<16xf32>,
      %get3A_451 = arith.index_cast %select_n3A_309 : i32 to index
      %get3A_452 = arith.constant 48 : index
      %get3A_453 = tpu.vector_load %arg6[%get3A_451, %get3A_452] {strides = array<i32>} : memref<513x64xf32, #tpu.memory_space<vmem>>, vector<16xf32>,
      %get3A_454 = arith.index_cast %select_n3A_315 : i32 to index
      %get3A_455 = arith.constant 48 : index
      %get3A_456 = tpu.vector_load %arg6[%get3A_454, %get3A_455] {strides = array<i32>} : memref<513x64xf32, #tpu.memory_space<vmem>>, vector<16xf32>,
      %add3A_457 = arith.addf %get3A_432, %get3A_435 : vector<16xf32>
      %add3A_458 = arith.addf %get3A_438, %get3A_441 : vector<16xf32>
      %add3A_459 = arith.addf %get3A_444, %get3A_447 : vector<16xf32>
      %add3A_460 = arith.addf %get3A_450, %get3A_453 : vector<16xf32>
      %add3A_461 = arith.addf %add3A_457, %add3A_458 : vector<16xf32>
      %add3A_462 = arith.addf %add3A_459, %add3A_460 : vector<16xf32>
      %add3A_463 = arith.addf %add3A_461, %add3A_462 : vector<16xf32>
      %add3A_464 = arith.addf %add3A_463, %get3A_456 : vector<16xf32>
      %swap3A_465 = arith.index_cast %add3A_272 : i32 to index
      %swap3A_466 = arith.constant 48 : index
      %swap3A_467 = tpu.vector_load %arg9[%swap3A_465, %swap3A_466] {strides = array<i32>} : memref<512x64xf32, #tpu.memory_space<vmem>>, vector<16xf32>,
      tpu.vector_store %arg9[%swap3A_465, %swap3A_466], %add3A_464 {strides = array<i32>} : memref<512x64xf32, #tpu.memory_space<vmem>>, vector<16xf32>,
      %mul3A_468 = arith.constant 2 : i32
      %mul3A_469 = arith.muli %scan3A_264, %mul3A_468 : i32
      %add3A_470 = arith.constant 1 : i32
      %add3A_471 = arith.addi %mul3A_469, %add3A_470 : i32
      %slice3A_472 = vector.extract_strided_slice %get3A_268 {offsets = [8], sizes = [1], strides = [1]} : vector<16xi32> to vector<1xi32>
      %squeeze3A_473 = vector.extract %slice3A_472[0] : i32 from vector<1xi32>
      %lt3A_474 = arith.constant 0 : i32
      %lt3A_475 = arith.cmpi slt, %squeeze3A_473, %lt3A_474 : i32
      %jit3A_476 = arith.constant 512 : i32
      %select_n3A_477 = arith.select %lt3A_475, %jit3A_476, %squeeze3A_473 : i32
      %slice3A_478 = vector.extract_strided_slice %get3A_268 {offsets = [9], sizes = [1], strides = [1]} : vector<16xi32> to vector<1xi32>
      %squeeze3A_479 = vector.extract %slice3A_478[0] : i32 from vector<1xi32>
      %lt3A_480 = arith.constant 0 : i32
      %lt3A_481 = arith.cmpi slt, %squeeze3A_479, %lt3A_480 : i32
      %jit3A_482 = arith.constant 512 : i32
      %select_n3A_483 = arith.select %lt3A_481, %jit3A_482, %squeeze3A_479 : i32
      %slice3A_484 = vector.extract_strided_slice %get3A_268 {offsets = [10], sizes = [1], strides = [1]} : vector<16xi32> to vector<1xi32>
      %squeeze3A_485 = vector.extract %slice3A_484[0] : i32 from vector<1xi32>
      %lt3A_486 = arith.constant 0 : i32
      %lt3A_487 = arith.cmpi slt, %squeeze3A_485, %lt3A_486 : i32
      %jit3A_488 = arith.constant 512 : i32
      %select_n3A_489 = arith.select %lt3A_487, %jit3A_488, %squeeze3A_485 : i32
      %slice3A_490 = vector.extract_strided_slice %get3A_268 {offsets = [11], sizes = [1], strides = [1]} : vector<16xi32> to vector<1xi32>
      %squeeze3A_491 = vector.extract %slice3A_490[0] : i32 from vector<1xi32>
      %lt3A_492 = arith.constant 0 : i32
      %lt3A_493 = arith.cmpi slt, %squeeze3A_491, %lt3A_492 : i32
      %jit3A_494 = arith.constant 512 : i32
      %select_n3A_495 = arith.select %lt3A_493, %jit3A_494, %squeeze3A_491 : i32
      %slice3A_496 = vector.extract_strided_slice %get3A_268 {offsets = [12], sizes = [1], strides = [1]} : vector<16xi32> to vector<1xi32>
      %squeeze3A_497 = vector.extract %slice3A_496[0] : i32 from vector<1xi32>
      %lt3A_498 = arith.constant 0 : i32
      %lt3A_499 = arith.cmpi slt, %squeeze3A_497, %lt3A_498 : i32
      %jit3A_500 = arith.constant 512 : i32
      %select_n3A_501 = arith.select %lt3A_499, %jit3A_500, %squeeze3A_497 : i32
      %slice3A_502 = vector.extract_strided_slice %get3A_268 {offsets = [13], sizes = [1], strides = [1]} : vector<16xi32> to vector<1xi32>
      %squeeze3A_503 = vector.extract %slice3A_502[0] : i32 from vector<1xi32>
      %lt3A_504 = arith.constant 0 : i32
      %lt3A_505 = arith.cmpi slt, %squeeze3A_503, %lt3A_504 : i32
      %jit3A_506 = arith.constant 512 : i32
      %select_n3A_507 = arith.select %lt3A_505, %jit3A_506, %squeeze3A_503 : i32
      %slice3A_508 = vector.extract_strided_slice %get3A_268 {offsets = [14], sizes = [1], strides = [1]} : vector<16xi32> to vector<1xi32>
      %squeeze3A_509 = vector.extract %slice3A_508[0] : i32 from vector<1xi32>
      %lt3A_510 = arith.constant 0 : i32
      %lt3A_511 = arith.cmpi slt, %squeeze3A_509, %lt3A_510 : i32
      %jit3A_512 = arith.constant 512 : i32
      %select_n3A_513 = arith.select %lt3A_511, %jit3A_512, %squeeze3A_509 : i32
      %slice3A_514 = vector.extract_strided_slice %get3A_268 {offsets = [15], sizes = [1], strides = [1]} : vector<16xi32> to vector<1xi32>
      %squeeze3A_515 = vector.extract %slice3A_514[0] : i32 from vector<1xi32>
      %lt3A_516 = arith.constant 0 : i32
      %lt3A_517 = arith.cmpi slt, %squeeze3A_515, %lt3A_516 : i32
      %jit3A_518 = arith.constant 512 : i32
      %select_n3A_519 = arith.select %lt3A_517, %jit3A_518, %squeeze3A_515 : i32
      %get3A_520 = arith.index_cast %add3A_471 : i32 to index
      %get3A_521 = arith.constant 0 : index
      %get3A_522 = tpu.vector_load %arg6[%get3A_520, %get3A_521] {strides = array<i32>} : memref<513x64xf32, #tpu.memory_space<vmem>>, vector<16xf32>,
      %get3A_523 = arith.index_cast %select_n3A_477 : i32 to index
      %get3A_524 = arith.constant 0 : index
      %get3A_525 = tpu.vector_load %arg6[%get3A_523, %get3A_524] {strides = array<i32>} : memref<513x64xf32, #tpu.memory_space<vmem>>, vector<16xf32>,
      %get3A_526 = arith.index_cast %select_n3A_483 : i32 to index
      %get3A_527 = arith.constant 0 : index
      %get3A_528 = tpu.vector_load %arg6[%get3A_526, %get3A_527] {strides = array<i32>} : memref<513x64xf32, #tpu.memory_space<vmem>>, vector<16xf32>,
      %get3A_529 = arith.index_cast %select_n3A_489 : i32 to index
      %get3A_530 = arith.constant 0 : index
      %get3A_531 = tpu.vector_load %arg6[%get3A_529, %get3A_530] {strides = array<i32>} : memref<513x64xf32, #tpu.memory_space<vmem>>, vector<16xf32>,
      %get3A_532 = arith.index_cast %select_n3A_495 : i32 to index
      %get3A_533 = arith.constant 0 : index
      %get3A_534 = tpu.vector_load %arg6[%get3A_532, %get3A_533] {strides = array<i32>} : memref<513x64xf32, #tpu.memory_space<vmem>>, vector<16xf32>,
      %get3A_535 = arith.index_cast %select_n3A_501 : i32 to index
      %get3A_536 = arith.constant 0 : index
      %get3A_537 = tpu.vector_load %arg6[%get3A_535, %get3A_536] {strides = array<i32>} : memref<513x64xf32, #tpu.memory_space<vmem>>, vector<16xf32>,
      %get3A_538 = arith.index_cast %select_n3A_507 : i32 to index
      %get3A_539 = arith.constant 0 : index
      %get3A_540 = tpu.vector_load %arg6[%get3A_538, %get3A_539] {strides = array<i32>} : memref<513x64xf32, #tpu.memory_space<vmem>>, vector<16xf32>,
      %get3A_541 = arith.index_cast %select_n3A_513 : i32 to index
      %get3A_542 = arith.constant 0 : index
      %get3A_543 = tpu.vector_load %arg6[%get3A_541, %get3A_542] {strides = array<i32>} : memref<513x64xf32, #tpu.memory_space<vmem>>, vector<16xf32>,
      %get3A_544 = arith.index_cast %select_n3A_519 : i32 to index
      %get3A_545 = arith.constant 0 : index
      %get3A_546 = tpu.vector_load %arg6[%get3A_544, %get3A_545] {strides = array<i32>} : memref<513x64xf32, #tpu.memory_space<vmem>>, vector<16xf32>,
      %add3A_547 = arith.addf %get3A_522, %get3A_525 : vector<16xf32>
      %add3A_548 = arith.addf %get3A_528, %get3A_531 : vector<16xf32>
      %add3A_549 = arith.addf %get3A_534, %get3A_537 : vector<16xf32>
      %add3A_550 = arith.addf %get3A_540, %get3A_543 : vector<16xf32>
      %add3A_551 = arith.addf %add3A_547, %add3A_548 : vector<16xf32>
      %add3A_552 = arith.addf %add3A_549, %add3A_550 : vector<16xf32>
      %add3A_553 = arith.addf %add3A_551, %add3A_552 : vector<16xf32>
      %add3A_554 = arith.addf %add3A_553, %get3A_546 : vector<16xf32>
      %swap3A_555 = arith.index_cast %add3A_471 : i32 to index
      %swap3A_556 = arith.constant 0 : index
      %swap3A_557 = tpu.vector_load %arg9[%swap3A_555, %swap3A_556] {strides = array<i32>} : memref<512x64xf32, #tpu.memory_space<vmem>>, vector<16xf32>,
      tpu.vector_store %arg9[%swap3A_555, %swap3A_556], %add3A_554 {strides = array<i32>} : memref<512x64xf32, #tpu.memory_space<vmem>>, vector<16xf32>,
      %get3A_558 = arith.index_cast %add3A_471 : i32 to index
      %get3A_559 = arith.constant 16 : index
      %get3A_560 = tpu.vector_load %arg6[%get3A_558, %get3A_559] {strides = array<i32>} : memref<513x64xf32, #tpu.memory_space<vmem>>, vector<16xf32>,
      %get3A_561 = arith.index_cast %select_n3A_477 : i32 to index
      %get3A_562 = arith.constant 16 : index
      %get3A_563 = tpu.vector_load %arg6[%get3A_561, %get3A_562] {strides = array<i32>} : memref<513x64xf32, #tpu.memory_space<vmem>>, vector<16xf32>,
      %get3A_564 = arith.index_cast %select_n3A_483 : i32 to index
      %get3A_565 = arith.constant 16 : index
      %get3A_566 = tpu.vector_load %arg6[%get3A_564, %get3A_565] {strides = array<i32>} : memref<513x64xf32, #tpu.memory_space<vmem>>, vector<16xf32>,
      %get3A_567 = arith.index_cast %select_n3A_489 : i32 to index
      %get3A_568 = arith.constant 16 : index
      %get3A_569 = tpu.vector_load %arg6[%get3A_567, %get3A_568] {strides = array<i32>} : memref<513x64xf32, #tpu.memory_space<vmem>>, vector<16xf32>,
      %get3A_570 = arith.index_cast %select_n3A_495 : i32 to index
      %get3A_571 = arith.constant 16 : index
      %get3A_572 = tpu.vector_load %arg6[%get3A_570, %get3A_571] {strides = array<i32>} : memref<513x64xf32, #tpu.memory_space<vmem>>, vector<16xf32>,
      %get3A_573 = arith.index_cast %select_n3A_501 : i32 to index
      %get3A_574 = arith.constant 16 : index
      %get3A_575 = tpu.vector_load %arg6[%get3A_573, %get3A_574] {strides = array<i32>} : memref<513x64xf32, #tpu.memory_space<vmem>>, vector<16xf32>,
      %get3A_576 = arith.index_cast %select_n3A_507 : i32 to index
      %get3A_577 = arith.constant 16 : index
      %get3A_578 = tpu.vector_load %arg6[%get3A_576, %get3A_577] {strides = array<i32>} : memref<513x64xf32, #tpu.memory_space<vmem>>, vector<16xf32>,
      %get3A_579 = arith.index_cast %select_n3A_513 : i32 to index
      %get3A_580 = arith.constant 16 : index
      %get3A_581 = tpu.vector_load %arg6[%get3A_579, %get3A_580] {strides = array<i32>} : memref<513x64xf32, #tpu.memory_space<vmem>>, vector<16xf32>,
      %get3A_582 = arith.index_cast %select_n3A_519 : i32 to index
      %get3A_583 = arith.constant 16 : index
      %get3A_584 = tpu.vector_load %arg6[%get3A_582, %get3A_583] {strides = array<i32>} : memref<513x64xf32, #tpu.memory_space<vmem>>, vector<16xf32>,
      %add3A_585 = arith.addf %get3A_560, %get3A_563 : vector<16xf32>
      %add3A_586 = arith.addf %get3A_566, %get3A_569 : vector<16xf32>
      %add3A_587 = arith.addf %get3A_572, %get3A_575 : vector<16xf32>
      %add3A_588 = arith.addf %get3A_578, %get3A_581 : vector<16xf32>
      %add3A_589 = arith.addf %add3A_585, %add3A_586 : vector<16xf32>
      %add3A_590 = arith.addf %add3A_587, %add3A_588 : vector<16xf32>
      %add3A_591 = arith.addf %add3A_589, %add3A_590 : vector<16xf32>
      %add3A_592 = arith.addf %add3A_591, %get3A_584 : vector<16xf32>
      %swap3A_593 = arith.index_cast %add3A_471 : i32 to index
      %swap3A_594 = arith.constant 16 : index
      %swap3A_595 = tpu.vector_load %arg9[%swap3A_593, %swap3A_594] {strides = array<i32>} : memref<512x64xf32, #tpu.memory_space<vmem>>, vector<16xf32>,
      tpu.vector_store %arg9[%swap3A_593, %swap3A_594], %add3A_592 {strides = array<i32>} : memref<512x64xf32, #tpu.memory_space<vmem>>, vector<16xf32>,
      %get3A_596 = arith.index_cast %add3A_471 : i32 to index
      %get3A_597 = arith.constant 32 : index
      %get3A_598 = tpu.vector_load %arg6[%get3A_596, %get3A_597] {strides = array<i32>} : memref<513x64xf32, #tpu.memory_space<vmem>>, vector<16xf32>,
      %get3A_599 = arith.index_cast %select_n3A_477 : i32 to index
      %get3A_600 = arith.constant 32 : index
      %get3A_601 = tpu.vector_load %arg6[%get3A_599, %get3A_600] {strides = array<i32>} : memref<513x64xf32, #tpu.memory_space<vmem>>, vector<16xf32>,
      %get3A_602 = arith.index_cast %select_n3A_483 : i32 to index
      %get3A_603 = arith.constant 32 : index
      %get3A_604 = tpu.vector_load %arg6[%get3A_602, %get3A_603] {strides = array<i32>} : memref<513x64xf32, #tpu.memory_space<vmem>>, vector<16xf32>,
      %get3A_605 = arith.index_cast %select_n3A_489 : i32 to index
      %get3A_606 = arith.constant 32 : index
      %get3A_607 = tpu.vector_load %arg6[%get3A_605, %get3A_606] {strides = array<i32>} : memref<513x64xf32, #tpu.memory_space<vmem>>, vector<16xf32>,
      %get3A_608 = arith.index_cast %select_n3A_495 : i32 to index
      %get3A_609 = arith.constant 32 : index
      %get3A_610 = tpu.vector_load %arg6[%get3A_608, %get3A_609] {strides = array<i32>} : memref<513x64xf32, #tpu.memory_space<vmem>>, vector<16xf32>,
      %get3A_611 = arith.index_cast %select_n3A_501 : i32 to index
      %get3A_612 = arith.constant 32 : index
      %get3A_613 = tpu.vector_load %arg6[%get3A_611, %get3A_612] {strides = array<i32>} : memref<513x64xf32, #tpu.memory_space<vmem>>, vector<16xf32>,
      %get3A_614 = arith.index_cast %select_n3A_507 : i32 to index
      %get3A_615 = arith.constant 32 : index
      %get3A_616 = tpu.vector_load %arg6[%get3A_614, %get3A_615] {strides = array<i32>} : memref<513x64xf32, #tpu.memory_space<vmem>>, vector<16xf32>,
      %get3A_617 = arith.index_cast %select_n3A_513 : i32 to index
      %get3A_618 = arith.constant 32 : index
      %get3A_619 = tpu.vector_load %arg6[%get3A_617, %get3A_618] {strides = array<i32>} : memref<513x64xf32, #tpu.memory_space<vmem>>, vector<16xf32>,
      %get3A_620 = arith.index_cast %select_n3A_519 : i32 to index
      %get3A_621 = arith.constant 32 : index
      %get3A_622 = tpu.vector_load %arg6[%get3A_620, %get3A_621] {strides = array<i32>} : memref<513x64xf32, #tpu.memory_space<vmem>>, vector<16xf32>,
      %add3A_623 = arith.addf %get3A_598, %get3A_601 : vector<16xf32>
      %add3A_624 = arith.addf %get3A_604, %get3A_607 : vector<16xf32>
      %add3A_625 = arith.addf %get3A_610, %get3A_613 : vector<16xf32>
      %add3A_626 = arith.addf %get3A_616, %get3A_619 : vector<16xf32>
      %add3A_627 = arith.addf %add3A_623, %add3A_624 : vector<16xf32>
      %add3A_628 = arith.addf %add3A_625, %add3A_626 : vector<16xf32>
      %add3A_629 = arith.addf %add3A_627, %add3A_628 : vector<16xf32>
      %add3A_630 = arith.addf %add3A_629, %get3A_622 : vector<16xf32>
      %swap3A_631 = arith.index_cast %add3A_471 : i32 to index
      %swap3A_632 = arith.constant 32 : index
      %swap3A_633 = tpu.vector_load %arg9[%swap3A_631, %swap3A_632] {strides = array<i32>} : memref<512x64xf32, #tpu.memory_space<vmem>>, vector<16xf32>,
      tpu.vector_store %arg9[%swap3A_631, %swap3A_632], %add3A_630 {strides = array<i32>} : memref<512x64xf32, #tpu.memory_space<vmem>>, vector<16xf32>,
      %get3A_634 = arith.index_cast %add3A_471 : i32 to index
      %get3A_635 = arith.constant 48 : index
      %get3A_636 = tpu.vector_load %arg6[%get3A_634, %get3A_635] {strides = array<i32>} : memref<513x64xf32, #tpu.memory_space<vmem>>, vector<16xf32>,
      %get3A_637 = arith.index_cast %select_n3A_477 : i32 to index
      %get3A_638 = arith.constant 48 : index
      %get3A_639 = tpu.vector_load %arg6[%get3A_637, %get3A_638] {strides = array<i32>} : memref<513x64xf32, #tpu.memory_space<vmem>>, vector<16xf32>,
      %get3A_640 = arith.index_cast %select_n3A_483 : i32 to index
      %get3A_641 = arith.constant 48 : index
      %get3A_642 = tpu.vector_load %arg6[%get3A_640, %get3A_641] {strides = array<i32>} : memref<513x64xf32, #tpu.memory_space<vmem>>, vector<16xf32>,
      %get3A_643 = arith.index_cast %select_n3A_489 : i32 to index
      %get3A_644 = arith.constant 48 : index
      %get3A_645 = tpu.vector_load %arg6[%get3A_643, %get3A_644] {strides = array<i32>} : memref<513x64xf32, #tpu.memory_space<vmem>>, vector<16xf32>,
      %get3A_646 = arith.index_cast %select_n3A_495 : i32 to index
      %get3A_647 = arith.constant 48 : index
      %get3A_648 = tpu.vector_load %arg6[%get3A_646, %get3A_647] {strides = array<i32>} : memref<513x64xf32, #tpu.memory_space<vmem>>, vector<16xf32>,
      %get3A_649 = arith.index_cast %select_n3A_501 : i32 to index
      %get3A_650 = arith.constant 48 : index
      %get3A_651 = tpu.vector_load %arg6[%get3A_649, %get3A_650] {strides = array<i32>} : memref<513x64xf32, #tpu.memory_space<vmem>>, vector<16xf32>,
      %get3A_652 = arith.index_cast %select_n3A_507 : i32 to index
      %get3A_653 = arith.constant 48 : index
      %get3A_654 = tpu.vector_load %arg6[%get3A_652, %get3A_653] {strides = array<i32>} : memref<513x64xf32, #tpu.memory_space<vmem>>, vector<16xf32>,
      %get3A_655 = arith.index_cast %select_n3A_513 : i32 to index
      %get3A_656 = arith.constant 48 : index
      %get3A_657 = tpu.vector_load %arg6[%get3A_655, %get3A_656] {strides = array<i32>} : memref<513x64xf32, #tpu.memory_space<vmem>>, vector<16xf32>,
      %get3A_658 = arith.index_cast %select_n3A_519 : i32 to index
      %get3A_659 = arith.constant 48 : index
      %get3A_660 = tpu.vector_load %arg6[%get3A_658, %get3A_659] {strides = array<i32>} : memref<513x64xf32, #tpu.memory_space<vmem>>, vector<16xf32>,
      %add3A_661 = arith.addf %get3A_636, %get3A_639 : vector<16xf32>
      %add3A_662 = arith.addf %get3A_642, %get3A_645 : vector<16xf32>
      %add3A_663 = arith.addf %get3A_648, %get3A_651 : vector<16xf32>
      %add3A_664 = arith.addf %get3A_654, %get3A_657 : vector<16xf32>
      %add3A_665 = arith.addf %add3A_661, %add3A_662 : vector<16xf32>
      %add3A_666 = arith.addf %add3A_663, %add3A_664 : vector<16xf32>
      %add3A_667 = arith.addf %add3A_665, %add3A_666 : vector<16xf32>
      %add3A_668 = arith.addf %add3A_667, %get3A_660 : vector<16xf32>
      %swap3A_669 = arith.index_cast %add3A_471 : i32 to index
      %swap3A_670 = arith.constant 48 : index
      %swap3A_671 = tpu.vector_load %arg9[%swap3A_669, %swap3A_670] {strides = array<i32>} : memref<512x64xf32, #tpu.memory_space<vmem>>, vector<16xf32>,
      tpu.vector_store %arg9[%swap3A_669, %swap3A_670], %add3A_668 {strides = array<i32>} : memref<512x64xf32, #tpu.memory_space<vmem>>, vector<16xf32>,
      %scan3A_672 = arith.constant 0 : i32
      scf.yield %scan3A_672 : i32
    }
    %scan3A_259 = arith.constant 256 : i32
    %mul3A_260 = arith.constant 4 : i32
    %mul3A_261 = arith.muli %add3A, %mul3A_260 : i32
    %add3A_262 = arith.constant 3 : i32
    %add3A_263 = arith.addi %mul3A_261, %add3A_262 : i32
    "tpu.region"() ({
      %run_scoped3A = tpu.sem_alloc : memref<!tpu.dma_semaphore, #tpu.memory_space<semaphore_mem>>
      %dma_start3A_264 = arith.constant 0 : i32
      %dma_start3A_265 = arith.constant 0 : i32
      %dma_start3A_266 = tpu.memref_slice %arg4[%add3A_263, %dma_start3A_264, %dma_start3A_265] : memref<128x512x64xf32, #tpu.memory_space<hbm>> -> memref<1x512x64xf32, #tpu.memory_space<hbm>>
      %dma_start3A_267 = tpu.memref_squeeze %dma_start3A_266 : memref<1x512x64xf32, #tpu.memory_space<hbm>> -> memref<512x64xf32, #tpu.memory_space<hbm>>
      %dma_start3A_268 = arith.constant 0 : i32
      %dma_start3A_269 = arith.constant 0 : i32
      %dma_start3A_270 = tpu.memref_slice %arg4[%add3A_263, %dma_start3A_268, %dma_start3A_269] : memref<128x512x64xf32, #tpu.memory_space<hbm>> -> memref<1x512x64xf32, #tpu.memory_space<hbm>>
      %dma_start3A_271 = tpu.memref_squeeze %dma_start3A_270 : memref<1x512x64xf32, #tpu.memory_space<hbm>> -> memref<512x64xf32, #tpu.memory_space<hbm>>
      tpu.enqueue_dma source(%arg9 : memref<512x64xf32, #tpu.memory_space<vmem>>) target(%dma_start3A_271 : memref<512x64xf32, #tpu.memory_space<hbm>>) target_semaphore(%run_scoped3A : memref<!tpu.dma_semaphore, #tpu.memory_space<semaphore_mem>>)
      %dma_wait3A_272 = arith.constant 0 : i32
      %dma_wait3A_273 = arith.constant 0 : i32
      %dma_wait3A_274 = tpu.memref_slice %arg4[%add3A_263, %dma_wait3A_272, %dma_wait3A_273] : memref<128x512x64xf32, #tpu.memory_space<hbm>> -> memref<1x512x64xf32, #tpu.memory_space<hbm>>
      %dma_wait3A_275 = tpu.memref_squeeze %dma_wait3A_274 : memref<1x512x64xf32, #tpu.memory_space<hbm>> -> memref<512x64xf32, #tpu.memory_space<hbm>>
      %dma_wait3A_276 = arith.constant 0 : i32
      %dma_wait3A_277 = arith.constant 0 : i32
      %dma_wait3A_278 = tpu.memref_slice %arg4[%add3A_263, %dma_wait3A_276, %dma_wait3A_277] : memref<128x512x64xf32, #tpu.memory_space<hbm>> -> memref<1x512x64xf32, #tpu.memory_space<hbm>>
      %dma_wait3A_279 = tpu.memref_squeeze %dma_wait3A_278 : memref<1x512x64xf32, #tpu.memory_space<hbm>> -> memref<512x64xf32, #tpu.memory_space<hbm>>
      tpu.wait_dma2 semaphore(%run_scoped3A : memref<!tpu.dma_semaphore, #tpu.memory_space<semaphore_mem>>) src(%arg9 : memref<512x64xf32, #tpu.memory_space<vmem>>) dst(%dma_wait3A_279 : memref<512x64xf32, #tpu.memory_space<hbm>>)
      tpu.yield
    }) : () -> ()
    return
  }
}

module attributes {stable_mosaic.version = 14 : i64} {
  func.func @_dense_body(%arg0: i32, %arg1: memref<4096x64xf32, #tpu.memory_space<vmem>>, %arg2: memref<4096x128xf32, #tpu.memory_space<vmem>>, %arg3: memref<4096x8xi32, #tpu.memory_space<vmem>>, %arg4: memref<64x512xf32, #tpu.memory_space<vmem>>, %arg5: memref<128x512xf32, #tpu.memory_space<vmem>>, %arg6: memref<1x512xf32, #tpu.memory_space<vmem>>, %arg7: memref<4096x64xf32, #tpu.memory_space<vmem>>) attributes {dimension_semantics = [#tpu.dimension_semantics<arbitrary>], iteration_bounds = array<i64: 16>, scalar_prefetch = 0 : i64, scratch_operands = 0 : i64, tpu.core_type = #tpu.core_type<tc>, window_params = [{transform_indices = @transform_0, window_bounds = array<i64: 4096, 64>}, {transform_indices = @transform_1, window_bounds = array<i64: 4096, 128>}, {transform_indices = @transform_2, window_bounds = array<i64: 4096, 8>}, {pipeline_mode = #tpu.pipeline_mode<synchronous>, transform_indices = @transform_3, window_bounds = array<i64: 64, 512>}, {pipeline_mode = #tpu.pipeline_mode<synchronous>, transform_indices = @transform_4, window_bounds = array<i64: 128, 512>}, {pipeline_mode = #tpu.pipeline_mode<synchronous>, transform_indices = @transform_5, window_bounds = array<i64: 1, 512>}, {transform_indices = @transform_6, window_bounds = array<i64: 4096, 64>}]} {
    %get3A = arith.constant 0 : index
    %get3A_0 = arith.constant 0 : index
    %get3A_1 = vector.load %arg1[%get3A, %get3A_0] : memref<4096x64xf32, #tpu.memory_space<vmem>>, vector<4096x64xf32>
    %get3A_2 = arith.constant 0 : index
    %get3A_3 = arith.constant 0 : index
    %get3A_4 = vector.load %arg4[%get3A_2, %get3A_3] : memref<64x512xf32, #tpu.memory_space<vmem>>, vector<64x512xf32>
    %dot_general3A = arith.constant dense<0.000000e+00> : vector<4096x512xf32>
    %dot_general3A_5 = tpu.matmul %get3A_1, %get3A_4, %dot_general3A {dimension_numbers = #tpu.dot_dimension_numbers<[1], [0], [0], [1], [0, 0, 1, 1], [], []>, transpose_lhs_hint = false} : vector<4096x64xf32>, vector<64x512xf32>, vector<4096x512xf32> -> vector<4096x512xf32>
    %get3A_6 = arith.constant 0 : index
    %get3A_7 = arith.constant 0 : index
    %get3A_8 = vector.load %arg2[%get3A_6, %get3A_7] : memref<4096x128xf32, #tpu.memory_space<vmem>>, vector<4096x128xf32>
    %get3A_9 = arith.constant 0 : index
    %get3A_10 = arith.constant 0 : index
    %get3A_11 = vector.load %arg5[%get3A_9, %get3A_10] : memref<128x512xf32, #tpu.memory_space<vmem>>, vector<128x512xf32>
    %dot_general3A_12 = arith.constant dense<0.000000e+00> : vector<4096x512xf32>
    %dot_general3A_13 = tpu.matmul %get3A_8, %get3A_11, %dot_general3A_12 {dimension_numbers = #tpu.dot_dimension_numbers<[1], [0], [0], [1], [0, 0, 1, 1], [], []>, transpose_lhs_hint = false} : vector<4096x128xf32>, vector<128x512xf32>, vector<4096x512xf32> -> vector<4096x512xf32>
    %add3A = arith.addf %dot_general3A_5, %dot_general3A_13 : vector<4096x512xf32>
    %get3A_14 = arith.constant 0 : index
    %get3A_15 = arith.constant 0 : index
    %get3A_16 = vector.load %arg6[%get3A_14, %get3A_15] : memref<1x512xf32, #tpu.memory_space<vmem>>, vector<1x512xf32>
    %add3A_17 = vector.broadcast %get3A_16 : vector<1x512xf32> to vector<4096x512xf32>
    %add3A_18 = arith.addf %add3A, %add3A_17 : vector<4096x512xf32>
    %get3A_19 = arith.constant 0 : index
    %get3A_20 = arith.constant 0 : index
    %get3A_21 = vector.load %arg3[%get3A_19, %get3A_20] : memref<4096x8xi32, #tpu.memory_space<vmem>>, vector<4096x8xi32>
    %ge3A = arith.constant 0 : i32
    %ge3A_22 = vector.broadcast %ge3A : i32 to vector<4096x8xi32>
    %ge3A_23 = arith.cmpi sge, %get3A_21, %ge3A_22 : vector<4096x8xi32>
    %convert_element_type3A = arith.extui %ge3A_23 : vector<4096x8xi1> to vector<4096x8xi32>
    %reduce_sum3A = arith.constant dense<0> : vector<4096xi32>
    %reduce_sum3A_24 = vector.multi_reduction <add>, %convert_element_type3A, %reduce_sum3A [1] : vector<4096x8xi32> to vector<4096xi32>
    %broadcast_in_dim3A = vector.shape_cast %reduce_sum3A_24 : vector<4096xi32> to vector<4096x1xi32>
    %broadcast_in_dim3A_25 = arith.constant 0.000000e+00 : f32
    %broadcast_in_dim3A_26 = vector.broadcast %broadcast_in_dim3A_25 : f32 to vector<4096x64xf32>
    %eq3A = arith.constant 0 : i32
    %eq3A_27 = vector.broadcast %eq3A : i32 to vector<4096x1xi32>
    %eq3A_28 = arith.cmpi eq, %broadcast_in_dim3A, %eq3A_27 : vector<4096x1xi32>
    %slice3A = vector.extract_strided_slice %add3A_18 {offsets = [0, 0], sizes = [4096, 64], strides = [1, 1]} : vector<4096x512xf32> to vector<4096x64xf32>
    %jit3A = arith.constant 0.000000e+00 : f32
    %broadcast_in_dim3A_29 = vector.shape_cast %eq3A_28 : vector<4096x1xi1> to vector<4096x1xi1>
    %broadcast_in_dim3A_30 = vector.broadcast %broadcast_in_dim3A_29 : vector<4096x1xi1> to vector<4096x64xi1>
    %broadcast_in_dim3A_31 = vector.broadcast %jit3A : f32 to vector<4096x64xf32>
    %select_n3A = arith.select %broadcast_in_dim3A_30, %slice3A, %broadcast_in_dim3A_31 : vector<4096x64xi1>, vector<4096x64xf32>
    %add3A_32 = arith.addf %broadcast_in_dim3A_26, %select_n3A : vector<4096x64xf32>
    %eq3A_33 = arith.constant 1 : i32
    %eq3A_34 = vector.broadcast %eq3A_33 : i32 to vector<4096x1xi32>
    %eq3A_35 = arith.cmpi eq, %broadcast_in_dim3A, %eq3A_34 : vector<4096x1xi32>
    %slice3A_36 = vector.extract_strided_slice %add3A_18 {offsets = [0, 64], sizes = [4096, 64], strides = [1, 1]} : vector<4096x512xf32> to vector<4096x64xf32>
    %jit3A_37 = arith.constant 0.000000e+00 : f32
    %broadcast_in_dim3A_38 = vector.shape_cast %eq3A_35 : vector<4096x1xi1> to vector<4096x1xi1>
    %broadcast_in_dim3A_39 = vector.broadcast %broadcast_in_dim3A_38 : vector<4096x1xi1> to vector<4096x64xi1>
    %broadcast_in_dim3A_40 = vector.broadcast %jit3A_37 : f32 to vector<4096x64xf32>
    %select_n3A_41 = arith.select %broadcast_in_dim3A_39, %slice3A_36, %broadcast_in_dim3A_40 : vector<4096x64xi1>, vector<4096x64xf32>
    %add3A_42 = arith.addf %add3A_32, %select_n3A_41 : vector<4096x64xf32>
    %eq3A_43 = arith.constant 2 : i32
    %eq3A_44 = vector.broadcast %eq3A_43 : i32 to vector<4096x1xi32>
    %eq3A_45 = arith.cmpi eq, %broadcast_in_dim3A, %eq3A_44 : vector<4096x1xi32>
    %slice3A_46 = vector.extract_strided_slice %add3A_18 {offsets = [0, 128], sizes = [4096, 64], strides = [1, 1]} : vector<4096x512xf32> to vector<4096x64xf32>
    %jit3A_47 = arith.constant 0.000000e+00 : f32
    %broadcast_in_dim3A_48 = vector.shape_cast %eq3A_45 : vector<4096x1xi1> to vector<4096x1xi1>
    %broadcast_in_dim3A_49 = vector.broadcast %broadcast_in_dim3A_48 : vector<4096x1xi1> to vector<4096x64xi1>
    %broadcast_in_dim3A_50 = vector.broadcast %jit3A_47 : f32 to vector<4096x64xf32>
    %select_n3A_51 = arith.select %broadcast_in_dim3A_49, %slice3A_46, %broadcast_in_dim3A_50 : vector<4096x64xi1>, vector<4096x64xf32>
    %add3A_52 = arith.addf %add3A_42, %select_n3A_51 : vector<4096x64xf32>
    %eq3A_53 = arith.constant 3 : i32
    %eq3A_54 = vector.broadcast %eq3A_53 : i32 to vector<4096x1xi32>
    %eq3A_55 = arith.cmpi eq, %broadcast_in_dim3A, %eq3A_54 : vector<4096x1xi32>
    %slice3A_56 = vector.extract_strided_slice %add3A_18 {offsets = [0, 192], sizes = [4096, 64], strides = [1, 1]} : vector<4096x512xf32> to vector<4096x64xf32>
    %jit3A_57 = arith.constant 0.000000e+00 : f32
    %broadcast_in_dim3A_58 = vector.shape_cast %eq3A_55 : vector<4096x1xi1> to vector<4096x1xi1>
    %broadcast_in_dim3A_59 = vector.broadcast %broadcast_in_dim3A_58 : vector<4096x1xi1> to vector<4096x64xi1>
    %broadcast_in_dim3A_60 = vector.broadcast %jit3A_57 : f32 to vector<4096x64xf32>
    %select_n3A_61 = arith.select %broadcast_in_dim3A_59, %slice3A_56, %broadcast_in_dim3A_60 : vector<4096x64xi1>, vector<4096x64xf32>
    %add3A_62 = arith.addf %add3A_52, %select_n3A_61 : vector<4096x64xf32>
    %eq3A_63 = arith.constant 4 : i32
    %eq3A_64 = vector.broadcast %eq3A_63 : i32 to vector<4096x1xi32>
    %eq3A_65 = arith.cmpi eq, %broadcast_in_dim3A, %eq3A_64 : vector<4096x1xi32>
    %slice3A_66 = vector.extract_strided_slice %add3A_18 {offsets = [0, 256], sizes = [4096, 64], strides = [1, 1]} : vector<4096x512xf32> to vector<4096x64xf32>
    %jit3A_67 = arith.constant 0.000000e+00 : f32
    %broadcast_in_dim3A_68 = vector.shape_cast %eq3A_65 : vector<4096x1xi1> to vector<4096x1xi1>
    %broadcast_in_dim3A_69 = vector.broadcast %broadcast_in_dim3A_68 : vector<4096x1xi1> to vector<4096x64xi1>
    %broadcast_in_dim3A_70 = vector.broadcast %jit3A_67 : f32 to vector<4096x64xf32>
    %select_n3A_71 = arith.select %broadcast_in_dim3A_69, %slice3A_66, %broadcast_in_dim3A_70 : vector<4096x64xi1>, vector<4096x64xf32>
    %add3A_72 = arith.addf %add3A_62, %select_n3A_71 : vector<4096x64xf32>
    %eq3A_73 = arith.constant 5 : i32
    %eq3A_74 = vector.broadcast %eq3A_73 : i32 to vector<4096x1xi32>
    %eq3A_75 = arith.cmpi eq, %broadcast_in_dim3A, %eq3A_74 : vector<4096x1xi32>
    %slice3A_76 = vector.extract_strided_slice %add3A_18 {offsets = [0, 320], sizes = [4096, 64], strides = [1, 1]} : vector<4096x512xf32> to vector<4096x64xf32>
    %jit3A_77 = arith.constant 0.000000e+00 : f32
    %broadcast_in_dim3A_78 = vector.shape_cast %eq3A_75 : vector<4096x1xi1> to vector<4096x1xi1>
    %broadcast_in_dim3A_79 = vector.broadcast %broadcast_in_dim3A_78 : vector<4096x1xi1> to vector<4096x64xi1>
    %broadcast_in_dim3A_80 = vector.broadcast %jit3A_77 : f32 to vector<4096x64xf32>
    %select_n3A_81 = arith.select %broadcast_in_dim3A_79, %slice3A_76, %broadcast_in_dim3A_80 : vector<4096x64xi1>, vector<4096x64xf32>
    %add3A_82 = arith.addf %add3A_72, %select_n3A_81 : vector<4096x64xf32>
    %eq3A_83 = arith.constant 6 : i32
    %eq3A_84 = vector.broadcast %eq3A_83 : i32 to vector<4096x1xi32>
    %eq3A_85 = arith.cmpi eq, %broadcast_in_dim3A, %eq3A_84 : vector<4096x1xi32>
    %slice3A_86 = vector.extract_strided_slice %add3A_18 {offsets = [0, 384], sizes = [4096, 64], strides = [1, 1]} : vector<4096x512xf32> to vector<4096x64xf32>
    %jit3A_87 = arith.constant 0.000000e+00 : f32
    %broadcast_in_dim3A_88 = vector.shape_cast %eq3A_85 : vector<4096x1xi1> to vector<4096x1xi1>
    %broadcast_in_dim3A_89 = vector.broadcast %broadcast_in_dim3A_88 : vector<4096x1xi1> to vector<4096x64xi1>
    %broadcast_in_dim3A_90 = vector.broadcast %jit3A_87 : f32 to vector<4096x64xf32>
    %select_n3A_91 = arith.select %broadcast_in_dim3A_89, %slice3A_86, %broadcast_in_dim3A_90 : vector<4096x64xi1>, vector<4096x64xf32>
    %add3A_92 = arith.addf %add3A_82, %select_n3A_91 : vector<4096x64xf32>
    %eq3A_93 = arith.constant 7 : i32
    %eq3A_94 = vector.broadcast %eq3A_93 : i32 to vector<4096x1xi32>
    %eq3A_95 = arith.cmpi eq, %broadcast_in_dim3A, %eq3A_94 : vector<4096x1xi32>
    %slice3A_96 = vector.extract_strided_slice %add3A_18 {offsets = [0, 448], sizes = [4096, 64], strides = [1, 1]} : vector<4096x512xf32> to vector<4096x64xf32>
    %jit3A_97 = arith.constant 0.000000e+00 : f32
    %broadcast_in_dim3A_98 = vector.shape_cast %eq3A_95 : vector<4096x1xi1> to vector<4096x1xi1>
    %broadcast_in_dim3A_99 = vector.broadcast %broadcast_in_dim3A_98 : vector<4096x1xi1> to vector<4096x64xi1>
    %broadcast_in_dim3A_100 = vector.broadcast %jit3A_97 : f32 to vector<4096x64xf32>
    %select_n3A_101 = arith.select %broadcast_in_dim3A_99, %slice3A_96, %broadcast_in_dim3A_100 : vector<4096x64xi1>, vector<4096x64xf32>
    %add3A_102 = arith.addf %add3A_92, %select_n3A_101 : vector<4096x64xf32>
    %max3A = arith.constant 0.000000e+00 : f32
    %max3A_103 = vector.broadcast %max3A : f32 to vector<4096x64xf32>
    %max3A_104 = arith.maximumf %add3A_102, %max3A_103 : vector<4096x64xf32>
    %swap3A = arith.constant 0 : index
    %swap3A_105 = arith.constant 0 : index
    %swap3A_106 = vector.load %arg7[%swap3A, %swap3A_105] : memref<4096x64xf32, #tpu.memory_space<vmem>>, vector<4096x64xf32>
    tpu.vector_store %arg7[%swap3A, %swap3A_105], %max3A_104 {strides = array<i32>} : memref<4096x64xf32, #tpu.memory_space<vmem>>, vector<4096x64xf32>,
    return
  }
  func.func @transform_0(%arg0: i32) -> (i32, i32) {
    %c0_i32 = arith.constant 0 : i32
    %c0_i32_0 = arith.constant 0 : i32
    return %arg0, %c0_i32 : i32, i32
  }
  func.func @transform_1(%arg0: i32) -> (i32, i32) {
    %c0_i32 = arith.constant 0 : i32
    %c0_i32_0 = arith.constant 0 : i32
    return %arg0, %c0_i32 : i32, i32
  }
  func.func @transform_2(%arg0: i32) -> (i32, i32) {
    %c0_i32 = arith.constant 0 : i32
    %c0_i32_0 = arith.constant 0 : i32
    return %arg0, %c0_i32 : i32, i32
  }
  func.func @transform_3(%arg0: i32) -> (i32, i32) {
    %c0_i32 = arith.constant 0 : i32
    %c0_i32_0 = arith.constant 0 : i32
    %c0_i32_1 = arith.constant 0 : i32
    return %c0_i32, %c0_i32_0 : i32, i32
  }
  func.func @transform_4(%arg0: i32) -> (i32, i32) {
    %c0_i32 = arith.constant 0 : i32
    %c0_i32_0 = arith.constant 0 : i32
    %c0_i32_1 = arith.constant 0 : i32
    return %c0_i32, %c0_i32_0 : i32, i32
  }
  func.func @transform_5(%arg0: i32) -> (i32, i32) {
    %c0_i32 = arith.constant 0 : i32
    %c0_i32_0 = arith.constant 0 : i32
    %c0_i32_1 = arith.constant 0 : i32
    return %c0_i32, %c0_i32_0 : i32, i32
  }
  func.func @transform_6(%arg0: i32) -> (i32, i32) {
    %c0_i32 = arith.constant 0 : i32
    %c0_i32_0 = arith.constant 0 : i32
    return %arg0, %c0_i32 : i32, i32
  }
}

</mosaic_0001>

<sc_bundles>
// kernel: kernel.4.cloned.1.call-start
scs
__scs_entry_jumppad:
0x0: {  	(pc) =	sbr.rel $0x88, $3  }
0x1: {  	(tag) =	ssettag $0x0;
	lr =	simm.s32 $0x1  }
0x2: {  	[smem:$0x3F9C] =	sst lr;
	_ =	strace $0xD0000000  }
0x3: {  	_ = 	snop  }
0x4: {  	_ = 	snop  }
0x5: {  	_ = 	snop  }
0x6: {  	_ = 	snop  }
0x7: {  	_ = 	snop  }
__scs_overlays_trampoline_lowered:
0x8: {  	[smem:$0x3FAB] =	sst s0  }
0x9: {  	[smem:$0x3FAC] =	sst s1  }
0xa: {  	[smem:$0x3FAD] =	sst s2  }
0xb: {  	[smem:$0x3FAE] =	sst s3  }
0xc: {  	[smem:$0x3FAF] =	sst s4  }
0xd: {  	[smem:$0x3FB0] =	sst s5  }
0xe: {  	[smem:$0x3FB1] =	sst s6  }
0xf: {  	[smem:$0x3FB2] =	sst s7  }
0x10: {  	[smem:$0x3FB3] =	sst s8  }
0x11: {  	[smem:$0x3FB4] =	sst s9;
	s0 =	simm.s32 @!p0 $0x0  }
0x12: {  	s1 =	sld [smem:$0x3F9A];
	s0 =	simm.s32 @p0 $0x1  }
0x13: {  	[smem:$0x3FB5] =	sst s0;
	s0 =	simm.s32 @!p1 $0x0  }
0x14: {  	s2 =	sld [smem:$0x3F99];
	s0 =	simm.s32 @p1 $0x1  }
0x15: {  	[smem:$0x3FB6] =	sst s0;
	s0 =	simm.s32 @!p2 $0x0  }
0x16: {  	s3 =	sld [smem:$0x3FDB];
	s0 =	simm.s32 @p2 $0x1  }
0x17: {  	s4 =	simm.s32 $0x1BF5;
	[smem:$0x3FB8] =	sst s0  }
0x18: {  	s0 =	sld [smem:$0x3F9B];
	_ =	swait.ge [sflag:s4], $0x0  }
0x19: {  	s7 =	sld [smem:$0x3F9C]  }
0x1a: {  	s8 =	sadd.s32 $0xFFFFE003, lr  }
0x1b: {  	s9 =	sadd.s32 $0xFFFFFEF7, lr;
	s5 =	simm.s32 $0xFFFFFFFF;
	p2 =	slt.u32 s8, $0xFFFFF086  }
0x1c: {  	p1 =	slt.u32 s9, $0xF7A;
	s5 =	simm.s32 @!p2 $0x0  }
0x1d: {  	s5 =	simm.s32 @p1 $0x1;
	p0 =	seq.s32 s7, s2  }
0x1e: {  	s7 =	smul.u32 @!p0 $0xF7A, s2;
	p2 =	seq.s32 @!p0 s5, $0x0  }
0x1f: {  	s9 =	smul.u32 $0xF7A, s1;
	s8 =	simm.s32 @!p0 $0x1BF5;
	p2 =	por !p2, p0  }
0x20: {  	[sflag:s8] =	ssyncset.s32 @!p0 $0xFFFFF086;
	s6 =	sadd.s32 @!p0 s3, s7;
	s7 =	simm.s32 @!p0 $0x108  }
0x21: {  	s3 =	sadd.s32 s3, s9;
	s6 =	sadd.s32 @!p0 $0x88, s6;
	s7 =	simm.s32 @p2 $0x1082  }
0x22: {  	[simem:s7], [sflag:s8] =	dma.local @!p0 [hbm:s6], $0xF7A  }
0x23: {  	s9 =	sor.u32 $0xD0000000, s2;
	s6 =	simm.s32 $0x108;
	_ =	swait.ge @!p0 [sflag:s8], $0x0  }
0x24: {  	s3 =	sadd.s32 $0x88, s3;
	s6 =	simm.s32 @!p1 $0x1082;
	[sflag:s4] =	ssyncset.s32 $0xFFFFF086  }
0x25: {  	[simem:s6], [sflag:s4] =	dma.local [hbm:s3], $0xF7A  }
0x26: {  	[smem:$0x3F9C] =	sst s1;
	(tag) =	ssettag s2;
	_ =	strace s9  }
0x27: {  	s1 =	sld [smem:$0x3FAC]  }
0x28: {  	s2 =	sld [smem:$0x3FAD]  }
0x29: {  	s4 =	sld [smem:$0x3FAF]  }
0x2a: {  	p0 =	seq.s32 s5, $0x0;
	s5 =	sld [smem:$0x3FB0]  }
0x2b: {  	s6 =	sld [smem:$0x3FB1]  }
0x2c: {  	s7 =	sld [smem:$0x3FB2]  }
0x2d: {  	s3 =	simm.s32 $0x108;
	s8 =	sld [smem:$0x3FB3]  }
0x2e: {  	s3 =	simm.s32 @!p0 $0x1082;
	s9 =	sld [smem:$0x3FB4]  }
0x2f: {  	lr =	sadd.s32 s0, s3;
	s0 =	sld [smem:$0x3FAB]  }
0x30: {  	s3 =	sld [smem:$0x3FAE]  }
0x31: {  	[smem:$0x3FB7] =	sst s10  }
0x32: {  	s10 =	sld [smem:$0x3FB5];
	_ =	sdelay $0x3  }
0x33: {  	p0 =	seq.s32 s10, $0x1;
	s10 =	sld [smem:$0x3FB7];
	_ =	sdelay $0x3  }
0x34: {  	[smem:$0x3FB7] =	sst s10  }
0x35: {  	s10 =	sld [smem:$0x3FB6];
	_ =	sdelay $0x3  }
0x36: {  	p1 =	seq.s32 s10, $0x1;
	s10 =	sld [smem:$0x3FB7];
	_ =	sdelay $0x3  }
0x37: {  	[smem:$0x3FB7] =	sst s10  }
0x38: {  	s10 =	sld [smem:$0x3FB8]  }
0x39: {  	_ = 	snop;
	(pc) =	sbr.ind lr, $3  }
0x3a: {  	_ = 	snop  }
0x3b: {  	_ = 	snop  }
0x3c: {  	p2 =	seq.s32 s10, $0x1;
	s10 =	sld [smem:$0x3FB7]  }
0x3d: {  	_ =	shalt  }
0x3e: {  	_ =	shalt  }
0x3f: {  	_ =	shalt  }
0x40: {  	_ =	shalt  }
0x41: {  	_ =	shalt  }
0x42: {  	_ =	shalt  }
0x43: {  	_ =	shalt  }
0x44: {  	_ =	shalt  }
0x45: {  	_ =	shalt  }
0x46: {  	_ =	shalt  }
0x47: {  	_ =	shalt  }
0x48: {  	_ =	shalt  }
0x49: {  	_ =	shalt  }
0x4a: {  	_ =	shalt  }
0x4b: {  	_ =	shalt  }
0x4c: {  	_ =	shalt  }
0x4d: {  	_ =	shalt  }
0x4e: {  	_ =	shalt  }
0x4f: {  	_ =	shalt  }
0x50: {  	_ =	shalt  }
0x51: {  	_ =	shalt  }
0x52: {  	_ =	shalt  }
0x53: {  	_ =	shalt  }
0x54: {  	_ =	shalt  }
0x55: {  	_ =	shalt  }
0x56: {  	_ =	shalt  }
0x57: {  	_ =	shalt  }
0x58: {  	_ =	shalt  }
0x59: {  	_ =	shalt  }
0x5a: {  	_ =	shalt  }
0x5b: {  	_ =	shalt  }
0x5c: {  	_ =	shalt  }
0x5d: {  	_ =	shalt  }
0x5e: {  	_ =	shalt  }
0x5f: {  	_ =	shalt  }
0x60: {  	_ =	shalt  }
0x61: {  	_ =	shalt  }
0x62: {  	_ =	shalt  }
0x63: {  	_ =	shalt  }
0x64: {  	_ =	shalt  }
0x65: {  	_ =	shalt  }
0x66: {  	_ =	shalt  }
0x67: {  	_ =	shalt  }
0x68: {  	_ =	shalt  }
0x69: {  	_ =	shalt  }
0x6a: {  	_ =	shalt  }
0x6b: {  	_ =	shalt  }
0x6c: {  	_ =	shalt  }
0x6d: {  	_ =	shalt  }
0x6e: {  	_ =	shalt  }
0x6f: {  	_ =	shalt  }
0x70: {  	_ =	shalt  }
0x71: {  	_ =	shalt  }
0x72: {  	_ =	shalt  }
0x73: {  	_ =	shalt  }
0x74: {  	_ =	shalt  }
0x75: {  	_ =	shalt  }
0x76: {  	_ =	shalt  }
0x77: {  	_ =	shalt  }
0x78: {  	_ =	shalt  }
0x79: {  	_ =	shalt  }
0x7a: {  	_ =	shalt  }
0x7b: {  	_ =	shalt  }
0x7c: {  	_ =	shalt  }
0x7d: {  	_ =	shalt  }
0x7e: {  	_ =	shalt  }
0x7f: {  	_ =	shalt  }
0x80: {  	_ =	shalt  }
0x81: {  	_ =	shalt  }
0x82: {  	_ =	shalt  }
0x83: {  	_ =	shalt  }
0x84: {  	_ =	shalt  }
0x85: {  	_ =	shalt  }
0x86: {  	_ =	shalt  }
0x87: {  	_ =	shalt  }
.Lfunc_end0:
.L_simem_size_0:
called_computation.1_lowered:
.L_overlay_start_0:
0x88: {  	s2 =	sld [smem:$0x3FD9]  }
0x89: {  	s3 =	sld [smem:$0x3FFE];
	_ =	sdelay $0x1  }
0x8a: {  	s1 =	srdreg.scid  }
0x8b: {  	s0 =	sand.u32 $0x1, s1  }
0x8c: {  	s17 =	sshll.u32 s0, $0xA;
	s2 =	sadd.s32 s3, s2  }
0x8d: {  	s2 =	sadd.s32 s2, s17  }
0x8e: {  	[smem:$0x3FC3] =	sst s2  }
0x8f: {  	_ = 	snop  }
0x90: {  	s18 =	sld [smem:$0x3FD0];
	(tm) =	ssettm $0x1  }
0x91: {  	s19 =	sld [smem:$0x3FFB];
	_ =	sdelay $0x3  }
0x92: {  	_ =	strace s19  }
0x93: {  	s2 =	sld [smem:$0x3FFC];
	_ =	sdelay $0x3  }
0x94: {  	_ =	strace s2  }
0x95: {  	s2 =	sld [smem:$0x3FFD];
	_ =	sdelay $0x3  }
0x96: {  	_ =	strace s2  }
0x97: {  	_ =	strace $0x8FFFFFFF  }
0x98: {  	s20 =	sld [smem:$0x3FDB];
	_ =	sdelay $0x1  }
0x99: {  	s4 =	simm.s32 $_scs_section_size  }
0x9a: {  	s5 =	simm.s32 $_size__tile_overlayer_lowered;
	s6 =	simm.s32 $_tile_overlayer_lowered  }
0x9b: {  	s7 =	simm.s32 $0x1BFF;
	s21 =	sshll.u32 s6, $0x1;
	s4 =	sadd.s32 s4, s20  }
0x9c: {  	s22 =	simm.s32 $0x0;
	s5 =	sshll.u32 s5, $0x1;
	s6 =	sadd.s32 s21, s4  }
0x9d: {  	[timem:s22], [sflag:s7] =	dma.local [hbm:s6], s5  }
0x9e: {  	_ =	swait.ge [sflag:s7], s5  }
0x9f: {  	s5 =	ssub.s32 $0x0, s5;
	[sflag:s7] =	ssyncset.done $0x0  }
0xa0: {  	[sflag:s7] =	ssyncadd.s32 s5;
	_ =	sdelay $0x1  }
0xa1: {  	s23 =	simm.s32 $0x1B8B  }
0xa2: {  	_ =	swait.ge [sflag:s23], $0x1  }
0xa3: {  	[sflag:s23] =	ssyncset.done $0x0  }
0xa4: {  	[sflag:s23] =	ssyncadd.s32 $0xFFFFFFFF  }
0xa5: {  	s5 =	sld [smem:$0x0]  }
0xa6: {  	s6 =	sand.u32 $0xFFFFFFFE, s1  }
0xa7: {  	p0 =	sne.s32 s1, s6  }
0xa8: {  	s6 =	sshll.u32 @p0 s6, $0xE  }
0xa9: {  	s6 =	sadd.s32 @p0 $0x11B8D, s6;
	s7 =	sshll.u32 @p0 s5, $0x11  }
0xaa: {  	s6 =	sor.u32 @p0 s7, s6  }
0xab: {  	[sflag:s6] =	ssyncadd.remote.s32 @p0 $0x1;
	_ =	sdelay $0x1  }
0xac: {  	s6 =	simm.s32 @p0 $0x1B8D  }
0xad: {  	_ =	swait.eq @p0 [sflag:s6], $0x1  }
0xae: {  	[sflag:s6] =	ssyncadd.s32 @p0 $0xFFFFFFFF  }
0xaf: {  	s7 =	sshll.u32 @!p0 s1, $0xE  }
0xb0: {  	s7 =	sor.u32 @!p0 $0x4000, s7;
	s6 =	simm.s32 @!p0 $0x1B8D  }
0xb1: {  	s5 =	sshll.u32 @!p0 s5, $0x11;
	s7 =	sadd.s32 @!p0 $0x11B8D, s7;
	_ =	swait.eq @!p0 [sflag:s6], $0x1  }
0xb2: {  	s5 =	sor.u32 @!p0 s5, s7;
	[sflag:s6] =	ssyncadd.s32 @!p0 $0xFFFFFFFF  }
0xb3: {  	s25 =	simm.s32 $0x1B8E;
	s24 =	sld [smem:$0x3FFE];
	[sflag:s5] =	ssyncadd.remote.s32 @!p0 $0x1  }
0xb4: {  	s26 =	simm.s32 $execute0_lowered;
	[smem:$0x3FD2] =	sst s25  }
0xb5: {  	s6 =	sshll.u32 s26, $0x1;
	_ =	strace $0x80000049;
	[dreg:$0x1] =	wrdreg $0xFFFFFFFF  }
0xb6: {  	s28 =	simm.s32 $_size_execute0_lowered;
	s4 =	sadd.s32 s4, s6;
	[dreg:$0x0] =	wrdreg $0x0  }
0xb7: {  	s6 =	sshll.u32 s28, $0x1;
	[dreg:$0x2] =	wrdreg s4  }
0xb8: {  	[dreg:$0x3] =	wrdreg s6  }
0xb9: {  	[dreg:$0x4] =	wrdreg $0xC0  }
0xba: {  	_ =	task [dreg:s22], $0x5FFFF  }
0xbb: {  	[dreg:$0x1] =	wrdreg $0xFFFFFFFF  }
0xbc: {  	[dreg:$0x0] =	wrdreg $0x60  }
0xbd: {  	[dreg:$0x2] =	wrdreg s18  }
0xbe: {  	[dreg:$0x3] =	wrdreg s24  }
0xbf: {  	[dreg:$0x4] =	wrdreg $0xA  }
0xc0: {  	_ =	task.clear_ibuf [dreg:s22], $0x5FFFF;
	_ =	strace $0x90000049  }
0xc1: {  	s29 =	simm.s32 $0xA;
	_ =	strace $0x8000004B  }
0xc2: {  	_ =	swait.ge [sflag:s29], $0x1  }
0xc3: {  	[sflag:s29] =	ssyncadd.s32 $0xFFFFFFFF  }
0xc4: {  	_ =	strace $0x9000004B  }
0xc5: {  	_ =	sfence  }
0xc6: {  	s30 =	sld [smem:$0x0];
	_ =	sdelay $0x2  }
0xc7: {  	s31 =	sshll.u32 s1, $0xD;
	s1 =	sshrl.u32 s1, $0x2  }
0xc8: {  	s4 =	sand.u32 $0x4000, s31;
	s1 =	sadd.s32 s1, s30  }
0xc9: {  	s0 =	sor.u32 s4, s0;
	s1 =	sshll.u32 s1, $0x11  }
0xca: {  	s0 =	sor.u32 s1, s0  }
0xcb: {  	s0 =	sadd.s32 $0x8F2B, s0  }
0xcc: {  	[sflag:s0] =	ssyncadd.remote.s32 $0x1  }
0xcd: {  	_ =	sfence.sel $0xFFFF  }
0xce: {  	[dreg:$0x0] =	wrdreg $0xFFFFFFFF;
	(pc) =	sbr.abs _section_cstart, $3  }
0xcf: {  	[dreg:$0x1] =	wrdreg $0xFFFFFFFF  }
0xd0: {  	_ =	task.clear_ibuf [dreg:s22], $0x2FFFF;
	_ =	strace $0x9FFFFFFF  }
0xd1: {  	(tm) =	ssettm $0x7FFFFFFF  }
tec
execute0_lowered:
.L_overlay_start_1:
0x0: {  	(tag) =	ssettag $0x1  }
0x1: {  	s0 =	rddreg [dreg:$0x0]  }
0x2: {  	s1 =	rddreg [dreg:$0x1];
	s2 =	simm.s32 $0x0  }
0x3: {  	s3 =	srdreg.scid;
	s5 =	stileid.u32;
	s16 =	simm.s32 $0x1  }
0x4: {  	s17 =	simm.s32 $0x2;
	s18 =	simm.s32 $0x8040;
	s19 =	simm.s32 $0x11080  }
0x5: {  	s20 =	simm.s32 $0x12080;
	s21 =	simm.s32 $0x5;
	s22 =	simm.s32 $0x3  }
0x6: {  	s23 =	simm.s32 $0x4;
	s24 =	simm.s32 $0x10080;
	[smem:$0x7FF] =	sst s2  }
0x7: {  	s3 =	sand.u32 $0x1, s3;
	s5 =	sshll.u32 s5, $0x3;
	s6 =	sadd.s32 $0x201E00, s1  }
0x8: {  	s1 =	sadd.s32 $0x211E00, s1;
	s4 =	ssub.s32 $0x2, s3;
	s3 =	sshll.u32 s3, $0x2  }
0x9: {  	_ =	strace $0x8000004A;
	s7 =	sshrl.u32 s4, $0x1;
	s3 =	sor.u32 s3, s5  }
0xa: {  	s4 =	ssub.s32 s4, s7;
	s5 =	sshll.u32 s3, $0xC;
	s26 =	sshll.u32 s3, $0x9  }
0xb: {  	s8 =	sor.u32 $0x1, s3;
	s30 =	sor.u32 $0x2, s3;
	s3 =	sor.u32 $0x3, s3  }
0xc: {  	s25 =	sadd.s32 s0, s5;
	s7 =	sadd.s32 s6, s26;
	s10 =	sshll.u32 s8, $0xC  }
0xd: {  	s28 =	sshll.u32 s8, $0x9;
	s31 =	sshll.u32 s30, $0xC;
	s9 =	sshll.u32 s30, $0x9  }
0xe: {  	s14 =	sshll.u32 s3, $0xC;
	s3 =	sshll.u32 s3, $0x9;
	[dreg:$0x3] =	wrdreg s25  }
0xf: {  	s15 =	smax.u32 s4, $0x1;
	[dreg:$0x4] =	wrdreg s7;
	s29 =	sadd.s32 s0, s10  }
0x10: {  	s7 =	sadd.s32 s6, s28;
	s8 =	sadd.s32 s0, s31;
	s9 =	sadd.s32 s6, s9  }
0x11: {  	s10 =	sadd.s32 s1, s10;
	s11 =	sadd.s32 s0, s14;
	s12 =	sadd.s32 s6, s3  }
0x12: {  	s13 =	sadd.s32 s1, s31;
	s14 =	sadd.s32 s1, s14;
	[dreg:$0x5] =	wrdreg s29  }
0x13: {  	v0 =	vimm.f32 $0.0e+00;
	s25 =	simm.s32 $0x0;
	[dreg:$0x6] =	wrdreg s7;
	s7 =	sadd.s32 s1, s5  }
.LBB2_1:
0x14: {  	[tilespmem:$0x8000] =	vst v0  }
0x15: {  	[tilespmem:$0x8010] =	vst v0  }
0x16: {  	[tilespmem:$0x8020] =	vst v0  }
0x17: {  	[tilespmem:$0x8030] =	vst v0  }
0x18: {  	[tilespmem:$0x10040] =	vst v0  }
0x19: {  	[tilespmem:$0x10050] =	vst v0  }
0x1a: {  	[tilespmem:$0x10060] =	vst v0  }
0x1b: {  	[tilespmem:$0x10070] =	vst v0;
	s0 =	rddreg [dreg:$0x3]  }
0x1c: {  	[tilespmem:s2], [sflag:$0x1] =	stream.linear.gather [hbm4b:s0+s2], $0x8000, $0x38;
	[tilespmem:$0x1A080] =	vst v63  }
0x1d: {  	s29 =	rddreg [dreg:$0x4]  }
0x1e: {  	[tilespmem:s24], [sflag:$0x2] =	stream.linear.gather [hbm4b:s29+s2], $0x1000, $0x38;
	[tilespmem:$0x1A080] =	vst v63  }
0x1f: {  	_ =	swait.ge [sflag:s16], $0x8000  }
0x20: {  	[sflag:s16] =	ssyncset.done $0x0  }
0x21: {  	[sflag:s16] =	ssyncadd.s32 $0xFFFF8000  }
0x22: {  	_ =	swait.ge [sflag:s17], $0x1000  }
0x23: {  	[sflag:s17] =	ssyncset.done $0x0  }
0x24: {  	s30 =	rddreg [dreg:$0x5];
	[sflag:s17] =	ssyncadd.s32 $0xFFFFF000  }
0x25: {  	[tilespmem:s18], [sflag:$0x3] =	stream.linear.gather [hbm4b:s30+s2], $0x8000, $0x38;
	[tilespmem:$0x1A080] =	vst v63  }
0x26: {  	s26 =	simm.s32 $0x10080;
	s28 =	simm.s32 $0x0;
	s31 =	rddreg [dreg:$0x6]  }
0x27: {  	[tilespmem:s19], [sflag:$0x4] =	stream.linear.gather [hbm4b:s31+s2], $0x1000, $0x38;
	[tilespmem:$0x1A080] =	vst v63  }
.LBB2_2:
0x28: {  	v1 =	vld [tilespmem:s26+$0x0];
	_ =	sdelay $0x4  }
0x29: {  	(v2sf) =	vpush v1, $0x0;
	_ =	sdelay $0x1  }
0x2a: {  	(v2sf) =	vpush v1, $0x1  }
0x2b: {  	(v2sf) =	vpush v1, $0x2;
	_ =	sdelay $0x1  }
0x2c: {  	(v2sf) =	vpush v1, $0x3  }
0x2d: {  	(v2sf) =	vpush v1, $0x4;
	_ =	sdelay $0x1  }
0x2e: {  	(v2sf) =	vpush v1, $0x5  }
0x2f: {  	(v2sf) =	vpush v1, $0x6;
	_ =	sdelay $0x5  }
0x30: {  	s0 =	spop (v2sf);
	(v2sf) =	vpush v1, $0x7  }
0x31: {  	p0 =	slt.s32 s0, $0x0;
	s30 =	sshll.u32 s0, $0x6  }
0x32: {  	s29 =	sshra.s32 s28, $0x2;
	s1 =	spop (v2sf);
	s30 =	simm.s32 @p0 $0x8000  }
0x33: {  	p0 =	slt.s32 s1, $0x0;
	s31 =	sshll.u32 s1, $0x6;
	s5 =	spop (v2sf)  }
0x34: {  	s31 =	simm.s32 @p0 $0x8000;
	p0 =	slt.s32 s5, $0x0;
	s0 =	sshll.u32 s5, $0x6  }
0x35: {  	v2 =	vld [tilespmem:s29+$0x0];
	s6 =	spop (v2sf);
	s0 =	simm.s32 @p0 $0x8000  }
0x36: {  	v3 =	vld [tilespmem:s30+$0x0];
	p0 =	slt.s32 s6, $0x0;
	s3 =	spop (v2sf);
	s1 =	sshll.u32 s6, $0x6  }
0x37: {  	v4 =	vld [tilespmem:s31+$0x0];
	s1 =	simm.s32 @p0 $0x8000;
	p0 =	slt.s32 s3, $0x0;
	s3 =	sshll.u32 s3, $0x6  }
0x38: {  	s4 =	spop (v2sf);
	v5 =	vld [tilespmem:s0+$0x0];
	s3 =	simm.s32 @p0 $0x8000  }
0x39: {  	p0 =	slt.s32 s4, $0x0;
	s5 =	spop (v2sf);
	v6 =	vld [tilespmem:s1+$0x0];
	s4 =	sshll.u32 s4, $0x6  }
0x3a: {  	s4 =	simm.s32 @p0 $0x8000;
	p0 =	slt.s32 s5, $0x0;
	v7 =	vld [tilespmem:s3+$0x0];
	s5 =	sshll.u32 s5, $0x6  }
0x3b: {  	v8 =	vld [tilespmem:s4+$0x0];
	s5 =	simm.s32 @p0 $0x8000  }
0x3c: {  	v9 =	vld [tilespmem:s5+$0x0];
	_ =	sdelay $0x2  }
0x3d: {  	s6 =	spop (v2sf)  }
0x3e: {  	v2 =	vadd.f32 v3, v2;
	v3 =	vadd.f32 v5, v4;
	p0 =	slt.s32 s6, $0x0;
	s6 =	sshll.u32 s6, $0x6  }
0x3f: {  	v58 =	vadd.f32 v7, v6;
	v59 =	vadd.f32 v9, v8;
	s6 =	simm.s32 @p0 $0x8000  }
0x40: {  	v60 =	vld [tilespmem:s6+$0x0]  }
0x41: {  	v2 =	vadd.f32 v3, v2;
	v3 =	vadd.f32 v59, v58;
	_ =	sdelay $0x1  }
0x42: {  	v2 =	vadd.f32 v3, v2;
	_ =	sdelay $0x1  }
0x43: {  	v2 =	vadd.f32 v2, v60;
	_ =	sdelay $0x1  }
0x44: {  	[tilespmem:s29+$0x12080] =	vst v2;
	v2 =	vld [tilespmem:s29+$0x10]  }
0x45: {  	v3 =	vld [tilespmem:s30+$0x10]  }
0x46: {  	v61 =	vld [tilespmem:s31+$0x10]  }
0x47: {  	v62 =	vld [tilespmem:s0+$0x10]  }
0x48: {  	v63 =	vld [tilespmem:s1+$0x10]  }
0x49: {  	v12 =	vld [tilespmem:s3+$0x10]  }
0x4a: {  	v13 =	vld [tilespmem:s4+$0x10]  }
0x4b: {  	v14 =	vld [tilespmem:s5+$0x10];
	_ =	sdelay $0x3  }
0x4c: {  	v2 =	vadd.f32 v3, v2;
	v3 =	vadd.f32 v62, v61  }
0x4d: {  	v15 =	vadd.f32 v12, v63;
	v16 =	vadd.f32 v14, v13  }
0x4e: {  	v17 =	vld [tilespmem:s6+$0x10]  }
0x4f: {  	v2 =	vadd.f32 v3, v2;
	v3 =	vadd.f32 v16, v15;
	_ =	sdelay $0x1  }
0x50: {  	v2 =	vadd.f32 v3, v2;
	_ =	sdelay $0x1  }
0x51: {  	v2 =	vadd.f32 v2, v17;
	_ =	sdelay $0x1  }
0x52: {  	[tilespmem:s29+$0x12090] =	vst v2;
	v2 =	vld [tilespmem:s29+$0x20]  }
0x53: {  	v3 =	vld [tilespmem:s30+$0x20]  }
0x54: {  	v18 =	vld [tilespmem:s31+$0x20]  }
0x55: {  	v19 =	vld [tilespmem:s0+$0x20]  }
0x56: {  	v20 =	vld [tilespmem:s1+$0x20]  }
0x57: {  	v21 =	vld [tilespmem:s3+$0x20]  }
0x58: {  	v22 =	vld [tilespmem:s4+$0x20]  }
0x59: {  	v23 =	vld [tilespmem:s5+$0x20];
	_ =	sdelay $0x3  }
0x5a: {  	v2 =	vadd.f32 v3, v2;
	v3 =	vadd.f32 v19, v18  }
0x5b: {  	v24 =	vadd.f32 v21, v20;
	v25 =	vadd.f32 v23, v22  }
0x5c: {  	v26 =	vld [tilespmem:s6+$0x20]  }
0x5d: {  	v2 =	vadd.f32 v3, v2;
	v3 =	vadd.f32 v25, v24;
	_ =	sdelay $0x1  }
0x5e: {  	v2 =	vadd.f32 v3, v2;
	_ =	sdelay $0x1  }
0x5f: {  	v2 =	vadd.f32 v2, v26;
	_ =	sdelay $0x1  }
0x60: {  	(v2sf) =	vpush v1, $0x8;
	[tilespmem:s29+$0x120A0] =	vst v2;
	v2 =	vld [tilespmem:s29+$0x30]  }
0x61: {  	(v2sf) =	vpush v1, $0x9;
	v3 =	vld [tilespmem:s30+$0x30]  }
0x62: {  	(v2sf) =	vpush v1, $0xA;
	v27 =	vld [tilespmem:s31+$0x30]  }
0x63: {  	v28 =	vld [tilespmem:s0+$0x30]  }
0x64: {  	(v2sf) =	vpush v1, $0xB;
	v29 =	vld [tilespmem:s1+$0x30]  }
0x65: {  	(v2sf) =	vpush v1, $0xC;
	v30 =	vld [tilespmem:s3+$0x30]  }
0x66: {  	v31 =	vld [tilespmem:s4+$0x30]  }
0x67: {  	(v2sf) =	vpush v1, $0xD;
	v32 =	vld [tilespmem:s5+$0x30]  }
0x68: {  	(v2sf) =	vpush v1, $0xE;
	_ =	sdelay $0x2  }
0x69: {  	v2 =	vadd.f32 v3, v2;
	v3 =	vadd.f32 v28, v27  }
0x6a: {  	v33 =	vadd.f32 v30, v29;
	v34 =	vadd.f32 v32, v31  }
0x6b: {  	v35 =	vld [tilespmem:s6+$0x30]  }
0x6c: {  	v2 =	vadd.f32 v3, v2;
	v3 =	vadd.f32 v34, v33  }
0x6d: {  	s0 =	spop (v2sf);
	(v2sf) =	vpush v1, $0xF  }
0x6e: {  	s1 =	spop (v2sf);
	v1 =	vadd.f32 v3, v2  }
0x6f: {  	p0 =	slt.s32 s0, $0x0;
	s0 =	sshll.u32 s0, $0x6;
	s3 =	spop (v2sf)  }
0x70: {  	s0 =	simm.s32 @p0 $0x8000;
	p0 =	slt.s32 s1, $0x0;
	s1 =	sshll.u32 s1, $0x6;
	v1 =	vadd.f32 v1, v35  }
0x71: {  	s4 =	spop (v2sf);
	s1 =	simm.s32 @p0 $0x8000  }
0x72: {  	p0 =	slt.s32 s3, $0x0;
	s3 =	sshll.u32 s3, $0x6;
	s5 =	spop (v2sf);
	[tilespmem:s29+$0x120B0] =	vst v1;
	v1 =	vld [tilespmem:s29+$0x40]  }
0x73: {  	s3 =	simm.s32 @p0 $0x8000;
	p0 =	slt.s32 s4, $0x0;
	s4 =	sshll.u32 s4, $0x6;
	v2 =	vld [tilespmem:s0+$0x0]  }
0x74: {  	s6 =	spop (v2sf);
	s4 =	simm.s32 @p0 $0x8000;
	v3 =	vld [tilespmem:s1+$0x0]  }
0x75: {  	p0 =	slt.s32 s5, $0x0;
	s5 =	sshll.u32 s5, $0x6;
	s31 =	spop (v2sf);
	v36 =	vld [tilespmem:s3+$0x0]  }
0x76: {  	s5 =	simm.s32 @p0 $0x8000;
	p0 =	slt.s32 s6, $0x0;
	s6 =	sshll.u32 s6, $0x6;
	v37 =	vld [tilespmem:s4+$0x0]  }
0x77: {  	s6 =	simm.s32 @p0 $0x8000;
	p0 =	slt.s32 s31, $0x0;
	s30 =	sshll.u32 s31, $0x6;
	v38 =	vld [tilespmem:s5+$0x0]  }
0x78: {  	s30 =	simm.s32 @p0 $0x8000;
	v39 =	vld [tilespmem:s6+$0x0]  }
0x79: {  	v40 =	vld [tilespmem:s30+$0x0];
	_ =	sdelay $0x2  }
0x7a: {  	s31 =	spop (v2sf)  }
0x7b: {  	p0 =	slt.s32 s31, $0x0;
	s31 =	sshll.u32 s31, $0x6;
	v1 =	vadd.f32 v2, v1;
	v2 =	vadd.f32 v36, v3  }
0x7c: {  	s31 =	simm.s32 @p0 $0x8000;
	v3 =	vadd.f32 v38, v37;
	v41 =	vadd.f32 v40, v39  }
0x7d: {  	v42 =	vld [tilespmem:s31+$0x0]  }
0x7e: {  	v1 =	vadd.f32 v2, v1;
	v2 =	vadd.f32 v41, v3;
	_ =	sdelay $0x1  }
0x7f: {  	v1 =	vadd.f32 v2, v1;
	_ =	sdelay $0x1  }
0x80: {  	v1 =	vadd.f32 v1, v42;
	_ =	sdelay $0x1  }
0x81: {  	[tilespmem:s29+$0x120C0] =	vst v1;
	v1 =	vld [tilespmem:s29+$0x50]  }
0x82: {  	v2 =	vld [tilespmem:s0+$0x10]  }
0x83: {  	v3 =	vld [tilespmem:s1+$0x10]  }
0x84: {  	v43 =	vld [tilespmem:s3+$0x10]  }
0x85: {  	v44 =	vld [tilespmem:s4+$0x10]  }
0x86: {  	v45 =	vld [tilespmem:s5+$0x10]  }
0x87: {  	v46 =	vld [tilespmem:s6+$0x10]  }
0x88: {  	v47 =	vld [tilespmem:s30+$0x10];
	_ =	sdelay $0x3  }
0x89: {  	v1 =	vadd.f32 v2, v1;
	v2 =	vadd.f32 v43, v3  }
0x8a: {  	v3 =	vadd.f32 v45, v44;
	v48 =	vadd.f32 v47, v46  }
0x8b: {  	v49 =	vld [tilespmem:s31+$0x10]  }
0x8c: {  	v1 =	vadd.f32 v2, v1;
	v2 =	vadd.f32 v48, v3;
	_ =	sdelay $0x1  }
0x8d: {  	v1 =	vadd.f32 v2, v1;
	_ =	sdelay $0x1  }
0x8e: {  	v1 =	vadd.f32 v1, v49;
	_ =	sdelay $0x1  }
0x8f: {  	[tilespmem:s29+$0x120D0] =	vst v1;
	v1 =	vld [tilespmem:s29+$0x60]  }
0x90: {  	v2 =	vld [tilespmem:s0+$0x20]  }
0x91: {  	v3 =	vld [tilespmem:s1+$0x20]  }
0x92: {  	v50 =	vld [tilespmem:s3+$0x20]  }
0x93: {  	v51 =	vld [tilespmem:s4+$0x20]  }
0x94: {  	v52 =	vld [tilespmem:s5+$0x20]  }
0x95: {  	v53 =	vld [tilespmem:s6+$0x20]  }
0x96: {  	v54 =	vld [tilespmem:s30+$0x20];
	_ =	sdelay $0x3  }
0x97: {  	v1 =	vadd.f32 v2, v1;
	v2 =	vadd.f32 v50, v3  }
0x98: {  	v3 =	vadd.f32 v52, v51;
	v55 =	vadd.f32 v54, v53  }
0x99: {  	v56 =	vld [tilespmem:s31+$0x20]  }
0x9a: {  	v1 =	vadd.f32 v2, v1;
	v2 =	vadd.f32 v55, v3;
	_ =	sdelay $0x1  }
0x9b: {  	v1 =	vadd.f32 v2, v1;
	_ =	sdelay $0x1  }
0x9c: {  	v1 =	vadd.f32 v1, v56;
	_ =	sdelay $0x1  }
0x9d: {  	[tilespmem:s29+$0x120E0] =	vst v1;
	v1 =	vld [tilespmem:s29+$0x70]  }
0x9e: {  	v2 =	vld [tilespmem:s0+$0x30]  }
0x9f: {  	v3 =	vld [tilespmem:s1+$0x30]  }
0xa0: {  	v57 =	vld [tilespmem:s3+$0x30]  }
0xa1: {  	v58 =	vld [tilespmem:s4+$0x30]  }
0xa2: {  	v59 =	vld [tilespmem:s5+$0x30]  }
0xa3: {  	v60 =	vld [tilespmem:s6+$0x30]  }
0xa4: {  	v61 =	vld [tilespmem:s30+$0x30];
	_ =	sdelay $0x3  }
0xa5: {  	v1 =	vadd.f32 v2, v1;
	v2 =	vadd.f32 v57, v3  }
0xa6: {  	v3 =	vadd.f32 v59, v58;
	v62 =	vadd.f32 v61, v60  }
0xa7: {  	v63 =	vld [tilespmem:s31+$0x30]  }
0xa8: {  	v1 =	vadd.f32 v2, v1;
	v2 =	vadd.f32 v62, v3  }
0xa9: {  	p0 =	sne.s32 s28, $0x1FE00  }
.Ltmp0:
0xaa: {  	v1 =	vadd.f32 v2, v1;
	(pc) =	sbr.rel @p0 .LBB2_2-.Ltmp0, $3  }
0xab: {  	_ = 	snop  }
0xac: {  	v1 =	vadd.f32 v1, v63;
	_ =	sdelay $0x1  }
0xad: {  	s26 =	sadd.s32 $0x10, s26;
	s28 =	sadd.s32 $0x200, s28;
	[tilespmem:s29+$0x120F0] =	vst v1  }
0xae: {  	s26 =	simm.s32 $0x0  }
0xaf: {  	[hbm4b:s7+s26] =	stream.linear.scatter [tilespmem:s20], [sflag:$0x5], $0x8000, $0x38;
	[tilespmem:$0x1A080] =	vst v63  }
0xb0: {  	_ =	swait.ge [sflag:s21], $0x8000  }
0xb1: {  	[sflag:s21] =	ssyncset.done $0x0  }
0xb2: {  	[sflag:s21] =	ssyncadd.s32 $0xFFFF8000  }
0xb3: {  	_ =	swait.ge [sflag:s22], $0x8000  }
0xb4: {  	[sflag:s22] =	ssyncset.done $0x0  }
0xb5: {  	[sflag:s22] =	ssyncadd.s32 $0xFFFF8000  }
0xb6: {  	_ =	swait.ge [sflag:s23], $0x1000  }
0xb7: {  	[sflag:s23] =	ssyncset.done $0x0  }
0xb8: {  	[sflag:s23] =	ssyncadd.s32 $0xFFFFF000  }
0xb9: {  	[tilespmem:s26], [sflag:$0x1] =	stream.linear.gather [hbm4b:s8+s26], $0x8000, $0x38;
	[tilespmem:$0x1A080] =	vst v63  }
0xba: {  	s28 =	simm.s32 $0x11080  }
0xbb: {  	[tilespmem:s24], [sflag:$0x2] =	stream.linear.gather [hbm4b:s9+s26], $0x1000, $0x38;
	[tilespmem:$0x1A080] =	vst v63  }
.LBB2_4:
0xbc: {  	v1 =	vld [tilespmem:s28+$0x0];
	_ =	sdelay $0x4  }
0xbd: {  	(v2sf) =	vpush v1, $0x0;
	_ =	sdelay $0x1  }
0xbe: {  	(v2sf) =	vpush v1, $0x1  }
0xbf: {  	(v2sf) =	vpush v1, $0x2;
	_ =	sdelay $0x1  }
0xc0: {  	(v2sf) =	vpush v1, $0x3  }
0xc1: {  	(v2sf) =	vpush v1, $0x4;
	_ =	sdelay $0x1  }
0xc2: {  	(v2sf) =	vpush v1, $0x5  }
0xc3: {  	(v2sf) =	vpush v1, $0x6;
	_ =	sdelay $0x5  }
0xc4: {  	s0 =	spop (v2sf);
	(v2sf) =	vpush v1, $0x7  }
0xc5: {  	p0 =	slt.s32 s0, $0x0;
	s30 =	sshll.u32 s0, $0x6  }
0xc6: {  	s29 =	sshra.s32 s26, $0x2;
	s1 =	spop (v2sf);
	s30 =	simm.s32 @p0 $0x8000  }
0xc7: {  	p0 =	slt.s32 s1, $0x0;
	s31 =	sshll.u32 s1, $0x6;
	s5 =	spop (v2sf)  }
0xc8: {  	s31 =	simm.s32 @p0 $0x8000;
	p0 =	slt.s32 s5, $0x0;
	s0 =	sshll.u32 s5, $0x6  }
0xc9: {  	v2 =	vld [tilespmem:s29+$0x8040];
	s6 =	spop (v2sf);
	s0 =	simm.s32 @p0 $0x8000  }
0xca: {  	v3 =	vld [tilespmem:s30+$0x8040];
	p0 =	slt.s32 s6, $0x0;
	s3 =	spop (v2sf);
	s1 =	sshll.u32 s6, $0x6  }
0xcb: {  	v4 =	vld [tilespmem:s31+$0x8040];
	s1 =	simm.s32 @p0 $0x8000;
	p0 =	slt.s32 s3, $0x0;
	s3 =	sshll.u32 s3, $0x6  }
0xcc: {  	s4 =	spop (v2sf);
	v5 =	vld [tilespmem:s0+$0x8040];
	s3 =	simm.s32 @p0 $0x8000  }
0xcd: {  	p0 =	slt.s32 s4, $0x0;
	s5 =	spop (v2sf);
	v6 =	vld [tilespmem:s1+$0x8040];
	s4 =	sshll.u32 s4, $0x6  }
0xce: {  	s4 =	simm.s32 @p0 $0x8000;
	p0 =	slt.s32 s5, $0x0;
	v7 =	vld [tilespmem:s3+$0x8040];
	s5 =	sshll.u32 s5, $0x6  }
0xcf: {  	v8 =	vld [tilespmem:s4+$0x8040];
	s5 =	simm.s32 @p0 $0x8000  }
0xd0: {  	v9 =	vld [tilespmem:s5+$0x8040];
	_ =	sdelay $0x2  }
0xd1: {  	s6 =	spop (v2sf)  }
0xd2: {  	v2 =	vadd.f32 v3, v2;
	v3 =	vadd.f32 v5, v4;
	p0 =	slt.s32 s6, $0x0;
	s6 =	sshll.u32 s6, $0x6  }
0xd3: {  	v58 =	vadd.f32 v7, v6;
	v59 =	vadd.f32 v9, v8;
	s6 =	simm.s32 @p0 $0x8000  }
0xd4: {  	v60 =	vld [tilespmem:s6+$0x8040]  }
0xd5: {  	v2 =	vadd.f32 v3, v2;
	v3 =	vadd.f32 v59, v58;
	_ =	sdelay $0x1  }
0xd6: {  	v2 =	vadd.f32 v3, v2;
	_ =	sdelay $0x1  }
0xd7: {  	v2 =	vadd.f32 v2, v60;
	_ =	sdelay $0x1  }
0xd8: {  	[tilespmem:s29+$0x12080] =	vst v2;
	v2 =	vld [tilespmem:s29+$0x8050]  }
0xd9: {  	v3 =	vld [tilespmem:s30+$0x8050]  }
0xda: {  	v61 =	vld [tilespmem:s31+$0x8050]  }
0xdb: {  	v62 =	vld [tilespmem:s0+$0x8050]  }
0xdc: {  	v63 =	vld [tilespmem:s1+$0x8050]  }
0xdd: {  	v12 =	vld [tilespmem:s3+$0x8050]  }
0xde: {  	v13 =	vld [tilespmem:s4+$0x8050]  }
0xdf: {  	v14 =	vld [tilespmem:s5+$0x8050];
	_ =	sdelay $0x3  }
0xe0: {  	v2 =	vadd.f32 v3, v2;
	v3 =	vadd.f32 v62, v61  }
0xe1: {  	v15 =	vadd.f32 v12, v63;
	v16 =	vadd.f32 v14, v13  }
0xe2: {  	v17 =	vld [tilespmem:s6+$0x8050]  }
0xe3: {  	v2 =	vadd.f32 v3, v2;
	v3 =	vadd.f32 v16, v15;
	_ =	sdelay $0x1  }
0xe4: {  	v2 =	vadd.f32 v3, v2;
	_ =	sdelay $0x1  }
0xe5: {  	v2 =	vadd.f32 v2, v17;
	_ =	sdelay $0x1  }
0xe6: {  	[tilespmem:s29+$0x12090] =	vst v2;
	v2 =	vld [tilespmem:s29+$0x8060]  }
0xe7: {  	v3 =	vld [tilespmem:s30+$0x8060]  }
0xe8: {  	v18 =	vld [tilespmem:s31+$0x8060]  }
0xe9: {  	v19 =	vld [tilespmem:s0+$0x8060]  }
0xea: {  	v20 =	vld [tilespmem:s1+$0x8060]  }
0xeb: {  	v21 =	vld [tilespmem:s3+$0x8060]  }
0xec: {  	v22 =	vld [tilespmem:s4+$0x8060]  }
0xed: {  	v23 =	vld [tilespmem:s5+$0x8060];
	_ =	sdelay $0x3  }
0xee: {  	v2 =	vadd.f32 v3, v2;
	v3 =	vadd.f32 v19, v18  }
0xef: {  	v24 =	vadd.f32 v21, v20;
	v25 =	vadd.f32 v23, v22  }
0xf0: {  	v26 =	vld [tilespmem:s6+$0x8060]  }
0xf1: {  	v2 =	vadd.f32 v3, v2;
	v3 =	vadd.f32 v25, v24;
	_ =	sdelay $0x1  }
0xf2: {  	v2 =	vadd.f32 v3, v2;
	_ =	sdelay $0x1  }
0xf3: {  	v2 =	vadd.f32 v2, v26;
	_ =	sdelay $0x1  }
0xf4: {  	(v2sf) =	vpush v1, $0x8;
	[tilespmem:s29+$0x120A0] =	vst v2;
	v2 =	vld [tilespmem:s29+$0x8070]  }
0xf5: {  	(v2sf) =	vpush v1, $0x9;
	v3 =	vld [tilespmem:s30+$0x8070]  }
0xf6: {  	(v2sf) =	vpush v1, $0xA;
	v27 =	vld [tilespmem:s31+$0x8070]  }
0xf7: {  	v28 =	vld [tilespmem:s0+$0x8070]  }
0xf8: {  	(v2sf) =	vpush v1, $0xB;
	v29 =	vld [tilespmem:s1+$0x8070]  }
0xf9: {  	(v2sf) =	vpush v1, $0xC;
	v30 =	vld [tilespmem:s3+$0x8070]  }
0xfa: {  	v31 =	vld [tilespmem:s4+$0x8070]  }
0xfb: {  	(v2sf) =	vpush v1, $0xD;
	v32 =	vld [tilespmem:s5+$0x8070]  }
0xfc: {  	(v2sf) =	vpush v1, $0xE;
	_ =	sdelay $0x2  }
0xfd: {  	v2 =	vadd.f32 v3, v2;
	v3 =	vadd.f32 v28, v27  }
0xfe: {  	v33 =	vadd.f32 v30, v29;
	v34 =	vadd.f32 v32, v31  }
0xff: {  	v35 =	vld [tilespmem:s6+$0x8070]  }
0x100: {  	v2 =	vadd.f32 v3, v2;
	v3 =	vadd.f32 v34, v33  }
0x101: {  	s0 =	spop (v2sf);
	(v2sf) =	vpush v1, $0xF  }
0x102: {  	s1 =	spop (v2sf);
	v1 =	vadd.f32 v3, v2  }
0x103: {  	p0 =	slt.s32 s0, $0x0;
	s0 =	sshll.u32 s0, $0x6;
	s3 =	spop (v2sf)  }
0x104: {  	s0 =	simm.s32 @p0 $0x8000;
	p0 =	slt.s32 s1, $0x0;
	s1 =	sshll.u32 s1, $0x6;
	v1 =	vadd.f32 v1, v35  }
0x105: {  	s4 =	spop (v2sf);
	s1 =	simm.s32 @p0 $0x8000  }
0x106: {  	p0 =	slt.s32 s3, $0x0;
	s3 =	sshll.u32 s3, $0x6;
	s5 =	spop (v2sf);
	[tilespmem:s29+$0x120B0] =	vst v1;
	v1 =	vld [tilespmem:s29+$0x8080]  }
0x107: {  	s3 =	simm.s32 @p0 $0x8000;
	p0 =	slt.s32 s4, $0x0;
	s4 =	sshll.u32 s4, $0x6;
	v2 =	vld [tilespmem:s0+$0x8040]  }
0x108: {  	s6 =	spop (v2sf);
	s4 =	simm.s32 @p0 $0x8000;
	v3 =	vld [tilespmem:s1+$0x8040]  }
0x109: {  	p0 =	slt.s32 s5, $0x0;
	s5 =	sshll.u32 s5, $0x6;
	s31 =	spop (v2sf);
	v36 =	vld [tilespmem:s3+$0x8040]  }
0x10a: {  	s5 =	simm.s32 @p0 $0x8000;
	p0 =	slt.s32 s6, $0x0;
	s6 =	sshll.u32 s6, $0x6;
	v37 =	vld [tilespmem:s4+$0x8040]  }
0x10b: {  	s6 =	simm.s32 @p0 $0x8000;
	p0 =	slt.s32 s31, $0x0;
	s30 =	sshll.u32 s31, $0x6;
	v38 =	vld [tilespmem:s5+$0x8040]  }
0x10c: {  	s30 =	simm.s32 @p0 $0x8000;
	v39 =	vld [tilespmem:s6+$0x8040]  }
0x10d: {  	v40 =	vld [tilespmem:s30+$0x8040];
	_ =	sdelay $0x2  }
0x10e: {  	s31 =	spop (v2sf)  }
0x10f: {  	p0 =	slt.s32 s31, $0x0;
	s31 =	sshll.u32 s31, $0x6;
	v1 =	vadd.f32 v2, v1;
	v2 =	vadd.f32 v36, v3  }
0x110: {  	s31 =	simm.s32 @p0 $0x8000;
	v3 =	vadd.f32 v38, v37;
	v41 =	vadd.f32 v40, v39  }
0x111: {  	v42 =	vld [tilespmem:s31+$0x8040]  }
0x112: {  	v1 =	vadd.f32 v2, v1;
	v2 =	vadd.f32 v41, v3;
	_ =	sdelay $0x1  }
0x113: {  	v1 =	vadd.f32 v2, v1;
	_ =	sdelay $0x1  }
0x114: {  	v1 =	vadd.f32 v1, v42;
	_ =	sdelay $0x1  }
0x115: {  	[tilespmem:s29+$0x120C0] =	vst v1;
	v1 =	vld [tilespmem:s29+$0x8090]  }
0x116: {  	v2 =	vld [tilespmem:s0+$0x8050]  }
0x117: {  	v3 =	vld [tilespmem:s1+$0x8050]  }
0x118: {  	v43 =	vld [tilespmem:s3+$0x8050]  }
0x119: {  	v44 =	vld [tilespmem:s4+$0x8050]  }
0x11a: {  	v45 =	vld [tilespmem:s5+$0x8050]  }
0x11b: {  	v46 =	vld [tilespmem:s6+$0x8050]  }
0x11c: {  	v47 =	vld [tilespmem:s30+$0x8050];
	_ =	sdelay $0x3  }
0x11d: {  	v1 =	vadd.f32 v2, v1;
	v2 =	vadd.f32 v43, v3  }
0x11e: {  	v3 =	vadd.f32 v45, v44;
	v48 =	vadd.f32 v47, v46  }
0x11f: {  	v49 =	vld [tilespmem:s31+$0x8050]  }
0x120: {  	v1 =	vadd.f32 v2, v1;
	v2 =	vadd.f32 v48, v3;
	_ =	sdelay $0x1  }
0x121: {  	v1 =	vadd.f32 v2, v1;
	_ =	sdelay $0x1  }
0x122: {  	v1 =	vadd.f32 v1, v49;
	_ =	sdelay $0x1  }
0x123: {  	[tilespmem:s29+$0x120D0] =	vst v1;
	v1 =	vld [tilespmem:s29+$0x80A0]  }
0x124: {  	v2 =	vld [tilespmem:s0+$0x8060]  }
0x125: {  	v3 =	vld [tilespmem:s1+$0x8060]  }
0x126: {  	v50 =	vld [tilespmem:s3+$0x8060]  }
0x127: {  	v51 =	vld [tilespmem:s4+$0x8060]  }
0x128: {  	v52 =	vld [tilespmem:s5+$0x8060]  }
0x129: {  	v53 =	vld [tilespmem:s6+$0x8060]  }
0x12a: {  	v54 =	vld [tilespmem:s30+$0x8060];
	_ =	sdelay $0x3  }
0x12b: {  	v1 =	vadd.f32 v2, v1;
	v2 =	vadd.f32 v50, v3  }
0x12c: {  	v3 =	vadd.f32 v52, v51;
	v55 =	vadd.f32 v54, v53  }
0x12d: {  	v56 =	vld [tilespmem:s31+$0x8060]  }
0x12e: {  	v1 =	vadd.f32 v2, v1;
	v2 =	vadd.f32 v55, v3;
	_ =	sdelay $0x1  }
0x12f: {  	v1 =	vadd.f32 v2, v1;
	_ =	sdelay $0x1  }
0x130: {  	v1 =	vadd.f32 v1, v56;
	_ =	sdelay $0x1  }
0x131: {  	[tilespmem:s29+$0x120E0] =	vst v1;
	v1 =	vld [tilespmem:s29+$0x80B0]  }
0x132: {  	v2 =	vld [tilespmem:s0+$0x8070]  }
0x133: {  	v3 =	vld [tilespmem:s1+$0x8070]  }
0x134: {  	v57 =	vld [tilespmem:s3+$0x8070]  }
0x135: {  	v58 =	vld [tilespmem:s4+$0x8070]  }
0x136: {  	v59 =	vld [tilespmem:s5+$0x8070]  }
0x137: {  	v60 =	vld [tilespmem:s6+$0x8070]  }
0x138: {  	v61 =	vld [tilespmem:s30+$0x8070];
	_ =	sdelay $0x3  }
0x139: {  	v1 =	vadd.f32 v2, v1;
	v2 =	vadd.f32 v57, v3  }
0x13a: {  	v3 =	vadd.f32 v59, v58;
	v62 =	vadd.f32 v61, v60  }
0x13b: {  	v63 =	vld [tilespmem:s31+$0x8070]  }
0x13c: {  	v1 =	vadd.f32 v2, v1;
	v2 =	vadd.f32 v62, v3  }
0x13d: {  	p0 =	sne.s32 s26, $0x1FE00  }
.Ltmp1:
0x13e: {  	v1 =	vadd.f32 v2, v1;
	(pc) =	sbr.rel @p0 .LBB2_4-.Ltmp1, $3  }
0x13f: {  	_ = 	snop  }
0x140: {  	v1 =	vadd.f32 v1, v63;
	_ =	sdelay $0x1  }
0x141: {  	s28 =	sadd.s32 $0x10, s28;
	s26 =	sadd.s32 $0x200, s26;
	[tilespmem:s29+$0x120F0] =	vst v1  }
0x142: {  	s26 =	simm.s32 $0x0  }
0x143: {  	[hbm4b:s10+s26] =	stream.linear.scatter [tilespmem:s20], [sflag:$0x5], $0x8000, $0x38;
	[tilespmem:$0x1A080] =	vst v63  }
0x144: {  	_ =	swait.ge [sflag:s21], $0x8000  }
0x145: {  	[sflag:s21] =	ssyncset.done $0x0  }
0x146: {  	[sflag:s21] =	ssyncadd.s32 $0xFFFF8000  }
0x147: {  	_ =	swait.ge [sflag:s16], $0x8000  }
0x148: {  	[sflag:s16] =	ssyncset.done $0x0  }
0x149: {  	[sflag:s16] =	ssyncadd.s32 $0xFFFF8000  }
0x14a: {  	_ =	swait.ge [sflag:s17], $0x1000  }
0x14b: {  	[sflag:s17] =	ssyncset.done $0x0  }
0x14c: {  	[sflag:s17] =	ssyncadd.s32 $0xFFFFF000  }
0x14d: {  	[tilespmem:s18], [sflag:$0x3] =	stream.linear.gather [hbm4b:s11+s26], $0x8000, $0x38;
	[tilespmem:$0x1A080] =	vst v63  }
0x14e: {  	s28 =	simm.s32 $0x10080  }
0x14f: {  	[tilespmem:s19], [sflag:$0x4] =	stream.linear.gather [hbm4b:s12+s26], $0x1000, $0x38;
	[tilespmem:$0x1A080] =	vst v63  }
.LBB2_6:
0x150: {  	v1 =	vld [tilespmem:s28+$0x0];
	_ =	sdelay $0x4  }
0x151: {  	(v2sf) =	vpush v1, $0x0;
	_ =	sdelay $0x1  }
0x152: {  	(v2sf) =	vpush v1, $0x1  }
0x153: {  	(v2sf) =	vpush v1, $0x2;
	_ =	sdelay $0x1  }
0x154: {  	(v2sf) =	vpush v1, $0x3  }
0x155: {  	(v2sf) =	vpush v1, $0x4;
	_ =	sdelay $0x1  }
0x156: {  	(v2sf) =	vpush v1, $0x5  }
0x157: {  	(v2sf) =	vpush v1, $0x6;
	_ =	sdelay $0x5  }
0x158: {  	s0 =	spop (v2sf);
	(v2sf) =	vpush v1, $0x7  }
0x159: {  	p0 =	slt.s32 s0, $0x0;
	s30 =	sshll.u32 s0, $0x6  }
0x15a: {  	s29 =	sshra.s32 s26, $0x2;
	s1 =	spop (v2sf);
	s30 =	simm.s32 @p0 $0x8000  }
0x15b: {  	p0 =	slt.s32 s1, $0x0;
	s31 =	sshll.u32 s1, $0x6;
	s5 =	spop (v2sf)  }
0x15c: {  	s31 =	simm.s32 @p0 $0x8000;
	p0 =	slt.s32 s5, $0x0;
	s0 =	sshll.u32 s5, $0x6  }
0x15d: {  	v2 =	vld [tilespmem:s29+$0x0];
	s6 =	spop (v2sf);
	s0 =	simm.s32 @p0 $0x8000  }
0x15e: {  	v3 =	vld [tilespmem:s30+$0x0];
	p0 =	slt.s32 s6, $0x0;
	s3 =	spop (v2sf);
	s1 =	sshll.u32 s6, $0x6  }
0x15f: {  	v4 =	vld [tilespmem:s31+$0x0];
	s1 =	simm.s32 @p0 $0x8000;
	p0 =	slt.s32 s3, $0x0;
	s3 =	sshll.u32 s3, $0x6  }
0x160: {  	s4 =	spop (v2sf);
	v5 =	vld [tilespmem:s0+$0x0];
	s3 =	simm.s32 @p0 $0x8000  }
0x161: {  	p0 =	slt.s32 s4, $0x0;
	s5 =	spop (v2sf);
	v6 =	vld [tilespmem:s1+$0x0];
	s4 =	sshll.u32 s4, $0x6  }
0x162: {  	s4 =	simm.s32 @p0 $0x8000;
	p0 =	slt.s32 s5, $0x0;
	v7 =	vld [tilespmem:s3+$0x0];
	s5 =	sshll.u32 s5, $0x6  }
0x163: {  	v8 =	vld [tilespmem:s4+$0x0];
	s5 =	simm.s32 @p0 $0x8000  }
0x164: {  	v9 =	vld [tilespmem:s5+$0x0];
	_ =	sdelay $0x2  }
0x165: {  	s6 =	spop (v2sf)  }
0x166: {  	v2 =	vadd.f32 v3, v2;
	v3 =	vadd.f32 v5, v4;
	p0 =	slt.s32 s6, $0x0;
	s6 =	sshll.u32 s6, $0x6  }
0x167: {  	v58 =	vadd.f32 v7, v6;
	v59 =	vadd.f32 v9, v8;
	s6 =	simm.s32 @p0 $0x8000  }
0x168: {  	v60 =	vld [tilespmem:s6+$0x0]  }
0x169: {  	v2 =	vadd.f32 v3, v2;
	v3 =	vadd.f32 v59, v58;
	_ =	sdelay $0x1  }
0x16a: {  	v2 =	vadd.f32 v3, v2;
	_ =	sdelay $0x1  }
0x16b: {  	v2 =	vadd.f32 v2, v60;
	_ =	sdelay $0x1  }
0x16c: {  	[tilespmem:s29+$0x12080] =	vst v2;
	v2 =	vld [tilespmem:s29+$0x10]  }
0x16d: {  	v3 =	vld [tilespmem:s30+$0x10]  }
0x16e: {  	v61 =	vld [tilespmem:s31+$0x10]  }
0x16f: {  	v62 =	vld [tilespmem:s0+$0x10]  }
0x170: {  	v63 =	vld [tilespmem:s1+$0x10]  }
0x171: {  	v12 =	vld [tilespmem:s3+$0x10]  }
0x172: {  	v13 =	vld [tilespmem:s4+$0x10]  }
0x173: {  	v14 =	vld [tilespmem:s5+$0x10];
	_ =	sdelay $0x3  }
0x174: {  	v2 =	vadd.f32 v3, v2;
	v3 =	vadd.f32 v62, v61  }
0x175: {  	v15 =	vadd.f32 v12, v63;
	v16 =	vadd.f32 v14, v13  }
0x176: {  	v17 =	vld [tilespmem:s6+$0x10]  }
0x177: {  	v2 =	vadd.f32 v3, v2;
	v3 =	vadd.f32 v16, v15;
	_ =	sdelay $0x1  }
0x178: {  	v2 =	vadd.f32 v3, v2;
	_ =	sdelay $0x1  }
0x179: {  	v2 =	vadd.f32 v2, v17;
	_ =	sdelay $0x1  }
0x17a: {  	[tilespmem:s29+$0x12090] =	vst v2;
	v2 =	vld [tilespmem:s29+$0x20]  }
0x17b: {  	v3 =	vld [tilespmem:s30+$0x20]  }
0x17c: {  	v18 =	vld [tilespmem:s31+$0x20]  }
0x17d: {  	v19 =	vld [tilespmem:s0+$0x20]  }
0x17e: {  	v20 =	vld [tilespmem:s1+$0x20]  }
0x17f: {  	v21 =	vld [tilespmem:s3+$0x20]  }
0x180: {  	v22 =	vld [tilespmem:s4+$0x20]  }
0x181: {  	v23 =	vld [tilespmem:s5+$0x20];
	_ =	sdelay $0x3  }
0x182: {  	v2 =	vadd.f32 v3, v2;
	v3 =	vadd.f32 v19, v18  }
0x183: {  	v24 =	vadd.f32 v21, v20;
	v25 =	vadd.f32 v23, v22  }
0x184: {  	v26 =	vld [tilespmem:s6+$0x20]  }
0x185: {  	v2 =	vadd.f32 v3, v2;
	v3 =	vadd.f32 v25, v24;
	_ =	sdelay $0x1  }
0x186: {  	v2 =	vadd.f32 v3, v2;
	_ =	sdelay $0x1  }
0x187: {  	v2 =	vadd.f32 v2, v26;
	_ =	sdelay $0x1  }
0x188: {  	(v2sf) =	vpush v1, $0x8;
	[tilespmem:s29+$0x120A0] =	vst v2;
	v2 =	vld [tilespmem:s29+$0x30]  }
0x189: {  	(v2sf) =	vpush v1, $0x9;
	v3 =	vld [tilespmem:s30+$0x30]  }
0x18a: {  	(v2sf) =	vpush v1, $0xA;
	v27 =	vld [tilespmem:s31+$0x30]  }
0x18b: {  	v28 =	vld [tilespmem:s0+$0x30]  }
0x18c: {  	(v2sf) =	vpush v1, $0xB;
	v29 =	vld [tilespmem:s1+$0x30]  }
0x18d: {  	(v2sf) =	vpush v1, $0xC;
	v30 =	vld [tilespmem:s3+$0x30]  }
0x18e: {  	v31 =	vld [tilespmem:s4+$0x30]  }
0x18f: {  	(v2sf) =	vpush v1, $0xD;
	v32 =	vld [tilespmem:s5+$0x30]  }
0x190: {  	(v2sf) =	vpush v1, $0xE;
	_ =	sdelay $0x2  }
0x191: {  	v2 =	vadd.f32 v3, v2;
	v3 =	vadd.f32 v28, v27  }
0x192: {  	v33 =	vadd.f32 v30, v29;
	v34 =	vadd.f32 v32, v31  }
0x193: {  	v35 =	vld [tilespmem:s6+$0x30]  }
0x194: {  	v2 =	vadd.f32 v3, v2;
	v3 =	vadd.f32 v34, v33  }
0x195: {  	s0 =	spop (v2sf);
	(v2sf) =	vpush v1, $0xF  }
0x196: {  	s1 =	spop (v2sf);
	v1 =	vadd.f32 v3, v2  }
0x197: {  	p0 =	slt.s32 s0, $0x0;
	s0 =	sshll.u32 s0, $0x6;
	s3 =	spop (v2sf)  }
0x198: {  	s0 =	simm.s32 @p0 $0x8000;
	p0 =	slt.s32 s1, $0x0;
	s1 =	sshll.u32 s1, $0x6;
	v1 =	vadd.f32 v1, v35  }
0x199: {  	s4 =	spop (v2sf);
	s1 =	simm.s32 @p0 $0x8000  }
0x19a: {  	p0 =	slt.s32 s3, $0x0;
	s3 =	sshll.u32 s3, $0x6;
	s5 =	spop (v2sf);
	[tilespmem:s29+$0x120B0] =	vst v1;
	v1 =	vld [tilespmem:s29+$0x40]  }
0x19b: {  	s3 =	simm.s32 @p0 $0x8000;
	p0 =	slt.s32 s4, $0x0;
	s4 =	sshll.u32 s4, $0x6;
	v2 =	vld [tilespmem:s0+$0x0]  }
0x19c: {  	s6 =	spop (v2sf);
	s4 =	simm.s32 @p0 $0x8000;
	v3 =	vld [tilespmem:s1+$0x0]  }
0x19d: {  	p0 =	slt.s32 s5, $0x0;
	s5 =	sshll.u32 s5, $0x6;
	s31 =	spop (v2sf);
	v36 =	vld [tilespmem:s3+$0x0]  }
0x19e: {  	s5 =	simm.s32 @p0 $0x8000;
	p0 =	slt.s32 s6, $0x0;
	s6 =	sshll.u32 s6, $0x6;
	v37 =	vld [tilespmem:s4+$0x0]  }
0x19f: {  	s6 =	simm.s32 @p0 $0x8000;
	p0 =	slt.s32 s31, $0x0;
	s30 =	sshll.u32 s31, $0x6;
	v38 =	vld [tilespmem:s5+$0x0]  }
0x1a0: {  	s30 =	simm.s32 @p0 $0x8000;
	v39 =	vld [tilespmem:s6+$0x0]  }
0x1a1: {  	v40 =	vld [tilespmem:s30+$0x0];
	_ =	sdelay $0x2  }
0x1a2: {  	s31 =	spop (v2sf)  }
0x1a3: {  	p0 =	slt.s32 s31, $0x0;
	s31 =	sshll.u32 s31, $0x6;
	v1 =	vadd.f32 v2, v1;
	v2 =	vadd.f32 v36, v3  }
0x1a4: {  	s31 =	simm.s32 @p0 $0x8000;
	v3 =	vadd.f32 v38, v37;
	v41 =	vadd.f32 v40, v39  }
0x1a5: {  	v42 =	vld [tilespmem:s31+$0x0]  }
0x1a6: {  	v1 =	vadd.f32 v2, v1;
	v2 =	vadd.f32 v41, v3;
	_ =	sdelay $0x1  }
0x1a7: {  	v1 =	vadd.f32 v2, v1;
	_ =	sdelay $0x1  }
0x1a8: {  	v1 =	vadd.f32 v1, v42;
	_ =	sdelay $0x1  }
0x1a9: {  	[tilespmem:s29+$0x120C0] =	vst v1;
	v1 =	vld [tilespmem:s29+$0x50]  }
0x1aa: {  	v2 =	vld [tilespmem:s0+$0x10]  }
0x1ab: {  	v3 =	vld [tilespmem:s1+$0x10]  }
0x1ac: {  	v43 =	vld [tilespmem:s3+$0x10]  }
0x1ad: {  	v44 =	vld [tilespmem:s4+$0x10]  }
0x1ae: {  	v45 =	vld [tilespmem:s5+$0x10]  }
0x1af: {  	v46 =	vld [tilespmem:s6+$0x10]  }
0x1b0: {  	v47 =	vld [tilespmem:s30+$0x10];
	_ =	sdelay $0x3  }
0x1b1: {  	v1 =	vadd.f32 v2, v1;
	v2 =	vadd.f32 v43, v3  }
0x1b2: {  	v3 =	vadd.f32 v45, v44;
	v48 =	vadd.f32 v47, v46  }
0x1b3: {  	v49 =	vld [tilespmem:s31+$0x10]  }
0x1b4: {  	v1 =	vadd.f32 v2, v1;
	v2 =	vadd.f32 v48, v3;
	_ =	sdelay $0x1  }
0x1b5: {  	v1 =	vadd.f32 v2, v1;
	_ =	sdelay $0x1  }
0x1b6: {  	v1 =	vadd.f32 v1, v49;
	_ =	sdelay $0x1  }
0x1b7: {  	[tilespmem:s29+$0x120D0] =	vst v1;
	v1 =	vld [tilespmem:s29+$0x60]  }
0x1b8: {  	v2 =	vld [tilespmem:s0+$0x20]  }
0x1b9: {  	v3 =	vld [tilespmem:s1+$0x20]  }
0x1ba: {  	v50 =	vld [tilespmem:s3+$0x20]  }
0x1bb: {  	v51 =	vld [tilespmem:s4+$0x20]  }
0x1bc: {  	v52 =	vld [tilespmem:s5+$0x20]  }
0x1bd: {  	v53 =	vld [tilespmem:s6+$0x20]  }
0x1be: {  	v54 =	vld [tilespmem:s30+$0x20];
	_ =	sdelay $0x3  }
0x1bf: {  	v1 =	vadd.f32 v2, v1;
	v2 =	vadd.f32 v50, v3  }
0x1c0: {  	v3 =	vadd.f32 v52, v51;
	v55 =	vadd.f32 v54, v53  }
0x1c1: {  	v56 =	vld [tilespmem:s31+$0x20]  }
0x1c2: {  	v1 =	vadd.f32 v2, v1;
	v2 =	vadd.f32 v55, v3;
	_ =	sdelay $0x1  }
0x1c3: {  	v1 =	vadd.f32 v2, v1;
	_ =	sdelay $0x1  }
0x1c4: {  	v1 =	vadd.f32 v1, v56;
	_ =	sdelay $0x1  }
0x1c5: {  	[tilespmem:s29+$0x120E0] =	vst v1;
	v1 =	vld [tilespmem:s29+$0x70]  }
0x1c6: {  	v2 =	vld [tilespmem:s0+$0x30]  }
0x1c7: {  	v3 =	vld [tilespmem:s1+$0x30]  }
0x1c8: {  	v57 =	vld [tilespmem:s3+$0x30]  }
0x1c9: {  	v58 =	vld [tilespmem:s4+$0x30]  }
0x1ca: {  	v59 =	vld [tilespmem:s5+$0x30]  }
0x1cb: {  	v60 =	vld [tilespmem:s6+$0x30]  }
0x1cc: {  	v61 =	vld [tilespmem:s30+$0x30];
	_ =	sdelay $0x3  }
0x1cd: {  	v1 =	vadd.f32 v2, v1;
	v2 =	vadd.f32 v57, v3  }
0x1ce: {  	v3 =	vadd.f32 v59, v58;
	v62 =	vadd.f32 v61, v60  }
0x1cf: {  	v63 =	vld [tilespmem:s31+$0x30]  }
0x1d0: {  	v1 =	vadd.f32 v2, v1;
	v2 =	vadd.f32 v62, v3  }
0x1d1: {  	p0 =	sne.s32 s26, $0x1FE00  }
.Ltmp2:
0x1d2: {  	v1 =	vadd.f32 v2, v1;
	(pc) =	sbr.rel @p0 .LBB2_6-.Ltmp2, $3  }
0x1d3: {  	_ = 	snop  }
0x1d4: {  	v1 =	vadd.f32 v1, v63;
	_ =	sdelay $0x1  }
0x1d5: {  	s28 =	sadd.s32 $0x10, s28;
	s26 =	sadd.s32 $0x200, s26;
	[tilespmem:s29+$0x120F0] =	vst v1  }
0x1d6: {  	s26 =	simm.s32 $0x0  }
0x1d7: {  	[hbm4b:s13+s26] =	stream.linear.scatter [tilespmem:s20], [sflag:$0x5], $0x8000, $0x38;
	[tilespmem:$0x1A080] =	vst v63  }
0x1d8: {  	_ =	swait.ge [sflag:s21], $0x8000  }
0x1d9: {  	[sflag:s21] =	ssyncset.done $0x0  }
0x1da: {  	[sflag:s21] =	ssyncadd.s32 $0xFFFF8000  }
0x1db: {  	_ =	swait.ge [sflag:s22], $0x8000  }
0x1dc: {  	[sflag:s22] =	ssyncset.done $0x0  }
0x1dd: {  	[sflag:s22] =	ssyncadd.s32 $0xFFFF8000  }
0x1de: {  	_ =	swait.ge [sflag:s23], $0x1000  }
0x1df: {  	[sflag:s23] =	ssyncset.done $0x0  }
0x1e0: {  	s28 =	simm.s32 $0x11080;
	[sflag:s23] =	ssyncadd.s32 $0xFFFFF000  }
.LBB2_8:
0x1e1: {  	v1 =	vld [tilespmem:s28+$0x0];
	_ =	sdelay $0x4  }
0x1e2: {  	(v2sf) =	vpush v1, $0x0;
	_ =	sdelay $0x1  }
0x1e3: {  	(v2sf) =	vpush v1, $0x1  }
0x1e4: {  	(v2sf) =	vpush v1, $0x2;
	_ =	sdelay $0x1  }
0x1e5: {  	(v2sf) =	vpush v1, $0x3  }
0x1e6: {  	(v2sf) =	vpush v1, $0x4;
	_ =	sdelay $0x1  }
0x1e7: {  	(v2sf) =	vpush v1, $0x5  }
0x1e8: {  	(v2sf) =	vpush v1, $0x6;
	_ =	sdelay $0x5  }
0x1e9: {  	s0 =	spop (v2sf);
	(v2sf) =	vpush v1, $0x7  }
0x1ea: {  	p0 =	slt.s32 s0, $0x0;
	s30 =	sshll.u32 s0, $0x6  }
0x1eb: {  	s29 =	sshra.s32 s26, $0x2;
	s1 =	spop (v2sf);
	s30 =	simm.s32 @p0 $0x8000  }
0x1ec: {  	p0 =	slt.s32 s1, $0x0;
	s31 =	sshll.u32 s1, $0x6;
	s5 =	spop (v2sf)  }
0x1ed: {  	s31 =	simm.s32 @p0 $0x8000;
	p0 =	slt.s32 s5, $0x0;
	s0 =	sshll.u32 s5, $0x6  }
0x1ee: {  	v2 =	vld [tilespmem:s29+$0x8040];
	s6 =	spop (v2sf);
	s0 =	simm.s32 @p0 $0x8000  }
0x1ef: {  	v3 =	vld [tilespmem:s30+$0x8040];
	p0 =	slt.s32 s6, $0x0;
	s3 =	spop (v2sf);
	s1 =	sshll.u32 s6, $0x6  }
0x1f0: {  	v4 =	vld [tilespmem:s31+$0x8040];
	s1 =	simm.s32 @p0 $0x8000;
	p0 =	slt.s32 s3, $0x0;
	s3 =	sshll.u32 s3, $0x6  }
0x1f1: {  	s4 =	spop (v2sf);
	v5 =	vld [tilespmem:s0+$0x8040];
	s3 =	simm.s32 @p0 $0x8000  }
0x1f2: {  	p0 =	slt.s32 s4, $0x0;
	s5 =	spop (v2sf);
	v6 =	vld [tilespmem:s1+$0x8040];
	s4 =	sshll.u32 s4, $0x6  }
0x1f3: {  	s4 =	simm.s32 @p0 $0x8000;
	p0 =	slt.s32 s5, $0x0;
	v7 =	vld [tilespmem:s3+$0x8040];
	s5 =	sshll.u32 s5, $0x6  }
0x1f4: {  	v8 =	vld [tilespmem:s4+$0x8040];
	s5 =	simm.s32 @p0 $0x8000  }
0x1f5: {  	v9 =	vld [tilespmem:s5+$0x8040];
	_ =	sdelay $0x2  }
0x1f6: {  	s6 =	spop (v2sf)  }
0x1f7: {  	v2 =	vadd.f32 v3, v2;
	v3 =	vadd.f32 v5, v4;
	p0 =	slt.s32 s6, $0x0;
	s6 =	sshll.u32 s6, $0x6  }
0x1f8: {  	v58 =	vadd.f32 v7, v6;
	v59 =	vadd.f32 v9, v8;
	s6 =	simm.s32 @p0 $0x8000  }
0x1f9: {  	v60 =	vld [tilespmem:s6+$0x8040]  }
0x1fa: {  	v2 =	vadd.f32 v3, v2;
	v3 =	vadd.f32 v59, v58;
	_ =	sdelay $0x1  }
0x1fb: {  	v2 =	vadd.f32 v3, v2;
	_ =	sdelay $0x1  }
0x1fc: {  	v2 =	vadd.f32 v2, v60;
	_ =	sdelay $0x1  }
0x1fd: {  	[tilespmem:s29+$0x12080] =	vst v2;
	v2 =	vld [tilespmem:s29+$0x8050]  }
0x1fe: {  	v3 =	vld [tilespmem:s30+$0x8050]  }
0x1ff: {  	v61 =	vld [tilespmem:s31+$0x8050]  }
0x200: {  	v62 =	vld [tilespmem:s0+$0x8050]  }
0x201: {  	v63 =	vld [tilespmem:s1+$0x8050]  }
0x202: {  	v12 =	vld [tilespmem:s3+$0x8050]  }
0x203: {  	v13 =	vld [tilespmem:s4+$0x8050]  }
0x204: {  	v14 =	vld [tilespmem:s5+$0x8050];
	_ =	sdelay $0x3  }
0x205: {  	v2 =	vadd.f32 v3, v2;
	v3 =	vadd.f32 v62, v61  }
0x206: {  	v15 =	vadd.f32 v12, v63;
	v16 =	vadd.f32 v14, v13  }
0x207: {  	v17 =	vld [tilespmem:s6+$0x8050]  }
0x208: {  	v2 =	vadd.f32 v3, v2;
	v3 =	vadd.f32 v16, v15;
	_ =	sdelay $0x1  }
0x209: {  	v2 =	vadd.f32 v3, v2;
	_ =	sdelay $0x1  }
0x20a: {  	v2 =	vadd.f32 v2, v17;
	_ =	sdelay $0x1  }
0x20b: {  	[tilespmem:s29+$0x12090] =	vst v2;
	v2 =	vld [tilespmem:s29+$0x8060]  }
0x20c: {  	v3 =	vld [tilespmem:s30+$0x8060]  }
0x20d: {  	v18 =	vld [tilespmem:s31+$0x8060]  }
0x20e: {  	v19 =	vld [tilespmem:s0+$0x8060]  }
0x20f: {  	v20 =	vld [tilespmem:s1+$0x8060]  }
0x210: {  	v21 =	vld [tilespmem:s3+$0x8060]  }
0x211: {  	v22 =	vld [tilespmem:s4+$0x8060]  }
0x212: {  	v23 =	vld [tilespmem:s5+$0x8060];
	_ =	sdelay $0x3  }
0x213: {  	v2 =	vadd.f32 v3, v2;
	v3 =	vadd.f32 v19, v18  }
0x214: {  	v24 =	vadd.f32 v21, v20;
	v25 =	vadd.f32 v23, v22  }
0x215: {  	v26 =	vld [tilespmem:s6+$0x8060]  }
0x216: {  	v2 =	vadd.f32 v3, v2;
	v3 =	vadd.f32 v25, v24;
	_ =	sdelay $0x1  }
0x217: {  	v2 =	vadd.f32 v3, v2;
	_ =	sdelay $0x1  }
0x218: {  	v2 =	vadd.f32 v2, v26;
	_ =	sdelay $0x1  }
0x219: {  	(v2sf) =	vpush v1, $0x8;
	[tilespmem:s29+$0x120A0] =	vst v2;
	v2 =	vld [tilespmem:s29+$0x8070]  }
0x21a: {  	(v2sf) =	vpush v1, $0x9;
	v3 =	vld [tilespmem:s30+$0x8070]  }
0x21b: {  	(v2sf) =	vpush v1, $0xA;
	v27 =	vld [tilespmem:s31+$0x8070]  }
0x21c: {  	v28 =	vld [tilespmem:s0+$0x8070]  }
0x21d: {  	(v2sf) =	vpush v1, $0xB;
	v29 =	vld [tilespmem:s1+$0x8070]  }
0x21e: {  	(v2sf) =	vpush v1, $0xC;
	v30 =	vld [tilespmem:s3+$0x8070]  }
0x21f: {  	v31 =	vld [tilespmem:s4+$0x8070]  }
0x220: {  	(v2sf) =	vpush v1, $0xD;
	v32 =	vld [tilespmem:s5+$0x8070]  }
0x221: {  	(v2sf) =	vpush v1, $0xE;
	_ =	sdelay $0x2  }
0x222: {  	v2 =	vadd.f32 v3, v2;
	v3 =	vadd.f32 v28, v27  }
0x223: {  	v33 =	vadd.f32 v30, v29;
	v34 =	vadd.f32 v32, v31  }
0x224: {  	v35 =	vld [tilespmem:s6+$0x8070]  }
0x225: {  	v2 =	vadd.f32 v3, v2;
	v3 =	vadd.f32 v34, v33  }
0x226: {  	s0 =	spop (v2sf);
	(v2sf) =	vpush v1, $0xF  }
0x227: {  	s1 =	spop (v2sf);
	v1 =	vadd.f32 v3, v2  }
0x228: {  	p0 =	slt.s32 s0, $0x0;
	s0 =	sshll.u32 s0, $0x6;
	s3 =	spop (v2sf)  }
0x229: {  	s0 =	simm.s32 @p0 $0x8000;
	p0 =	slt.s32 s1, $0x0;
	s1 =	sshll.u32 s1, $0x6;
	v1 =	vadd.f32 v1, v35  }
0x22a: {  	s4 =	spop (v2sf);
	s1 =	simm.s32 @p0 $0x8000  }
0x22b: {  	p0 =	slt.s32 s3, $0x0;
	s3 =	sshll.u32 s3, $0x6;
	s5 =	spop (v2sf);
	[tilespmem:s29+$0x120B0] =	vst v1;
	v1 =	vld [tilespmem:s29+$0x8080]  }
0x22c: {  	s3 =	simm.s32 @p0 $0x8000;
	p0 =	slt.s32 s4, $0x0;
	s4 =	sshll.u32 s4, $0x6;
	v2 =	vld [tilespmem:s0+$0x8040]  }
0x22d: {  	s6 =	spop (v2sf);
	s4 =	simm.s32 @p0 $0x8000;
	v3 =	vld [tilespmem:s1+$0x8040]  }
0x22e: {  	p0 =	slt.s32 s5, $0x0;
	s5 =	sshll.u32 s5, $0x6;
	s31 =	spop (v2sf);
	v36 =	vld [tilespmem:s3+$0x8040]  }
0x22f: {  	s5 =	simm.s32 @p0 $0x8000;
	p0 =	slt.s32 s6, $0x0;
	s6 =	sshll.u32 s6, $0x6;
	v37 =	vld [tilespmem:s4+$0x8040]  }
0x230: {  	s6 =	simm.s32 @p0 $0x8000;
	p0 =	slt.s32 s31, $0x0;
	s30 =	sshll.u32 s31, $0x6;
	v38 =	vld [tilespmem:s5+$0x8040]  }
0x231: {  	s30 =	simm.s32 @p0 $0x8000;
	v39 =	vld [tilespmem:s6+$0x8040]  }
0x232: {  	v40 =	vld [tilespmem:s30+$0x8040];
	_ =	sdelay $0x2  }
0x233: {  	s31 =	spop (v2sf)  }
0x234: {  	p0 =	slt.s32 s31, $0x0;
	s31 =	sshll.u32 s31, $0x6;
	v1 =	vadd.f32 v2, v1;
	v2 =	vadd.f32 v36, v3  }
0x235: {  	s31 =	simm.s32 @p0 $0x8000;
	v3 =	vadd.f32 v38, v37;
	v41 =	vadd.f32 v40, v39  }
0x236: {  	v42 =	vld [tilespmem:s31+$0x8040]  }
0x237: {  	v1 =	vadd.f32 v2, v1;
	v2 =	vadd.f32 v41, v3;
	_ =	sdelay $0x1  }
0x238: {  	v1 =	vadd.f32 v2, v1;
	_ =	sdelay $0x1  }
0x239: {  	v1 =	vadd.f32 v1, v42;
	_ =	sdelay $0x1  }
0x23a: {  	[tilespmem:s29+$0x120C0] =	vst v1;
	v1 =	vld [tilespmem:s29+$0x8090]  }
0x23b: {  	v2 =	vld [tilespmem:s0+$0x8050]  }
0x23c: {  	v3 =	vld [tilespmem:s1+$0x8050]  }
0x23d: {  	v43 =	vld [tilespmem:s3+$0x8050]  }
0x23e: {  	v44 =	vld [tilespmem:s4+$0x8050]  }
0x23f: {  	v45 =	vld [tilespmem:s5+$0x8050]  }
0x240: {  	v46 =	vld [tilespmem:s6+$0x8050]  }
0x241: {  	v47 =	vld [tilespmem:s30+$0x8050];
	_ =	sdelay $0x3  }
0x242: {  	v1 =	vadd.f32 v2, v1;
	v2 =	vadd.f32 v43, v3  }
0x243: {  	v3 =	vadd.f32 v45, v44;
	v48 =	vadd.f32 v47, v46  }
0x244: {  	v49 =	vld [tilespmem:s31+$0x8050]  }
0x245: {  	v1 =	vadd.f32 v2, v1;
	v2 =	vadd.f32 v48, v3;
	_ =	sdelay $0x1  }
0x246: {  	v1 =	vadd.f32 v2, v1;
	_ =	sdelay $0x1  }
0x247: {  	v1 =	vadd.f32 v1, v49;
	_ =	sdelay $0x1  }
0x248: {  	[tilespmem:s29+$0x120D0] =	vst v1;
	v1 =	vld [tilespmem:s29+$0x80A0]  }
0x249: {  	v2 =	vld [tilespmem:s0+$0x8060]  }
0x24a: {  	v3 =	vld [tilespmem:s1+$0x8060]  }
0x24b: {  	v50 =	vld [tilespmem:s3+$0x8060]  }
0x24c: {  	v51 =	vld [tilespmem:s4+$0x8060]  }
0x24d: {  	v52 =	vld [tilespmem:s5+$0x8060]  }
0x24e: {  	v53 =	vld [tilespmem:s6+$0x8060]  }
0x24f: {  	v54 =	vld [tilespmem:s30+$0x8060];
	_ =	sdelay $0x3  }
0x250: {  	v1 =	vadd.f32 v2, v1;
	v2 =	vadd.f32 v50, v3  }
0x251: {  	v3 =	vadd.f32 v52, v51;
	v55 =	vadd.f32 v54, v53  }
0x252: {  	v56 =	vld [tilespmem:s31+$0x8060]  }
0x253: {  	v1 =	vadd.f32 v2, v1;
	v2 =	vadd.f32 v55, v3;
	_ =	sdelay $0x1  }
0x254: {  	v1 =	vadd.f32 v2, v1;
	_ =	sdelay $0x1  }
0x255: {  	v1 =	vadd.f32 v1, v56;
	_ =	sdelay $0x1  }
0x256: {  	[tilespmem:s29+$0x120E0] =	vst v1;
	v1 =	vld [tilespmem:s29+$0x80B0]  }
0x257: {  	v2 =	vld [tilespmem:s0+$0x8070]  }
0x258: {  	v3 =	vld [tilespmem:s1+$0x8070]  }
0x259: {  	v57 =	vld [tilespmem:s3+$0x8070]  }
0x25a: {  	v58 =	vld [tilespmem:s4+$0x8070]  }
0x25b: {  	v59 =	vld [tilespmem:s5+$0x8070]  }
0x25c: {  	v60 =	vld [tilespmem:s6+$0x8070]  }
0x25d: {  	v61 =	vld [tilespmem:s30+$0x8070];
	_ =	sdelay $0x3  }
0x25e: {  	v1 =	vadd.f32 v2, v1;
	v2 =	vadd.f32 v57, v3  }
0x25f: {  	v3 =	vadd.f32 v59, v58;
	v62 =	vadd.f32 v61, v60  }
0x260: {  	v63 =	vld [tilespmem:s31+$0x8070]  }
0x261: {  	v1 =	vadd.f32 v2, v1;
	v2 =	vadd.f32 v62, v3  }
0x262: {  	p0 =	sne.s32 s26, $0x1FE00  }
.Ltmp3:
0x263: {  	v1 =	vadd.f32 v2, v1;
	(pc) =	sbr.rel @p0 .LBB2_8-.Ltmp3, $3  }
0x264: {  	_ = 	snop  }
0x265: {  	v1 =	vadd.f32 v1, v63;
	_ =	sdelay $0x1  }
0x266: {  	s28 =	sadd.s32 $0x10, s28;
	s26 =	sadd.s32 $0x200, s26;
	[tilespmem:s29+$0x120F0] =	vst v1  }
0x267: {  	s25 =	sadd.s32 $0x1, s25  }
0x268: {  	p0 =	sne.s32 s25, s15  }
.Ltmp4:
0x269: {  	_ = 	snop;
	(pc) =	sbr.rel @p0 .LBB2_1-.Ltmp4, $4  }
0x26a: {  	[hbm4b:s14+s2] =	stream.linear.scatter [tilespmem:s20], [sflag:$0x5], $0x8000, $0x38;
	[tilespmem:$0x1A080] =	vst v63  }
0x26b: {  	_ =	swait.ge [sflag:s21], $0x8000  }
0x26c: {  	[sflag:s21] =	ssyncset.done $0x0  }
0x26d: {  	[sflag:s21] =	ssyncadd.s32 $0xFFFF8000  }
0x26e: {  	_ =	sfence.sel $0x180000  }
0x26f: {  	[bflag:$0x0] =	sbarrier.arrive $0xFFFF  }
0x270: {  	_ =	strace $0x9000004A  }
0x271: {  	s0 =	stileid.u32;
	[bflag:$0x2] =	sbarrier.arrive $0xFFFF  }
0x272: {  	p0 =	sne.s32 s0, $0x0;
	s0 =	rddreg [dreg:$0x2]  }
0x273: {  	s0 =	sadd.s32 @!p0 $0x100000, s0  }
0x274: {  	[sflag:s0] =	ssyncadd.tile.s32 @!p0 $0x1;
	_ =	shalt  }
.Lfunc_end2:
_tile_overlayer_lowered:
.L_overlay_start_2:
0x275: {  	(tag) =	ssettag $0x2  }
0x276: {  	s0 =	rddreg [dreg:$0x0];
	s2 =	stileid.u32  }
0x277: {  	s1 =	rddreg [dreg:$0x1];
	p0 =	sne.s32 s2, $0x0  }
0x278: {  	s3 =	rddreg [dreg:$0x2];
	[bflag:$0x3] =	sbarrier.arrive $0xFFFF;
	s2 =	simm.s32 @!p0 $0x1C05  }
0x279: {  	[timem:s3], [sflag:s2] =	dma.local @!p0 [hbm:s0], s1  }
0x27a: {  	s0 =	simm.s32 @!p0 $0x5  }
0x27b: {  	_ =	swait.ge @!p0 [sflag:s0], s1  }
0x27c: {  	s1 =	ssub.s32 @!p0 $0x0, s1;
	[sflag:s0] =	ssyncset.done @!p0 $0x0  }
0x27d: {  	[sflag:s0] =	ssyncadd.s32 @!p0 s1  }
0x27e: {  	[bflag:$0x3] =	sbarrier.arrive $0xFFFF  }
0x27f: {  	_ =	shalt  }

// kernel: sparse-core-data-format-call.cloned.1.call-start
scs
called_computation_lowered:
.L_overlay_start_0:
0x0: {  	s1 =	sld [smem:$0x3FD9]  }
0x1: {  	s2 =	sld [smem:$0x3FFE];
	_ =	sdelay $0x1  }
0x2: {  	s3 =	srdreg.scid  }
0x3: {  	s0 =	sand.u32 $0x1, s3  }
0x4: {  	s17 =	sshll.u32 s0, $0xA;
	s1 =	sadd.s32 s2, s1  }
0x5: {  	s1 =	sadd.s32 s1, s17  }
0x6: {  	[smem:$0x3FC3] =	sst s1  }
0x7: {  	_ = 	snop  }
0x8: {  	(tm) =	ssettm $0x1  }
0x9: {  	s18 =	sld [smem:$0x3FFB];
	_ =	sdelay $0x3  }
0xa: {  	_ =	strace s18  }
0xb: {  	s1 =	sld [smem:$0x3FFC];
	_ =	sdelay $0x3  }
0xc: {  	_ =	strace s1  }
0xd: {  	s1 =	sld [smem:$0x3FFD];
	_ =	sdelay $0x3  }
0xe: {  	_ =	strace s1  }
0xf: {  	_ =	strace $0x8FFFFFFF  }
0x10: {  	s19 =	sld [smem:$0x3FDB];
	_ =	sdelay $0x1  }
0x11: {  	s20 =	simm.s32 $_scs_section_size  }
0x12: {  	s4 =	simm.s32 $_size__tile_overlayer_lowered;
	s5 =	simm.s32 $_tile_overlayer_lowered  }
0x13: {  	s23 =	simm.s32 $0x1BFF;
	s22 =	sshll.u32 s5, $0x1;
	s1 =	sadd.s32 s20, s19  }
0x14: {  	s6 =	simm.s32 $0x0;
	s21 =	sshll.u32 s4, $0x1;
	s4 =	sadd.s32 s22, s1  }
0x15: {  	[timem:s6], [sflag:s23] =	dma.local [hbm:s4], s21  }
0x16: {  	_ =	swait.ge [sflag:s23], s21  }
0x17: {  	s2 =	ssub.s32 $0x0, s21;
	[sflag:s23] =	ssyncset.done $0x0  }
0x18: {  	[sflag:s23] =	ssyncadd.s32 s2;
	_ =	sdelay $0x1  }
0x19: {  	s24 =	simm.s32 $0x1B8B  }
0x1a: {  	_ =	swait.ge [sflag:s24], $0x1  }
0x1b: {  	[sflag:s24] =	ssyncset.done $0x0  }
0x1c: {  	s26 =	simm.s32 $0x1B8E;
	s25 =	sld [smem:$0x3FFE];
	[sflag:s24] =	ssyncadd.s32 $0xFFFFFFFF  }
0x1d: {  	s27 =	simm.s32 $execute0_lowered;
	[smem:$0x3FD2] =	sst s26  }
0x1e: {  	s4 =	sshll.u32 s27, $0x1;
	_ =	strace $0x80000046;
	[dreg:$0x1] =	wrdreg $0xFFFFFFFF  }
0x1f: {  	s28 =	simm.s32 $_size_execute0_lowered;
	s1 =	sadd.s32 s1, s4;
	[dreg:$0x0] =	wrdreg $0x0  }
0x20: {  	s4 =	sshll.u32 s28, $0x1;
	[dreg:$0x2] =	wrdreg s1  }
0x21: {  	[dreg:$0x3] =	wrdreg s4  }
0x22: {  	[dreg:$0x4] =	wrdreg $0xC0  }
0x23: {  	_ =	task [dreg:s6], $0x5FFFF  }
0x24: {  	[dreg:$0x1] =	wrdreg $0xFFFFFFFF  }
0x25: {  	[dreg:$0x0] =	wrdreg $0x60  }
0x26: {  	[dreg:$0x2] =	wrdreg s25  }
0x27: {  	[dreg:$0x3] =	wrdreg $0x9  }
0x28: {  	_ =	task.clear_ibuf [dreg:s6], $0x4FFFF;
	_ =	strace $0x90000046  }
0x29: {  	s29 =	simm.s32 $0x9;
	_ =	strace $0x80000048  }
0x2a: {  	_ =	swait.ge [sflag:s29], $0x1  }
0x2b: {  	[sflag:s29] =	ssyncadd.s32 $0xFFFFFFFF  }
0x2c: {  	_ =	strace $0x90000048  }
0x2d: {  	_ =	sfence  }
0x2e: {  	s30 =	sld [smem:$0x0];
	_ =	sdelay $0x2  }
0x2f: {  	s31 =	sshll.u32 s3, $0xD;
	s3 =	sshrl.u32 s3, $0x2  }
0x30: {  	s2 =	sand.u32 $0x4000, s31;
	s1 =	sadd.s32 s3, s30  }
0x31: {  	s0 =	sor.u32 s2, s0;
	s1 =	sshll.u32 s1, $0x11  }
0x32: {  	s0 =	sor.u32 s1, s0  }
0x33: {  	s0 =	sadd.s32 $0x8F2B, s0  }
0x34: {  	[sflag:s0] =	ssyncadd.remote.s32 $0x1  }
0x35: {  	_ =	sfence.sel $0xFFFF  }
0x36: {  	[dreg:$0x0] =	wrdreg $0xFFFFFFFF;
	(pc) =	sbr.abs _section_cstart, $3  }
0x37: {  	[dreg:$0x1] =	wrdreg $0xFFFFFFFF  }
0x38: {  	_ =	task.clear_ibuf [dreg:s6], $0x2FFFF;
	_ =	strace $0x9FFFFFFF  }
0x39: {  	(tm) =	ssettm $0x7FFFFFFF  }
tec
execute0_lowered:
.L_overlay_start_1:
0x0: {  	(tag) =	ssettag $0x1  }
0x1: {  	s1 =	rddreg [dreg:$0x0]  }
0x2: {  	s0 =	rddreg [dreg:$0x1];
	s2 =	srdreg.scid;
	_ =	strace $0x80000047  }
0x3: {  	s5 =	simm.s32 $0x1;
	s8 =	simm.s32 $0x2;
	s14 =	simm.s32 $0x0  }
0x4: {  	p0 =	por $0x0, $0x0;
	s15 =	simm.s32 $0x0;
	s17 =	simm.s32 $0x0  }
0x5: {  	s16 =	simm.s32 $0x0;
	s10 =	simm.s32 $0x0;
	s11 =	simm.s32 $0x0  }
0x6: {  	s13 =	stileid.u32;
	s2 =	sand.u32 $0x1, s2;
	s3 =	sadd.s32 $0x1E00, s1  }
.Ltmp0:
0x7: {  	s4 =	sadd.s32 $0x101E00, s1;
	s6 =	ssub.s32 $0x8, s2;
	(pc) =	sbr.rel .LBB1_1-.Ltmp0, $4  }
0x8: {  	s1 =	stileid.u32;
	[sflag:s5] =	ssyncpa.u1 $0x0;
	s7 =	sshrl.u32 s6, $0x1  }
0x9: {  	[sflag:s8] =	ssyncpa.u1 $0x0;
	s8 =	simm.s32 $0x1000;
	s9 =	sadd.s32 s2, s7  }
0xa: {  	s12 =	smov.u32 s2;
	s6 =	ssub.s32 s6, s7;
	s31 =	sshll.u32 s9, $0x2  }
0xb: {  	s6 =	sshll.u32 s6, $0x2;
	s9 =	simm.s32 $0x0;
	s7 =	ssub.s32 $0x22, s31  }
.LBB1_4:
0xc: {  	_ =	sdelay $0x3  }
0xd: {  	[tilespmem:v0+s20+$0xFFFFFFA0 ss:$0x1] =	vst.idx.msk $0xffff, v6  }
0xe: {  	v56 =	vld.idx.msk [tilespmem:v1+s19+$0x30 ss:$0x1], $0xffff;
	[tilespmem:v0+s20+$0xFFFFFFB0 ss:$0x1] =	vst.idx.msk $0xffff, v4  }
0xf: {  	v57 =	vld.idx.msk [tilespmem:v1+s19+$0xFFFFFFC0 ss:$0x1], $0xffff;
	[tilespmem:v0+s20+$0xFFFFFFC0 ss:$0x1] =	vst.idx.msk $0xffff, v2  }
0x10: {  	v58 =	vld.idx.msk [tilespmem:v1+s19+$0xFFFFFFD0 ss:$0x1], $0xffff;
	[tilespmem:v0+s20+$0xFFFFFFD0 ss:$0x1] =	vst.idx.msk $0xffff, v3  }
0x11: {  	v59 =	vld.idx.msk [tilespmem:v1+s19+$0xFFFFFFE0 ss:$0x1], $0xffff;
	[tilespmem:v0+s20+$0xFFFFFFE0 ss:$0x1] =	vst.idx.msk $0xffff, v5  }
0x12: {  	v60 =	vld.idx.msk [tilespmem:v1+s19+$0xFFFFFFF0 ss:$0x1], $0xffff;
	[tilespmem:v0+s20+$0xFFFFFFF0 ss:$0x1] =	vst.idx.msk $0xffff, v7  }
0x13: {  	v61 =	vld.idx.msk [tilespmem:v1+s19+$0x0 ss:$0x1], $0xffff;
	[tilespmem:v0+s19+$0x0 ss:$0x1] =	vst.idx.msk $0xffff, v56  }
0x14: {  	v62 =	vld.idx.msk [tilespmem:v1+s19+$0x10 ss:$0x1], $0xffff;
	[tilespmem:v0+s19+$0xFFFFFF90 ss:$0x1] =	vst.idx.msk $0xffff, v57  }
0x15: {  	s17 =	sshll.u32 s17, $0x7;
	v63 =	vld.idx.msk [tilespmem:v1+s19+$0x20 ss:$0x1], $0xffff;
	s29 =	sand.u32 $0x78, s14;
	[tilespmem:v0+s19+$0xFFFFFFA0 ss:$0x1] =	vst.idx.msk $0xffff, v58  }
0x16: {  	s30 =	sshll.u32 s14, $0x3;
	s16 =	sshll.u32 s16, $0x10;
	s17 =	sand.u32 $0x380, s17;
	[tilespmem:v0+s19+$0xFFFFFFB0 ss:$0x1] =	vst.idx.msk $0xffff, v59  }
0x17: {  	s15 =	sshll.u32 s15, $0x9;
	s20 =	sand.u32 $0xC00, s30;
	s17 =	sor.u32 s29, s17;
	[tilespmem:v0+s19+$0xFFFFFFC0 ss:$0x1] =	vst.idx.msk $0xffff, v60  }
0x18: {  	s31 =	sand.u32 $0x7, s14;
	s16 =	sadd.s32 s4, s16;
	s17 =	sor.u32 s20, s17;
	[tilespmem:v0+s19+$0xFFFFFFD0 ss:$0x1] =	vst.idx.msk $0xffff, v61  }
0x19: {  	s14 =	sshll.u32 s31, $0x12;
	s15 =	sadd.s32 s15, s16;
	s17 =	sshrl.u32 s17, $0x3;
	[tilespmem:v0+s19+$0xFFFFFFE0 ss:$0x1] =	vst.idx.msk $0xffff, v62  }
0x1a: {  	s14 =	sor.u32 $0x80, s14;
	[tilespmem:v0+s19+$0xFFFFFFF0 ss:$0x1] =	vst.idx.msk $0xffff, v63;
	s15 =	sadd.s32 s17, s15  }
0x1b: {  	[hbm4b:s15+s14] =	stream.strided.scatter [tilespmem:s18], [sflag:$0x2], $0x4000, s8, s14, $0x38;
	[tilespmem:$0x10000] =	vst v63  }
.LBB1_5:
0x1c: {  	s18 =	sadd.s32 $0x80, s10  }
0x1d: {  	s14 =	sadd.s32 $0x80, s11;
	s19 =	smov.u32 s11;
	p2 =	sgt.s32 s18, $0x1FF  }
0x1e: {  	s19 =	smov.u32 @p2 s14  }
0x1f: {  	s20 =	smov.u32 s12;
	s14 =	sadd.s32 $0x2, s12;
	p3 =	sgt.s32 s19, $0x7F  }
0x20: {  	s20 =	smov.u32 @p3 s14  }
0x21: {  	s21 =	smov.u32 s13;
	s14 =	sadd.s32 $0x10, s13;
	p4 =	sgt.s32 s20, $0x7  }
0x22: {  	p1 =	slt.u32 s9, $0x2;
	s21 =	smov.u32 @p4 s14  }
0x23: {  	s9 =	sadd.s32 $0x1, s9;
	s18 =	simm.s32 @p2 $0x0;
	p2 =	sgt.s32 s21, $0xF  }
0x24: {  	s22 =	simm.s32 @!p1 $0x2;
	s21 =	smov.u32 @p2 s1;
	p2 =	sne.s32 s9, s7  }
.Ltmp1:
0x25: {  	s15 =	smov.u32 s11;
	_ =	swait.ge @!p1 [sflag:s22], $0x4000;
	(pc) =	sbr.rel @!p2 .LBB1_6-.Ltmp1, $4  }
0x26: {  	s17 =	smov.u32 s12;
	s16 =	smov.u32 s13;
	[sflag:s22] =	ssyncset.done @!p1 $0x0  }
0x27: {  	p0 =	por !p0, !p0;
	s19 =	simm.s32 @p3 $0x0;
	[sflag:s22] =	ssyncadd.s32 @!p1 $0xFFFFC000  }
0x28: {  	s11 =	smov.u32 s19;
	s20 =	smov.u32 @p4 s2;
	s14 =	smov.u32 s10  }
0x29: {  	s10 =	smov.u32 s18;
	s12 =	smov.u32 s20;
	s13 =	smov.u32 s21  }
.LBB1_1:
0x2a: {  	p1 =	sge.u32 s9, s6;
	s31 =	sadd.s32 $0xFFFFFFFF, s9  }
0x2b: {  	s18 =	sxor.u32 @!p1 $0xFFFFFFFF, s9;
	s19 =	sand.u32 @!p1 $0x78, s10;
	s20 =	sshll.u32 @!p1 s11, $0x9  }
0x2c: {  	s21 =	sshll.u32 @!p1 s10, $0x3;
	s22 =	sshll.u32 @!p1 s11, $0x7;
	s18 =	sshll.u32 @!p1 s18, $0xE  }
0x2d: {  	s20 =	sand.u32 @!p1 $0xF000, s20;
	s21 =	sand.u32 @!p1 $0xFC00, s21;
	s18 =	sand.u32 @!p1 $0x4000, s18  }
0x2e: {  	s20 =	sadd.s32 @!p1 s20, s21;
	s21 =	sand.u32 @!p1 $0x200, s22;
	s22 =	sand.u32 @!p1 $0x180, s22  }
0x2f: {  	s20 =	sor.u32 @!p1 s21, s20;
	s19 =	sor.u32 @!p1 s19, s22;
	s21 =	sshll.u32 @!p1 s13, $0x10  }
0x30: {  	s22 =	sshll.u32 @!p1 s12, $0xD;
	s20 =	sshrl.u32 @!p1 s20, $0x3;
	s21 =	sadd.s32 @!p1 s3, s21  }
0x31: {  	s19 =	sshrl.u32 @!p1 s19, $0x3;
	s21 =	sadd.s32 @!p1 s22, s21;
	s22 =	sand.u32 @!p1 $0x7, s10  }
0x32: {  	s20 =	sand.u32 @!p1 $0x1FC0, s20;
	s19 =	sadd.s32 @!p1 s19, s21;
	s21 =	sshll.u32 @!p1 s22, $0x12  }
0x33: {  	s19 =	sadd.s32 @!p1 s20, s19;
	s20 =	sor.u32 @!p1 $0x400, s21;
	s21 =	simm.s32 @!p1 $0x1000  }
0x34: {  	[tilespmem:s18], [sflag:$0x1] =	stream.strided.gather @!p1 [hbm4b:s19+s20], $0x4000, s21, s20, $0x38;
	[tilespmem:$0x10000] =	vst v63  }
0x35: {  	p1 =	sge.u32 s31, s6  }
.Ltmp2:
0x36: {  	_ = 	snop;
	(pc) =	sbr.rel @p1 .LBB1_5-.Ltmp2, $1  }
0x37: {  	_ =	sdelay $0x3  }
0x38: {  	s18 =	simm.s32 $0x1  }
0x39: {  	s18 =	simm.s32 @!p0 $0x0  }
0x3a: {  	s18 =	sshll.u32 s18, $0xE  }
0x3b: {  	s19 =	sor.u32 $0x40, s18  }
0x3c: {  	v1 =	vmov s19;
	_ =	sdelay $0x1  }
0x3d: {  	_ =	swait.ge [sflag:s5], $0x4000  }
0x3e: {  	[sflag:s5] =	ssyncset.done $0x0  }
0x3f: {  	s20 =	simm.s32 $0x0;
	[sflag:s5] =	ssyncadd.s32 $0xFFFFC000  }
0x40: {  	s18 =	sor.u32 $0x8070, s18;
	v7 =	vld.idx.msk [tilespmem:v1+s20+$0x30 ss:$0x1], $0xffff  }
0x41: {  	v0 =	vmov s18;
	v8 =	vld.idx.msk [tilespmem:v1+s20+$0xFFFFFFC0 ss:$0x1], $0xffff  }
0x42: {  	v6 =	vld.idx.msk [tilespmem:v1+s20+$0xFFFFFFD0 ss:$0x1], $0xffff  }
0x43: {  	v4 =	vld.idx.msk [tilespmem:v1+s20+$0xFFFFFFE0 ss:$0x1], $0xffff  }
0x44: {  	v2 =	vld.idx.msk [tilespmem:v1+s20+$0xFFFFFFF0 ss:$0x1], $0xffff  }
0x45: {  	s31 =	sshll.u32 s9, $0xE;
	v3 =	vld.idx.msk [tilespmem:v1+s20+$0x0 ss:$0x1], $0xffff  }
0x46: {  	s18 =	sand.u32 $0x4000, s31;
	v5 =	vld.idx.msk [tilespmem:v1+s20+$0x10 ss:$0x1], $0xffff;
	[tilespmem:v0+s20+$0x0 ss:$0x1] =	vst.idx.msk $0xffff, v7  }
0x47: {  	s21 =	simm.s32 $0x400;
	s19 =	simm.s32 $0x80;
	s18 =	sor.u32 $0x8000, s18;
	[tilespmem:v0+s20+$0xFFFFFF90 ss:$0x1] =	vst.idx.msk $0xffff, v8;
	v7 =	vld.idx.msk [tilespmem:v1+s20+$0x20 ss:$0x1], $0xffff  }
.LBB1_3:
0x48: {  	p1 =	sne.s32 s21, $0xFE00;
	v8 =	vld.idx.msk [tilespmem:v1+s19+$0x30 ss:$0x1], $0xffff;
	[tilespmem:v0+s20+$0xFFFFFFA0 ss:$0x1] =	vst.idx.msk $0xffff, v6  }
0x49: {  	v9 =	vld.idx.msk [tilespmem:v1+s19+$0xFFFFFFC0 ss:$0x1], $0xffff;
	[tilespmem:v0+s20+$0xFFFFFFB0 ss:$0x1] =	vst.idx.msk $0xffff, v4  }
0x4a: {  	v6 =	vld.idx.msk [tilespmem:v1+s19+$0xFFFFFFD0 ss:$0x1], $0xffff;
	[tilespmem:v0+s20+$0xFFFFFFC0 ss:$0x1] =	vst.idx.msk $0xffff, v2  }
.Ltmp3:
0x4b: {  	v4 =	vld.idx.msk [tilespmem:v1+s19+$0xFFFFFFE0 ss:$0x1], $0xffff;
	[tilespmem:v0+s20+$0xFFFFFFD0 ss:$0x1] =	vst.idx.msk $0xffff, v3;
	(pc) =	sbr.rel @p1 .LBB1_3-.Ltmp3, $4  }
0x4c: {  	v2 =	vld.idx.msk [tilespmem:v1+s19+$0xFFFFFFF0 ss:$0x1], $0xffff;
	[tilespmem:v0+s20+$0xFFFFFFE0 ss:$0x1] =	vst.idx.msk $0xffff, v5  }
0x4d: {  	v3 =	vld.idx.msk [tilespmem:v1+s19+$0x0 ss:$0x1], $0xffff;
	[tilespmem:v0+s20+$0xFFFFFFF0 ss:$0x1] =	vst.idx.msk $0xffff, v7;
	s20 =	smov.u32 s19  }
0x4e: {  	v5 =	vld.idx.msk [tilespmem:v1+s20+$0x10 ss:$0x1], $0xffff;
	[tilespmem:v0+s20+$0x0 ss:$0x1] =	vst.idx.msk $0xffff, v8  }
0x4f: {  	s19 =	sshra.s32 s21, $0x2;
	s21 =	sadd.s32 $0x200, s21;
	[tilespmem:v0+s20+$0xFFFFFF90 ss:$0x1] =	vst.idx.msk $0xffff, v9;
	v7 =	vld.idx.msk [tilespmem:v1+s20+$0x20 ss:$0x1], $0xffff  }
.Ltmp4:
0x50: {  	_ = 	snop;
	(pc) =	sbr.rel .LBB1_4-.Ltmp4, $1  }
0x51: {  	_ =	sdelay $0x3  }
.LBB1_6:
0x52: {  	_ =	sfence.sel $0x180000  }
0x53: {  	s2 =	simm.s32 $0x1;
	[bflag:$0x0] =	sbarrier.arrive $0xFFFF  }
0x54: {  	s31 =	simm.s32 $0x2;
	[sflag:s2] =	ssyncpa.u1 $0x1  }
0x55: {  	[sflag:s31] =	ssyncpa.u1 $0x1  }
0x56: {  	p0 =	sne.s32 s1, $0x0;
	_ =	strace $0x90000047  }
0x57: {  	s0 =	sadd.s32 @!p0 $0x100000, s0;
	[bflag:$0x2] =	sbarrier.arrive $0xFFFF  }
0x58: {  	[sflag:s0] =	ssyncadd.tile.s32 @!p0 $0x1;
	_ =	shalt  }
.Lfunc_end1:
_tile_overlayer_lowered:
.L_overlay_start_2:
0x59: {  	(tag) =	ssettag $0x2  }
0x5a: {  	s0 =	rddreg [dreg:$0x0];
	s2 =	stileid.u32  }
0x5b: {  	s1 =	rddreg [dreg:$0x1];
	p0 =	sne.s32 s2, $0x0  }
0x5c: {  	s3 =	rddreg [dreg:$0x2];
	[bflag:$0x3] =	sbarrier.arrive $0xFFFF;
	s2 =	simm.s32 @!p0 $0x1C01  }
0x5d: {  	[timem:s3], [sflag:s2] =	dma.local @!p0 [hbm:s0], s1  }
0x5e: {  	s0 =	simm.s32 @!p0 $0x1  }
0x5f: {  	_ =	swait.ge @!p0 [sflag:s0], s1  }
0x60: {  	s1 =	ssub.s32 @!p0 $0x0, s1;
	[sflag:s0] =	ssyncset.done @!p0 $0x0  }
0x61: {  	[sflag:s0] =	ssyncadd.s32 @!p0 s1  }
0x62: {  	[bflag:$0x3] =	sbarrier.arrive $0xFFFF  }
0x63: {  	_ =	shalt  }

</sc_bundles>
